<compile_context>
chip_gen: v7x
topology: tpu7x:2x2x1
jax: 0.10.2.dev20260603
libtpu: 0.0.44.dev20260713+nightly
codegen_flags: <defaults>
</compile_context>

<pallas_src>
import functools
import numpy as np
import jax
import jax.numpy as jnp
from jax import lax
from jax.experimental import pallas as pl
from jax.experimental.pallas import tpu as pltpu
from jax.experimental.pallas import tpu_sc as plsc

_C = 26
_D = 32
_B = 16384
_CARD = 100000
_NW = 32
_TOTAL = _B * _C
_PER_W = _TOTAL // _NW
_CHUNK = 832
_NCHUNK = _PER_W // _CHUNK
_L = 16

_NROWS = _C * _CARD + 1
_BJ = 2048
_STRIPE = 651264
_GRID = _STRIPE // _BJ
_MAXBLK = (_NROWS - 1) // _BJ
_ROWS_PAD = 4 * _STRIPE

_OFF_EXP = np.asarray(
    [(p % _C) * _CARD for p in range(208)], dtype=np.int32)


def _body(x_ref, tab_ref, bias_ref, off_ref, out_ref,
          idx_v, off_v, bias_v, rows0, rows1,
          gsem0, gsem1, osem0, osem1):
  cid = lax.axis_index("c")
  sid = lax.axis_index("s")
  wid = sid * 2 + cid
  base = wid * _PER_W

  pltpu.sync_copy(x_ref.at[pl.ds(base, _PER_W)], idx_v)
  pltpu.sync_copy(bias_ref, bias_v)
  pltpu.sync_copy(off_ref, off_v)

  def offs_body(k, carry):
    s = k * _L
    o = off_v[pl.ds(lax.rem(k, 13) * _L, _L)]
    r = idx_v[pl.ds(s, _L)] + o
    q = lax.div(r, _STRIPE)
    idx_v[pl.ds(s, _L)] = 4 * r - q * (4 * _STRIPE - 1)
    return carry
  lax.fori_loop(0, _PER_W // _L, offs_body, 0)

  rows_bufs = (rows0, rows1)
  gsems = (gsem0, gsem1)
  osems = (osem0, osem1)
  ghandles = [None, None]
  ohandles = [None, None]

  def start_gather(g):
    cur = g % 2
    ghandles[cur] = pltpu.async_copy(
        tab_ref.at[idx_v.at[pl.ds(g * _CHUNK, _CHUNK)]],
        rows_bufs[cur], gsems[cur])

  def bias_add(rv):
    def c_body(c, carry):
      b0 = bias_v[c, pl.ds(0, _L)]
      b1 = bias_v[c, pl.ds(_L, _L)]
      def m_body(m, carry2):
        r = m * _C + c
        rv[r, pl.ds(0, _L)] = rv[r, pl.ds(0, _L)] + b0
        rv[r, pl.ds(_L, _L)] = rv[r, pl.ds(_L, _L)] + b1
        return carry2
      return lax.fori_loop(0, _CHUNK // _C, m_body, carry)
    lax.fori_loop(0, _C, c_body, 0)

  start_gather(0)
  for g in range(_NCHUNK):
    cur = g % 2
    nxt = 1 - cur
    if g + 1 < _NCHUNK:
      if ohandles[nxt] is not None:
        ohandles[nxt].wait()
        ohandles[nxt] = None
      start_gather(g + 1)
    ghandles[cur].wait()
    bias_add(rows_bufs[cur])
    ohandles[cur] = pltpu.async_copy(
        rows_bufs[cur],
        out_ref.at[pl.ds(base + g * _CHUNK, _CHUNK)],
        osems[cur])
  for h in ohandles:
    if h is not None:
      h.wait()


@functools.partial(
    pl.kernel,
    out_type=jax.ShapeDtypeStruct((_TOTAL, _D), jnp.float32),
    mesh=plsc.VectorSubcoreMesh(core_axis_name="c", subcore_axis_name="s"),
    compiler_params=pltpu.CompilerParams(use_tc_tiling_on_sc=False),
    scratch_types=[
        pltpu.VMEM((_PER_W,), jnp.int32),
        pltpu.VMEM((len(_OFF_EXP),), jnp.int32),
        pltpu.VMEM((_C, _D), jnp.float32),
        pltpu.VMEM((_CHUNK, _D), jnp.float32),
        pltpu.VMEM((_CHUNK, _D), jnp.float32),
        pltpu.SemaphoreType.DMA,
        pltpu.SemaphoreType.DMA,
        pltpu.SemaphoreType.DMA,
        pltpu.SemaphoreType.DMA,
    ],
)
def _sc_lookup(x_ref, tab_ref, bias_ref, off_ref, out_ref, *scratch):
  _body(x_ref, tab_ref, bias_ref, off_ref, out_ref, *scratch)


def _convert_body(x0, x1, x2, x3, i_ref, o_ref):
  x = jnp.concatenate([r[...] for r in (x0, x1, x2, x3)], axis=0)
  o_ref[...] = jax.lax.dot_general(
      x, i_ref[...], (((0,), (0,)), ((), ())),
      preferred_element_type=jnp.float32,
      precision=jax.lax.Precision.HIGHEST)


def _tc_convert(tab_t, eye):
  return pl.pallas_call(
      _convert_body,
      grid=(_GRID,),
      in_specs=[
          pl.BlockSpec(
              (_D, _BJ),
              (lambda g, k=k: (0, jnp.minimum(k * _GRID + g, _MAXBLK))))
          for k in range(4)
      ] + [pl.BlockSpec((4 * _D, 4 * _D), lambda g: (0, 0))],
      out_specs=pl.BlockSpec((_BJ, 4 * _D), lambda g: (g, 0)),
      out_shape=jax.ShapeDtypeStruct((_STRIPE, 4 * _D), jnp.float32),
  )(tab_t, tab_t, tab_t, tab_t, eye)


def kernel(x_cat, table, bias):
  x_flat = x_cat.astype(jnp.int32).reshape(-1)
  tab_t = jnp.transpose(table)
  conv = _tc_convert(tab_t, jnp.eye(4 * _D, dtype=jnp.float32))
  table_lin = conv.reshape(-1).reshape(_ROWS_PAD, _D)
  out = _sc_lookup(x_flat, table_lin, bias, jnp.asarray(_OFF_EXP))
  return out.reshape(_B, _C, _D)

# --- scband reference (transcript-rebuilt; emitter-appended) ---
"""Pipeline reference for scband-tokenizer-37503654429146 (READ-ONLY COPY).

The authoritative reference and input builder live on the scoring server;
editing this copy changes nothing except your own understanding.
"""

import jax, jax.numpy as jnp
import numpy as np

CATEGORIES = [100000] * 26
D_TOKEN = 32
BATCH = 16384


def setup_inputs(seed: int = 0) -> dict:
    key = jax.random.key(seed)
    k1, k2, k3 = jax.random.split(key, 3)
    x_cat = jax.random.randint(k1, (BATCH, len(CATEGORIES)), 0, CATEGORIES[0], dtype=jnp.int32)
    n_rows = sum(CATEGORIES) + 1
    # kaiming_uniform_(a=sqrt(5)) on (n_rows, D_TOKEN): fan_in = D_TOKEN,
    # gain = sqrt(2/(1+5)) = 1/sqrt(3), bound = gain*sqrt(3/fan_in) = 1/sqrt(fan_in)
    bound = 1.0 / np.sqrt(D_TOKEN)
    table = jax.random.uniform(k2, (n_rows, D_TOKEN), minval=-bound, maxval=bound, dtype=jnp.float32)
    bias = jax.random.uniform(k3, (len(CATEGORIES), D_TOKEN), minval=-bound, maxval=bound, dtype=jnp.float32)
    return {"x_cat": x_cat, "table": table, "bias": bias}


def reference(x_cat, table, bias):
    offsets = jnp.asarray(np.concatenate([[0], np.cumsum(CATEGORIES[:-1])]), dtype=jnp.int32)
    idx = x_cat.astype(jnp.int32) + offsets[None]
    emb = jnp.take(table, idx, axis=0)
    emb = emb + bias[None]
    return emb.reshape(emb.shape[0], emb.shape[1], -1)

if __name__ == "__main__":
    import jax
    _d = setup_inputs()
    print(jax.jit(kernel)(*tuple(_d.values())))

</pallas_src>

<mosaic_0001>
#map = affine_map<(d0, d1) -> (0)>
#map1 = affine_map<(d0, d1) -> (0, 0)>
module attributes {stable_mosaic.version = 14 : i64} {
  func.func @_sc_lookup(%arg0: i32, %arg1: i32, %arg2: memref<425984xi32, #tpu.memory_space<hbm>>, %arg3: memref<2605056x32xf32, #tpu.memory_space<hbm>>, %arg4: memref<26x32xf32, #tpu.memory_space<hbm>>, %arg5: memref<208xi32, #tpu.memory_space<hbm>>, %arg6: memref<425984x32xf32, #tpu.memory_space<hbm>>, %arg7: memref<13312xi32, #tpu.memory_space<vmem>>, %arg8: memref<208xi32, #tpu.memory_space<vmem>>, %arg9: memref<26x32xf32, #tpu.memory_space<vmem>>, %arg10: memref<832x32xf32, #tpu.memory_space<vmem>>, %arg11: memref<832x32xf32, #tpu.memory_space<vmem>>, %arg12: memref<!tpu.dma_semaphore, #tpu.memory_space<semaphore_mem>>, %arg13: memref<!tpu.dma_semaphore, #tpu.memory_space<semaphore_mem>>, %arg14: memref<!tpu.dma_semaphore, #tpu.memory_space<semaphore_mem>>, %arg15: memref<!tpu.dma_semaphore, #tpu.memory_space<semaphore_mem>>) attributes {dimension_semantics = [#tpu.dimension_semantics<core_parallel>, #tpu.dimension_semantics<subcore_parallel>], iteration_bounds = array<i64: 2, 16>, scalar_prefetch = 0 : i64, scratch_operands = 9 : i64, tpu.core_type = #tpu.core_type<sc_vector_subcore>, window_params = [{transform_indices = #map}, {transform_indices = #map1}, {transform_indices = #map1}, {transform_indices = #map}, {transform_indices = #map1}]} {
    %mul3A = arith.constant 2 : i32
    %mul3A_0 = arith.muli %arg1, %mul3A : i32
    %add3A = arith.addi %mul3A_0, %arg0 : i32
    %mul3A_1 = arith.constant 13312 : i32
    %mul3A_2 = arith.muli %add3A, %mul3A_1 : i32
    "tpu.region"() ({
      %run_scoped3A = tpu.sem_alloc : memref<!tpu.dma_semaphore, #tpu.memory_space<semaphore_mem>>
      %dma_start3A_422 = tpu.memref_slice %arg2[%mul3A_2] : memref<425984xi32, #tpu.memory_space<hbm>> -> memref<13312xi32, #tpu.memory_space<hbm>>
      %dma_start3A_423 = tpu.memref_slice %arg2[%mul3A_2] : memref<425984xi32, #tpu.memory_space<hbm>> -> memref<13312xi32, #tpu.memory_space<hbm>>
      tpu.enqueue_dma source(%dma_start3A_423 : memref<13312xi32, #tpu.memory_space<hbm>>) target(%arg7 : memref<13312xi32, #tpu.memory_space<vmem>>) target_semaphore(%run_scoped3A : memref<!tpu.dma_semaphore, #tpu.memory_space<semaphore_mem>>)
      %dma_wait3A_424 = tpu.memref_slice %arg2[%mul3A_2] : memref<425984xi32, #tpu.memory_space<hbm>> -> memref<13312xi32, #tpu.memory_space<hbm>>
      %dma_wait3A_425 = tpu.memref_slice %arg2[%mul3A_2] : memref<425984xi32, #tpu.memory_space<hbm>> -> memref<13312xi32, #tpu.memory_space<hbm>>
      tpu.wait_dma2 semaphore(%run_scoped3A : memref<!tpu.dma_semaphore, #tpu.memory_space<semaphore_mem>>) src(%dma_wait3A_425 : memref<13312xi32, #tpu.memory_space<hbm>>) dst(%arg7 : memref<13312xi32, #tpu.memory_space<vmem>>)
      tpu.yield
    }) : () -> ()
    "tpu.region"() ({
      %run_scoped3A = tpu.sem_alloc : memref<!tpu.dma_semaphore, #tpu.memory_space<semaphore_mem>>
      tpu.enqueue_dma source(%arg4 : memref<26x32xf32, #tpu.memory_space<hbm>>) target(%arg9 : memref<26x32xf32, #tpu.memory_space<vmem>>) target_semaphore(%run_scoped3A : memref<!tpu.dma_semaphore, #tpu.memory_space<semaphore_mem>>)
      tpu.wait_dma2 semaphore(%run_scoped3A : memref<!tpu.dma_semaphore, #tpu.memory_space<semaphore_mem>>) src(%arg4 : memref<26x32xf32, #tpu.memory_space<hbm>>) dst(%arg9 : memref<26x32xf32, #tpu.memory_space<vmem>>)
      tpu.yield
    }) : () -> ()
    "tpu.region"() ({
      %run_scoped3A = tpu.sem_alloc : memref<!tpu.dma_semaphore, #tpu.memory_space<semaphore_mem>>
      tpu.enqueue_dma source(%arg5 : memref<208xi32, #tpu.memory_space<hbm>>) target(%arg8 : memref<208xi32, #tpu.memory_space<vmem>>) target_semaphore(%run_scoped3A : memref<!tpu.dma_semaphore, #tpu.memory_space<semaphore_mem>>)
      tpu.wait_dma2 semaphore(%run_scoped3A : memref<!tpu.dma_semaphore, #tpu.memory_space<semaphore_mem>>) src(%arg5 : memref<208xi32, #tpu.memory_space<hbm>>) dst(%arg8 : memref<208xi32, #tpu.memory_space<vmem>>)
      tpu.yield
    }) : () -> ()
    %scan3A = arith.constant 0 : i32
    %scan3A_3 = arith.constant 0 : i32
    %scan3A_4 = arith.constant 832 : i32
    %scan3A_5 = arith.addi %scan3A_3, %scan3A_4 : i32
    %scan3A_6 = arith.constant 1 : i32
    scf.for %scan3A_422 = %scan3A_3 to %scan3A_5 step %scan3A_6  : i32 {
      %mul3A_423 = arith.constant 16 : i32
      %mul3A_424 = arith.muli %scan3A_422, %mul3A_423 : i32
      %rem3A = arith.constant 13 : i32
      %rem3A_425 = arith.remsi %scan3A_422, %rem3A : i32
      %mul3A_426 = arith.constant 16 : i32
      %mul3A_427 = arith.muli %rem3A_425, %mul3A_426 : i32
      %get3A = arith.index_cast %mul3A_427 : i32 to index
      %get3A_428 = tpu.vector_load %arg8[%get3A] {strides = array<i32>} : memref<208xi32, #tpu.memory_space<vmem>>, vector<16xi32>,
      %get3A_429 = vector.shape_cast %get3A_428 : vector<16xi32> to vector<16xi32>
      %get3A_430 = arith.index_cast %mul3A_424 : i32 to index
      %get3A_431 = tpu.vector_load %arg7[%get3A_430] {strides = array<i32>} : memref<13312xi32, #tpu.memory_space<vmem>>, vector<16xi32>,
      %get3A_432 = vector.shape_cast %get3A_431 : vector<16xi32> to vector<16xi32>
      %add3A_433 = arith.addi %get3A_432, %get3A_429 : vector<16xi32>
      %div3A = arith.constant 651264 : i32
      %div3A_434 = vector.broadcast %div3A : i32 to vector<16xi32>
      %div3A_435 = arith.divsi %add3A_433, %div3A_434 : vector<16xi32>
      %mul3A_436 = arith.constant 4 : i32
      %mul3A_437 = vector.broadcast %mul3A_436 : i32 to vector<16xi32>
      %mul3A_438 = arith.muli %mul3A_437, %add3A_433 : vector<16xi32>
      %mul3A_439 = arith.constant 2605055 : i32
      %mul3A_440 = vector.broadcast %mul3A_439 : i32 to vector<16xi32>
      %mul3A_441 = arith.muli %div3A_435, %mul3A_440 : vector<16xi32>
      %sub3A = arith.subi %mul3A_438, %mul3A_441 : vector<16xi32>
      %swap3A = arith.index_cast %mul3A_424 : i32 to index
      %swap3A_442 = tpu.vector_load %arg7[%swap3A] {strides = array<i32>} : memref<13312xi32, #tpu.memory_space<vmem>>, vector<16xi32>,
      %swap3A_443 = vector.shape_cast %swap3A_442 : vector<16xi32> to vector<16xi32>
      %swap3A_444 = vector.shape_cast %sub3A : vector<16xi32> to vector<16xi32>
      tpu.vector_store %arg7[%swap3A], %swap3A_444 {strides = array<i32>} : memref<13312xi32, #tpu.memory_space<vmem>>, vector<16xi32>,
    }
    %scan3A_7 = arith.constant 832 : i32
    %dma_start3A = arith.constant 0 : i32
    %dma_start3A_8 = tpu.memref_slice %arg7[%dma_start3A] : memref<13312xi32, #tpu.memory_space<vmem>> -> memref<832xi32, #tpu.memory_space<vmem>>
    %dma_start3A_9 = arith.constant 0 : i32
    %dma_start3A_10 = arith.constant 0 : i32
    %dma_start3A_11 = tpu.memref_slice %arg3[%dma_start3A_9, %dma_start3A_10] : memref<2605056x32xf32, #tpu.memory_space<hbm>> -> memref<2605056x32xf32, #tpu.memory_space<hbm>>
    tpu.enqueue_indirect_dma source(%dma_start3A_11 : memref<2605056x32xf32, #tpu.memory_space<hbm>>) target(%arg10 : memref<832x32xf32, #tpu.memory_space<vmem>>) offsets(%dma_start3A_8 : memref<832xi32, #tpu.memory_space<vmem>>) semaphore(%arg12 : memref<!tpu.dma_semaphore, #tpu.memory_space<semaphore_mem>>)
    %dma_start3A_12 = arith.constant 832 : i32
    %dma_start3A_13 = tpu.memref_slice %arg7[%dma_start3A_12] : memref<13312xi32, #tpu.memory_space<vmem>> -> memref<832xi32, #tpu.memory_space<vmem>>
    %dma_start3A_14 = arith.constant 0 : i32
    %dma_start3A_15 = arith.constant 0 : i32
    %dma_start3A_16 = tpu.memref_slice %arg3[%dma_start3A_14, %dma_start3A_15] : memref<2605056x32xf32, #tpu.memory_space<hbm>> -> memref<2605056x32xf32, #tpu.memory_space<hbm>>
    tpu.enqueue_indirect_dma source(%dma_start3A_16 : memref<2605056x32xf32, #tpu.memory_space<hbm>>) target(%arg11 : memref<832x32xf32, #tpu.memory_space<vmem>>) offsets(%dma_start3A_13 : memref<832xi32, #tpu.memory_space<vmem>>) semaphore(%arg13 : memref<!tpu.dma_semaphore, #tpu.memory_space<semaphore_mem>>)
    %dma_wait3A = arith.constant 0 : i32
    %dma_wait3A_17 = tpu.memref_slice %arg7[%dma_wait3A] : memref<13312xi32, #tpu.memory_space<vmem>> -> memref<832xi32, #tpu.memory_space<vmem>>
    %dma_wait3A_18 = arith.constant 0 : i32
    %dma_wait3A_19 = arith.constant 0 : i32
    %dma_wait3A_20 = tpu.memref_slice %arg3[%dma_wait3A_18, %dma_wait3A_19] : memref<2605056x32xf32, #tpu.memory_space<hbm>> -> memref<2605056x32xf32, #tpu.memory_space<hbm>>
    tpu.wait_indirect_dma semaphore(%arg12 : memref<!tpu.dma_semaphore, #tpu.memory_space<semaphore_mem>>) src(%dma_wait3A_20 : memref<2605056x32xf32, #tpu.memory_space<hbm>>) dst(%arg10 : memref<832x32xf32, #tpu.memory_space<vmem>>)
    %scan3A_21 = arith.constant 0 : i32
    %scan3A_22 = arith.constant 0 : i32
    %scan3A_23 = arith.constant 26 : i32
    %scan3A_24 = arith.addi %scan3A_22, %scan3A_23 : i32
    %scan3A_25 = arith.constant 1 : i32
    scf.for %scan3A_422 = %scan3A_22 to %scan3A_24 step %scan3A_25  : i32 {
      %get3A = arith.index_cast %scan3A_422 : i32 to index
      %get3A_423 = arith.constant 0 : index
      %get3A_424 = tpu.vector_load %arg9[%get3A, %get3A_423] {strides = array<i32>} : memref<26x32xf32, #tpu.memory_space<vmem>>, vector<1x16xf32>,
      %get3A_425 = vector.shape_cast %get3A_424 : vector<1x16xf32> to vector<16xf32>
      %get3A_426 = arith.index_cast %scan3A_422 : i32 to index
      %get3A_427 = arith.constant 16 : index
      %get3A_428 = tpu.vector_load %arg9[%get3A_426, %get3A_427] {strides = array<i32>} : memref<26x32xf32, #tpu.memory_space<vmem>>, vector<1x16xf32>,
      %get3A_429 = vector.shape_cast %get3A_428 : vector<1x16xf32> to vector<16xf32>
      %scan3A_430 = arith.constant 0 : i32
      %scan3A_431 = arith.constant 32 : i32
      %scan3A_432 = arith.addi %scan3A_430, %scan3A_431 : i32
      %scan3A_433 = arith.constant 1 : i32
      scf.for %scan3A_435 = %scan3A_430 to %scan3A_432 step %scan3A_433  : i32 {
        %mul3A_436 = arith.constant 26 : i32
        %mul3A_437 = arith.muli %scan3A_435, %mul3A_436 : i32
        %add3A_438 = arith.addi %mul3A_437, %scan3A_422 : i32
        %get3A_439 = arith.index_cast %add3A_438 : i32 to index
        %get3A_440 = arith.constant 0 : index
        %get3A_441 = tpu.vector_load %arg10[%get3A_439, %get3A_440] {strides = array<i32>} : memref<832x32xf32, #tpu.memory_space<vmem>>, vector<1x16xf32>,
        %get3A_442 = vector.shape_cast %get3A_441 : vector<1x16xf32> to vector<16xf32>
        %add3A_443 = arith.addf %get3A_442, %get3A_425 : vector<16xf32>
        %swap3A = arith.index_cast %add3A_438 : i32 to index
        %swap3A_444 = arith.constant 0 : index
        %swap3A_445 = tpu.vector_load %arg10[%swap3A, %swap3A_444] {strides = array<i32>} : memref<832x32xf32, #tpu.memory_space<vmem>>, vector<1x16xf32>,
        %swap3A_446 = vector.shape_cast %swap3A_445 : vector<1x16xf32> to vector<16xf32>
        %swap3A_447 = vector.shape_cast %add3A_443 : vector<16xf32> to vector<1x16xf32>
        tpu.vector_store %arg10[%swap3A, %swap3A_444], %swap3A_447 {strides = array<i32>} : memref<832x32xf32, #tpu.memory_space<vmem>>, vector<1x16xf32>,
        %get3A_448 = arith.index_cast %add3A_438 : i32 to index
        %get3A_449 = arith.constant 16 : index
        %get3A_450 = tpu.vector_load %arg10[%get3A_448, %get3A_449] {strides = array<i32>} : memref<832x32xf32, #tpu.memory_space<vmem>>, vector<1x16xf32>,
        %get3A_451 = vector.shape_cast %get3A_450 : vector<1x16xf32> to vector<16xf32>
        %add3A_452 = arith.addf %get3A_451, %get3A_429 : vector<16xf32>
        %swap3A_453 = arith.index_cast %add3A_438 : i32 to index
        %swap3A_454 = arith.constant 16 : index
        %swap3A_455 = tpu.vector_load %arg10[%swap3A_453, %swap3A_454] {strides = array<i32>} : memref<832x32xf32, #tpu.memory_space<vmem>>, vector<1x16xf32>,
        %swap3A_456 = vector.shape_cast %swap3A_455 : vector<1x16xf32> to vector<16xf32>
        %swap3A_457 = vector.shape_cast %add3A_452 : vector<16xf32> to vector<1x16xf32>
        tpu.vector_store %arg10[%swap3A_453, %swap3A_454], %swap3A_457 {strides = array<i32>} : memref<832x32xf32, #tpu.memory_space<vmem>>, vector<1x16xf32>,
      }
      %scan3A_434 = arith.constant 32 : i32
    }
    %scan3A_26 = arith.constant 26 : i32
    %add3A_27 = arith.constant 0 : i32
    %add3A_28 = arith.addi %mul3A_2, %add3A_27 : i32
    %dma_start3A_29 = arith.constant 0 : i32
    %dma_start3A_30 = tpu.memref_slice %arg6[%add3A_28, %dma_start3A_29] : memref<425984x32xf32, #tpu.memory_space<hbm>> -> memref<832x32xf32, #tpu.memory_space<hbm>>
    %dma_start3A_31 = arith.constant 0 : i32
    %dma_start3A_32 = tpu.memref_slice %arg6[%add3A_28, %dma_start3A_31] : memref<425984x32xf32, #tpu.memory_space<hbm>> -> memref<832x32xf32, #tpu.memory_space<hbm>>
    tpu.enqueue_dma source(%arg10 : memref<832x32xf32, #tpu.memory_space<vmem>>) target(%dma_start3A_32 : memref<832x32xf32, #tpu.memory_space<hbm>>) target_semaphore(%arg14 : memref<!tpu.dma_semaphore, #tpu.memory_space<semaphore_mem>>)
    %dma_wait3A_33 = arith.constant 0 : i32
    %dma_wait3A_34 = tpu.memref_slice %arg6[%add3A_28, %dma_wait3A_33] : memref<425984x32xf32, #tpu.memory_space<hbm>> -> memref<832x32xf32, #tpu.memory_space<hbm>>
    %dma_wait3A_35 = arith.constant 0 : i32
    %dma_wait3A_36 = tpu.memref_slice %arg6[%add3A_28, %dma_wait3A_35] : memref<425984x32xf32, #tpu.memory_space<hbm>> -> memref<832x32xf32, #tpu.memory_space<hbm>>
    tpu.wait_dma2 semaphore(%arg14 : memref<!tpu.dma_semaphore, #tpu.memory_space<semaphore_mem>>) src(%arg10 : memref<832x32xf32, #tpu.memory_space<vmem>>) dst(%dma_wait3A_36 : memref<832x32xf32, #tpu.memory_space<hbm>>)
    %dma_start3A_37 = arith.constant 1664 : i32
    %dma_start3A_38 = tpu.memref_slice %arg7[%dma_start3A_37] : memref<13312xi32, #tpu.memory_space<vmem>> -> memref<832xi32, #tpu.memory_space<vmem>>
    %dma_start3A_39 = arith.constant 0 : i32
    %dma_start3A_40 = arith.constant 0 : i32
    %dma_start3A_41 = tpu.memref_slice %arg3[%dma_start3A_39, %dma_start3A_40] : memref<2605056x32xf32, #tpu.memory_space<hbm>> -> memref<2605056x32xf32, #tpu.memory_space<hbm>>
    tpu.enqueue_indirect_dma source(%dma_start3A_41 : memref<2605056x32xf32, #tpu.memory_space<hbm>>) target(%arg10 : memref<832x32xf32, #tpu.memory_space<vmem>>) offsets(%dma_start3A_38 : memref<832xi32, #tpu.memory_space<vmem>>) semaphore(%arg12 : memref<!tpu.dma_semaphore, #tpu.memory_space<semaphore_mem>>)
    %dma_wait3A_42 = arith.constant 832 : i32
    %dma_wait3A_43 = tpu.memref_slice %arg7[%dma_wait3A_42] : memref<13312xi32, #tpu.memory_space<vmem>> -> memref<832xi32, #tpu.memory_space<vmem>>
    %dma_wait3A_44 = arith.constant 0 : i32
    %dma_wait3A_45 = arith.constant 0 : i32
    %dma_wait3A_46 = tpu.memref_slice %arg3[%dma_wait3A_44, %dma_wait3A_45] : memref<2605056x32xf32, #tpu.memory_space<hbm>> -> memref<2605056x32xf32, #tpu.memory_space<hbm>>
    tpu.wait_indirect_dma semaphore(%arg13 : memref<!tpu.dma_semaphore, #tpu.memory_space<semaphore_mem>>) src(%dma_wait3A_46 : memref<2605056x32xf32, #tpu.memory_space<hbm>>) dst(%arg11 : memref<832x32xf32, #tpu.memory_space<vmem>>)
    %scan3A_47 = arith.constant 0 : i32
    %scan3A_48 = arith.constant 0 : i32
    %scan3A_49 = arith.constant 26 : i32
    %scan3A_50 = arith.addi %scan3A_48, %scan3A_49 : i32
    %scan3A_51 = arith.constant 1 : i32
    scf.for %scan3A_422 = %scan3A_48 to %scan3A_50 step %scan3A_51  : i32 {
      %get3A = arith.index_cast %scan3A_422 : i32 to index
      %get3A_423 = arith.constant 0 : index
      %get3A_424 = tpu.vector_load %arg9[%get3A, %get3A_423] {strides = array<i32>} : memref<26x32xf32, #tpu.memory_space<vmem>>, vector<1x16xf32>,
      %get3A_425 = vector.shape_cast %get3A_424 : vector<1x16xf32> to vector<16xf32>
      %get3A_426 = arith.index_cast %scan3A_422 : i32 to index
      %get3A_427 = arith.constant 16 : index
      %get3A_428 = tpu.vector_load %arg9[%get3A_426, %get3A_427] {strides = array<i32>} : memref<26x32xf32, #tpu.memory_space<vmem>>, vector<1x16xf32>,
      %get3A_429 = vector.shape_cast %get3A_428 : vector<1x16xf32> to vector<16xf32>
      %scan3A_430 = arith.constant 0 : i32
      %scan3A_431 = arith.constant 32 : i32
      %scan3A_432 = arith.addi %scan3A_430, %scan3A_431 : i32
      %scan3A_433 = arith.constant 1 : i32
      scf.for %scan3A_435 = %scan3A_430 to %scan3A_432 step %scan3A_433  : i32 {
        %mul3A_436 = arith.constant 26 : i32
        %mul3A_437 = arith.muli %scan3A_435, %mul3A_436 : i32
        %add3A_438 = arith.addi %mul3A_437, %scan3A_422 : i32
        %get3A_439 = arith.index_cast %add3A_438 : i32 to index
        %get3A_440 = arith.constant 0 : index
        %get3A_441 = tpu.vector_load %arg11[%get3A_439, %get3A_440] {strides = array<i32>} : memref<832x32xf32, #tpu.memory_space<vmem>>, vector<1x16xf32>,
        %get3A_442 = vector.shape_cast %get3A_441 : vector<1x16xf32> to vector<16xf32>
        %add3A_443 = arith.addf %get3A_442, %get3A_425 : vector<16xf32>
        %swap3A = arith.index_cast %add3A_438 : i32 to index
        %swap3A_444 = arith.constant 0 : index
        %swap3A_445 = tpu.vector_load %arg11[%swap3A, %swap3A_444] {strides = array<i32>} : memref<832x32xf32, #tpu.memory_space<vmem>>, vector<1x16xf32>,
        %swap3A_446 = vector.shape_cast %swap3A_445 : vector<1x16xf32> to vector<16xf32>
        %swap3A_447 = vector.shape_cast %add3A_443 : vector<16xf32> to vector<1x16xf32>
        tpu.vector_store %arg11[%swap3A, %swap3A_444], %swap3A_447 {strides = array<i32>} : memref<832x32xf32, #tpu.memory_space<vmem>>, vector<1x16xf32>,
        %get3A_448 = arith.index_cast %add3A_438 : i32 to index
        %get3A_449 = arith.constant 16 : index
        %get3A_450 = tpu.vector_load %arg11[%get3A_448, %get3A_449] {strides = array<i32>} : memref<832x32xf32, #tpu.memory_space<vmem>>, vector<1x16xf32>,
        %get3A_451 = vector.shape_cast %get3A_450 : vector<1x16xf32> to vector<16xf32>
        %add3A_452 = arith.addf %get3A_451, %get3A_429 : vector<16xf32>
        %swap3A_453 = arith.index_cast %add3A_438 : i32 to index
        %swap3A_454 = arith.constant 16 : index
        %swap3A_455 = tpu.vector_load %arg11[%swap3A_453, %swap3A_454] {strides = array<i32>} : memref<832x32xf32, #tpu.memory_space<vmem>>, vector<1x16xf32>,
        %swap3A_456 = vector.shape_cast %swap3A_455 : vector<1x16xf32> to vector<16xf32>
        %swap3A_457 = vector.shape_cast %add3A_452 : vector<16xf32> to vector<1x16xf32>
        tpu.vector_store %arg11[%swap3A_453, %swap3A_454], %swap3A_457 {strides = array<i32>} : memref<832x32xf32, #tpu.memory_space<vmem>>, vector<1x16xf32>,
      }
      %scan3A_434 = arith.constant 32 : i32
    }
    %scan3A_52 = arith.constant 26 : i32
    %add3A_53 = arith.constant 832 : i32
    %add3A_54 = arith.addi %mul3A_2, %add3A_53 : i32
    %dma_start3A_55 = arith.constant 0 : i32
    %dma_start3A_56 = tpu.memref_slice %arg6[%add3A_54, %dma_start3A_55] : memref<425984x32xf32, #tpu.memory_space<hbm>> -> memref<832x32xf32, #tpu.memory_space<hbm>>
    %dma_start3A_57 = arith.constant 0 : i32
    %dma_start3A_58 = tpu.memref_slice %arg6[%add3A_54, %dma_start3A_57] : memref<425984x32xf32, #tpu.memory_space<hbm>> -> memref<832x32xf32, #tpu.memory_space<hbm>>
    tpu.enqueue_dma source(%arg11 : memref<832x32xf32, #tpu.memory_space<vmem>>) target(%dma_start3A_58 : memref<832x32xf32, #tpu.memory_space<hbm>>) target_semaphore(%arg15 : memref<!tpu.dma_semaphore, #tpu.memory_space<semaphore_mem>>)
    %dma_wait3A_59 = arith.constant 0 : i32
    %dma_wait3A_60 = tpu.memref_slice %arg6[%add3A_54, %dma_wait3A_59] : memref<425984x32xf32, #tpu.memory_space<hbm>> -> memref<832x32xf32, #tpu.memory_space<hbm>>
    %dma_wait3A_61 = arith.constant 0 : i32
    %dma_wait3A_62 = tpu.memref_slice %arg6[%add3A_54, %dma_wait3A_61] : memref<425984x32xf32, #tpu.memory_space<hbm>> -> memref<832x32xf32, #tpu.memory_space<hbm>>
    tpu.wait_dma2 semaphore(%arg15 : memref<!tpu.dma_semaphore, #tpu.memory_space<semaphore_mem>>) src(%arg11 : memref<832x32xf32, #tpu.memory_space<vmem>>) dst(%dma_wait3A_62 : memref<832x32xf32, #tpu.memory_space<hbm>>)
    %dma_start3A_63 = arith.constant 2496 : i32
    %dma_start3A_64 = tpu.memref_slice %arg7[%dma_start3A_63] : memref<13312xi32, #tpu.memory_space<vmem>> -> memref<832xi32, #tpu.memory_space<vmem>>
    %dma_start3A_65 = arith.constant 0 : i32
    %dma_start3A_66 = arith.constant 0 : i32
    %dma_start3A_67 = tpu.memref_slice %arg3[%dma_start3A_65, %dma_start3A_66] : memref<2605056x32xf32, #tpu.memory_space<hbm>> -> memref<2605056x32xf32, #tpu.memory_space<hbm>>
    tpu.enqueue_indirect_dma source(%dma_start3A_67 : memref<2605056x32xf32, #tpu.memory_space<hbm>>) target(%arg11 : memref<832x32xf32, #tpu.memory_space<vmem>>) offsets(%dma_start3A_64 : memref<832xi32, #tpu.memory_space<vmem>>) semaphore(%arg13 : memref<!tpu.dma_semaphore, #tpu.memory_space<semaphore_mem>>)
    %dma_wait3A_68 = arith.constant 1664 : i32
    %dma_wait3A_69 = tpu.memref_slice %arg7[%dma_wait3A_68] : memref<13312xi32, #tpu.memory_space<vmem>> -> memref<832xi32, #tpu.memory_space<vmem>>
    %dma_wait3A_70 = arith.constant 0 : i32
    %dma_wait3A_71 = arith.constant 0 : i32
    %dma_wait3A_72 = tpu.memref_slice %arg3[%dma_wait3A_70, %dma_wait3A_71] : memref<2605056x32xf32, #tpu.memory_space<hbm>> -> memref<2605056x32xf32, #tpu.memory_space<hbm>>
    tpu.wait_indirect_dma semaphore(%arg12 : memref<!tpu.dma_semaphore, #tpu.memory_space<semaphore_mem>>) src(%dma_wait3A_72 : memref<2605056x32xf32, #tpu.memory_space<hbm>>) dst(%arg10 : memref<832x32xf32, #tpu.memory_space<vmem>>)
    %scan3A_73 = arith.constant 0 : i32
    %scan3A_74 = arith.constant 0 : i32
    %scan3A_75 = arith.constant 26 : i32
    %scan3A_76 = arith.addi %scan3A_74, %scan3A_75 : i32
    %scan3A_77 = arith.constant 1 : i32
    scf.for %scan3A_422 = %scan3A_74 to %scan3A_76 step %scan3A_77  : i32 {
      %get3A = arith.index_cast %scan3A_422 : i32 to index
      %get3A_423 = arith.constant 0 : index
      %get3A_424 = tpu.vector_load %arg9[%get3A, %get3A_423] {strides = array<i32>} : memref<26x32xf32, #tpu.memory_space<vmem>>, vector<1x16xf32>,
      %get3A_425 = vector.shape_cast %get3A_424 : vector<1x16xf32> to vector<16xf32>
      %get3A_426 = arith.index_cast %scan3A_422 : i32 to index
      %get3A_427 = arith.constant 16 : index
      %get3A_428 = tpu.vector_load %arg9[%get3A_426, %get3A_427] {strides = array<i32>} : memref<26x32xf32, #tpu.memory_space<vmem>>, vector<1x16xf32>,
      %get3A_429 = vector.shape_cast %get3A_428 : vector<1x16xf32> to vector<16xf32>
      %scan3A_430 = arith.constant 0 : i32
      %scan3A_431 = arith.constant 32 : i32
      %scan3A_432 = arith.addi %scan3A_430, %scan3A_431 : i32
      %scan3A_433 = arith.constant 1 : i32
      scf.for %scan3A_435 = %scan3A_430 to %scan3A_432 step %scan3A_433  : i32 {
        %mul3A_436 = arith.constant 26 : i32
        %mul3A_437 = arith.muli %scan3A_435, %mul3A_436 : i32
        %add3A_438 = arith.addi %mul3A_437, %scan3A_422 : i32
        %get3A_439 = arith.index_cast %add3A_438 : i32 to index
        %get3A_440 = arith.constant 0 : index
        %get3A_441 = tpu.vector_load %arg10[%get3A_439, %get3A_440] {strides = array<i32>} : memref<832x32xf32, #tpu.memory_space<vmem>>, vector<1x16xf32>,
        %get3A_442 = vector.shape_cast %get3A_441 : vector<1x16xf32> to vector<16xf32>
        %add3A_443 = arith.addf %get3A_442, %get3A_425 : vector<16xf32>
        %swap3A = arith.index_cast %add3A_438 : i32 to index
        %swap3A_444 = arith.constant 0 : index
        %swap3A_445 = tpu.vector_load %arg10[%swap3A, %swap3A_444] {strides = array<i32>} : memref<832x32xf32, #tpu.memory_space<vmem>>, vector<1x16xf32>,
        %swap3A_446 = vector.shape_cast %swap3A_445 : vector<1x16xf32> to vector<16xf32>
        %swap3A_447 = vector.shape_cast %add3A_443 : vector<16xf32> to vector<1x16xf32>
        tpu.vector_store %arg10[%swap3A, %swap3A_444], %swap3A_447 {strides = array<i32>} : memref<832x32xf32, #tpu.memory_space<vmem>>, vector<1x16xf32>,
        %get3A_448 = arith.index_cast %add3A_438 : i32 to index
        %get3A_449 = arith.constant 16 : index
        %get3A_450 = tpu.vector_load %arg10[%get3A_448, %get3A_449] {strides = array<i32>} : memref<832x32xf32, #tpu.memory_space<vmem>>, vector<1x16xf32>,
        %get3A_451 = vector.shape_cast %get3A_450 : vector<1x16xf32> to vector<16xf32>
        %add3A_452 = arith.addf %get3A_451, %get3A_429 : vector<16xf32>
        %swap3A_453 = arith.index_cast %add3A_438 : i32 to index
        %swap3A_454 = arith.constant 16 : index
        %swap3A_455 = tpu.vector_load %arg10[%swap3A_453, %swap3A_454] {strides = array<i32>} : memref<832x32xf32, #tpu.memory_space<vmem>>, vector<1x16xf32>,
        %swap3A_456 = vector.shape_cast %swap3A_455 : vector<1x16xf32> to vector<16xf32>
        %swap3A_457 = vector.shape_cast %add3A_452 : vector<16xf32> to vector<1x16xf32>
        tpu.vector_store %arg10[%swap3A_453, %swap3A_454], %swap3A_457 {strides = array<i32>} : memref<832x32xf32, #tpu.memory_space<vmem>>, vector<1x16xf32>,
      }
      %scan3A_434 = arith.constant 32 : i32
    }
    %scan3A_78 = arith.constant 26 : i32
    %add3A_79 = arith.constant 1664 : i32
    %add3A_80 = arith.addi %mul3A_2, %add3A_79 : i32
    %dma_start3A_81 = arith.constant 0 : i32
    %dma_start3A_82 = tpu.memref_slice %arg6[%add3A_80, %dma_start3A_81] : memref<425984x32xf32, #tpu.memory_space<hbm>> -> memref<832x32xf32, #tpu.memory_space<hbm>>
    %dma_start3A_83 = arith.constant 0 : i32
    %dma_start3A_84 = tpu.memref_slice %arg6[%add3A_80, %dma_start3A_83] : memref<425984x32xf32, #tpu.memory_space<hbm>> -> memref<832x32xf32, #tpu.memory_space<hbm>>
    tpu.enqueue_dma source(%arg10 : memref<832x32xf32, #tpu.memory_space<vmem>>) target(%dma_start3A_84 : memref<832x32xf32, #tpu.memory_space<hbm>>) target_semaphore(%arg14 : memref<!tpu.dma_semaphore, #tpu.memory_space<semaphore_mem>>)
    %dma_wait3A_85 = arith.constant 0 : i32
    %dma_wait3A_86 = tpu.memref_slice %arg6[%add3A_80, %dma_wait3A_85] : memref<425984x32xf32, #tpu.memory_space<hbm>> -> memref<832x32xf32, #tpu.memory_space<hbm>>
    %dma_wait3A_87 = arith.constant 0 : i32
    %dma_wait3A_88 = tpu.memref_slice %arg6[%add3A_80, %dma_wait3A_87] : memref<425984x32xf32, #tpu.memory_space<hbm>> -> memref<832x32xf32, #tpu.memory_space<hbm>>
    tpu.wait_dma2 semaphore(%arg14 : memref<!tpu.dma_semaphore, #tpu.memory_space<semaphore_mem>>) src(%arg10 : memref<832x32xf32, #tpu.memory_space<vmem>>) dst(%dma_wait3A_88 : memref<832x32xf32, #tpu.memory_space<hbm>>)
    %dma_start3A_89 = arith.constant 3328 : i32
    %dma_start3A_90 = tpu.memref_slice %arg7[%dma_start3A_89] : memref<13312xi32, #tpu.memory_space<vmem>> -> memref<832xi32, #tpu.memory_space<vmem>>
    %dma_start3A_91 = arith.constant 0 : i32
    %dma_start3A_92 = arith.constant 0 : i32
    %dma_start3A_93 = tpu.memref_slice %arg3[%dma_start3A_91, %dma_start3A_92] : memref<2605056x32xf32, #tpu.memory_space<hbm>> -> memref<2605056x32xf32, #tpu.memory_space<hbm>>
    tpu.enqueue_indirect_dma source(%dma_start3A_93 : memref<2605056x32xf32, #tpu.memory_space<hbm>>) target(%arg10 : memref<832x32xf32, #tpu.memory_space<vmem>>) offsets(%dma_start3A_90 : memref<832xi32, #tpu.memory_space<vmem>>) semaphore(%arg12 : memref<!tpu.dma_semaphore, #tpu.memory_space<semaphore_mem>>)
    %dma_wait3A_94 = arith.constant 2496 : i32
    %dma_wait3A_95 = tpu.memref_slice %arg7[%dma_wait3A_94] : memref<13312xi32, #tpu.memory_space<vmem>> -> memref<832xi32, #tpu.memory_space<vmem>>
    %dma_wait3A_96 = arith.constant 0 : i32
    %dma_wait3A_97 = arith.constant 0 : i32
    %dma_wait3A_98 = tpu.memref_slice %arg3[%dma_wait3A_96, %dma_wait3A_97] : memref<2605056x32xf32, #tpu.memory_space<hbm>> -> memref<2605056x32xf32, #tpu.memory_space<hbm>>
    tpu.wait_indirect_dma semaphore(%arg13 : memref<!tpu.dma_semaphore, #tpu.memory_space<semaphore_mem>>) src(%dma_wait3A_98 : memref<2605056x32xf32, #tpu.memory_space<hbm>>) dst(%arg11 : memref<832x32xf32, #tpu.memory_space<vmem>>)
    %scan3A_99 = arith.constant 0 : i32
    %scan3A_100 = arith.constant 0 : i32
    %scan3A_101 = arith.constant 26 : i32
    %scan3A_102 = arith.addi %scan3A_100, %scan3A_101 : i32
    %scan3A_103 = arith.constant 1 : i32
    scf.for %scan3A_422 = %scan3A_100 to %scan3A_102 step %scan3A_103  : i32 {
      %get3A = arith.index_cast %scan3A_422 : i32 to index
      %get3A_423 = arith.constant 0 : index
      %get3A_424 = tpu.vector_load %arg9[%get3A, %get3A_423] {strides = array<i32>} : memref<26x32xf32, #tpu.memory_space<vmem>>, vector<1x16xf32>,
      %get3A_425 = vector.shape_cast %get3A_424 : vector<1x16xf32> to vector<16xf32>
      %get3A_426 = arith.index_cast %scan3A_422 : i32 to index
      %get3A_427 = arith.constant 16 : index
      %get3A_428 = tpu.vector_load %arg9[%get3A_426, %get3A_427] {strides = array<i32>} : memref<26x32xf32, #tpu.memory_space<vmem>>, vector<1x16xf32>,
      %get3A_429 = vector.shape_cast %get3A_428 : vector<1x16xf32> to vector<16xf32>
      %scan3A_430 = arith.constant 0 : i32
      %scan3A_431 = arith.constant 32 : i32
      %scan3A_432 = arith.addi %scan3A_430, %scan3A_431 : i32
      %scan3A_433 = arith.constant 1 : i32
      scf.for %scan3A_435 = %scan3A_430 to %scan3A_432 step %scan3A_433  : i32 {
        %mul3A_436 = arith.constant 26 : i32
        %mul3A_437 = arith.muli %scan3A_435, %mul3A_436 : i32
        %add3A_438 = arith.addi %mul3A_437, %scan3A_422 : i32
        %get3A_439 = arith.index_cast %add3A_438 : i32 to index
        %get3A_440 = arith.constant 0 : index
        %get3A_441 = tpu.vector_load %arg11[%get3A_439, %get3A_440] {strides = array<i32>} : memref<832x32xf32, #tpu.memory_space<vmem>>, vector<1x16xf32>,
        %get3A_442 = vector.shape_cast %get3A_441 : vector<1x16xf32> to vector<16xf32>
        %add3A_443 = arith.addf %get3A_442, %get3A_425 : vector<16xf32>
        %swap3A = arith.index_cast %add3A_438 : i32 to index
        %swap3A_444 = arith.constant 0 : index
        %swap3A_445 = tpu.vector_load %arg11[%swap3A, %swap3A_444] {strides = array<i32>} : memref<832x32xf32, #tpu.memory_space<vmem>>, vector<1x16xf32>,
        %swap3A_446 = vector.shape_cast %swap3A_445 : vector<1x16xf32> to vector<16xf32>
        %swap3A_447 = vector.shape_cast %add3A_443 : vector<16xf32> to vector<1x16xf32>
        tpu.vector_store %arg11[%swap3A, %swap3A_444], %swap3A_447 {strides = array<i32>} : memref<832x32xf32, #tpu.memory_space<vmem>>, vector<1x16xf32>,
        %get3A_448 = arith.index_cast %add3A_438 : i32 to index
        %get3A_449 = arith.constant 16 : index
        %get3A_450 = tpu.vector_load %arg11[%get3A_448, %get3A_449] {strides = array<i32>} : memref<832x32xf32, #tpu.memory_space<vmem>>, vector<1x16xf32>,
        %get3A_451 = vector.shape_cast %get3A_450 : vector<1x16xf32> to vector<16xf32>
        %add3A_452 = arith.addf %get3A_451, %get3A_429 : vector<16xf32>
        %swap3A_453 = arith.index_cast %add3A_438 : i32 to index
        %swap3A_454 = arith.constant 16 : index
        %swap3A_455 = tpu.vector_load %arg11[%swap3A_453, %swap3A_454] {strides = array<i32>} : memref<832x32xf32, #tpu.memory_space<vmem>>, vector<1x16xf32>,
        %swap3A_456 = vector.shape_cast %swap3A_455 : vector<1x16xf32> to vector<16xf32>
        %swap3A_457 = vector.shape_cast %add3A_452 : vector<16xf32> to vector<1x16xf32>
        tpu.vector_store %arg11[%swap3A_453, %swap3A_454], %swap3A_457 {strides = array<i32>} : memref<832x32xf32, #tpu.memory_space<vmem>>, vector<1x16xf32>,
      }
      %scan3A_434 = arith.constant 32 : i32
    }
    %scan3A_104 = arith.constant 26 : i32
    %add3A_105 = arith.constant 2496 : i32
    %add3A_106 = arith.addi %mul3A_2, %add3A_105 : i32
    %dma_start3A_107 = arith.constant 0 : i32
    %dma_start3A_108 = tpu.memref_slice %arg6[%add3A_106, %dma_start3A_107] : memref<425984x32xf32, #tpu.memory_space<hbm>> -> memref<832x32xf32, #tpu.memory_space<hbm>>
    %dma_start3A_109 = arith.constant 0 : i32
    %dma_start3A_110 = tpu.memref_slice %arg6[%add3A_106, %dma_start3A_109] : memref<425984x32xf32, #tpu.memory_space<hbm>> -> memref<832x32xf32, #tpu.memory_space<hbm>>
    tpu.enqueue_dma source(%arg11 : memref<832x32xf32, #tpu.memory_space<vmem>>) target(%dma_start3A_110 : memref<832x32xf32, #tpu.memory_space<hbm>>) target_semaphore(%arg15 : memref<!tpu.dma_semaphore, #tpu.memory_space<semaphore_mem>>)
    %dma_wait3A_111 = arith.constant 0 : i32
    %dma_wait3A_112 = tpu.memref_slice %arg6[%add3A_106, %dma_wait3A_111] : memref<425984x32xf32, #tpu.memory_space<hbm>> -> memref<832x32xf32, #tpu.memory_space<hbm>>
    %dma_wait3A_113 = arith.constant 0 : i32
    %dma_wait3A_114 = tpu.memref_slice %arg6[%add3A_106, %dma_wait3A_113] : memref<425984x32xf32, #tpu.memory_space<hbm>> -> memref<832x32xf32, #tpu.memory_space<hbm>>
    tpu.wait_dma2 semaphore(%arg15 : memref<!tpu.dma_semaphore, #tpu.memory_space<semaphore_mem>>) src(%arg11 : memref<832x32xf32, #tpu.memory_space<vmem>>) dst(%dma_wait3A_114 : memref<832x32xf32, #tpu.memory_space<hbm>>)
    %dma_start3A_115 = arith.constant 4160 : i32
    %dma_start3A_116 = tpu.memref_slice %arg7[%dma_start3A_115] : memref<13312xi32, #tpu.memory_space<vmem>> -> memref<832xi32, #tpu.memory_space<vmem>>
    %dma_start3A_117 = arith.constant 0 : i32
    %dma_start3A_118 = arith.constant 0 : i32
    %dma_start3A_119 = tpu.memref_slice %arg3[%dma_start3A_117, %dma_start3A_118] : memref<2605056x32xf32, #tpu.memory_space<hbm>> -> memref<2605056x32xf32, #tpu.memory_space<hbm>>
    tpu.enqueue_indirect_dma source(%dma_start3A_119 : memref<2605056x32xf32, #tpu.memory_space<hbm>>) target(%arg11 : memref<832x32xf32, #tpu.memory_space<vmem>>) offsets(%dma_start3A_116 : memref<832xi32, #tpu.memory_space<vmem>>) semaphore(%arg13 : memref<!tpu.dma_semaphore, #tpu.memory_space<semaphore_mem>>)
    %dma_wait3A_120 = arith.constant 3328 : i32
    %dma_wait3A_121 = tpu.memref_slice %arg7[%dma_wait3A_120] : memref<13312xi32, #tpu.memory_space<vmem>> -> memref<832xi32, #tpu.memory_space<vmem>>
    %dma_wait3A_122 = arith.constant 0 : i32
    %dma_wait3A_123 = arith.constant 0 : i32
    %dma_wait3A_124 = tpu.memref_slice %arg3[%dma_wait3A_122, %dma_wait3A_123] : memref<2605056x32xf32, #tpu.memory_space<hbm>> -> memref<2605056x32xf32, #tpu.memory_space<hbm>>
    tpu.wait_indirect_dma semaphore(%arg12 : memref<!tpu.dma_semaphore, #tpu.memory_space<semaphore_mem>>) src(%dma_wait3A_124 : memref<2605056x32xf32, #tpu.memory_space<hbm>>) dst(%arg10 : memref<832x32xf32, #tpu.memory_space<vmem>>)
    %scan3A_125 = arith.constant 0 : i32
    %scan3A_126 = arith.constant 0 : i32
    %scan3A_127 = arith.constant 26 : i32
    %scan3A_128 = arith.addi %scan3A_126, %scan3A_127 : i32
    %scan3A_129 = arith.constant 1 : i32
    scf.for %scan3A_422 = %scan3A_126 to %scan3A_128 step %scan3A_129  : i32 {
      %get3A = arith.index_cast %scan3A_422 : i32 to index
      %get3A_423 = arith.constant 0 : index
      %get3A_424 = tpu.vector_load %arg9[%get3A, %get3A_423] {strides = array<i32>} : memref<26x32xf32, #tpu.memory_space<vmem>>, vector<1x16xf32>,
      %get3A_425 = vector.shape_cast %get3A_424 : vector<1x16xf32> to vector<16xf32>
      %get3A_426 = arith.index_cast %scan3A_422 : i32 to index
      %get3A_427 = arith.constant 16 : index
      %get3A_428 = tpu.vector_load %arg9[%get3A_426, %get3A_427] {strides = array<i32>} : memref<26x32xf32, #tpu.memory_space<vmem>>, vector<1x16xf32>,
      %get3A_429 = vector.shape_cast %get3A_428 : vector<1x16xf32> to vector<16xf32>
      %scan3A_430 = arith.constant 0 : i32
      %scan3A_431 = arith.constant 32 : i32
      %scan3A_432 = arith.addi %scan3A_430, %scan3A_431 : i32
      %scan3A_433 = arith.constant 1 : i32
      scf.for %scan3A_435 = %scan3A_430 to %scan3A_432 step %scan3A_433  : i32 {
        %mul3A_436 = arith.constant 26 : i32
        %mul3A_437 = arith.muli %scan3A_435, %mul3A_436 : i32
        %add3A_438 = arith.addi %mul3A_437, %scan3A_422 : i32
        %get3A_439 = arith.index_cast %add3A_438 : i32 to index
        %get3A_440 = arith.constant 0 : index
        %get3A_441 = tpu.vector_load %arg10[%get3A_439, %get3A_440] {strides = array<i32>} : memref<832x32xf32, #tpu.memory_space<vmem>>, vector<1x16xf32>,
        %get3A_442 = vector.shape_cast %get3A_441 : vector<1x16xf32> to vector<16xf32>
        %add3A_443 = arith.addf %get3A_442, %get3A_425 : vector<16xf32>
        %swap3A = arith.index_cast %add3A_438 : i32 to index
        %swap3A_444 = arith.constant 0 : index
        %swap3A_445 = tpu.vector_load %arg10[%swap3A, %swap3A_444] {strides = array<i32>} : memref<832x32xf32, #tpu.memory_space<vmem>>, vector<1x16xf32>,
        %swap3A_446 = vector.shape_cast %swap3A_445 : vector<1x16xf32> to vector<16xf32>
        %swap3A_447 = vector.shape_cast %add3A_443 : vector<16xf32> to vector<1x16xf32>
        tpu.vector_store %arg10[%swap3A, %swap3A_444], %swap3A_447 {strides = array<i32>} : memref<832x32xf32, #tpu.memory_space<vmem>>, vector<1x16xf32>,
        %get3A_448 = arith.index_cast %add3A_438 : i32 to index
        %get3A_449 = arith.constant 16 : index
        %get3A_450 = tpu.vector_load %arg10[%get3A_448, %get3A_449] {strides = array<i32>} : memref<832x32xf32, #tpu.memory_space<vmem>>, vector<1x16xf32>,
        %get3A_451 = vector.shape_cast %get3A_450 : vector<1x16xf32> to vector<16xf32>
        %add3A_452 = arith.addf %get3A_451, %get3A_429 : vector<16xf32>
        %swap3A_453 = arith.index_cast %add3A_438 : i32 to index
        %swap3A_454 = arith.constant 16 : index
        %swap3A_455 = tpu.vector_load %arg10[%swap3A_453, %swap3A_454] {strides = array<i32>} : memref<832x32xf32, #tpu.memory_space<vmem>>, vector<1x16xf32>,
        %swap3A_456 = vector.shape_cast %swap3A_455 : vector<1x16xf32> to vector<16xf32>
        %swap3A_457 = vector.shape_cast %add3A_452 : vector<16xf32> to vector<1x16xf32>
        tpu.vector_store %arg10[%swap3A_453, %swap3A_454], %swap3A_457 {strides = array<i32>} : memref<832x32xf32, #tpu.memory_space<vmem>>, vector<1x16xf32>,
      }
      %scan3A_434 = arith.constant 32 : i32
    }
    %scan3A_130 = arith.constant 26 : i32
    %add3A_131 = arith.constant 3328 : i32
    %add3A_132 = arith.addi %mul3A_2, %add3A_131 : i32
    %dma_start3A_133 = arith.constant 0 : i32
    %dma_start3A_134 = tpu.memref_slice %arg6[%add3A_132, %dma_start3A_133] : memref<425984x32xf32, #tpu.memory_space<hbm>> -> memref<832x32xf32, #tpu.memory_space<hbm>>
    %dma_start3A_135 = arith.constant 0 : i32
    %dma_start3A_136 = tpu.memref_slice %arg6[%add3A_132, %dma_start3A_135] : memref<425984x32xf32, #tpu.memory_space<hbm>> -> memref<832x32xf32, #tpu.memory_space<hbm>>
    tpu.enqueue_dma source(%arg10 : memref<832x32xf32, #tpu.memory_space<vmem>>) target(%dma_start3A_136 : memref<832x32xf32, #tpu.memory_space<hbm>>) target_semaphore(%arg14 : memref<!tpu.dma_semaphore, #tpu.memory_space<semaphore_mem>>)
    %dma_wait3A_137 = arith.constant 0 : i32
    %dma_wait3A_138 = tpu.memref_slice %arg6[%add3A_132, %dma_wait3A_137] : memref<425984x32xf32, #tpu.memory_space<hbm>> -> memref<832x32xf32, #tpu.memory_space<hbm>>
    %dma_wait3A_139 = arith.constant 0 : i32
    %dma_wait3A_140 = tpu.memref_slice %arg6[%add3A_132, %dma_wait3A_139] : memref<425984x32xf32, #tpu.memory_space<hbm>> -> memref<832x32xf32, #tpu.memory_space<hbm>>
    tpu.wait_dma2 semaphore(%arg14 : memref<!tpu.dma_semaphore, #tpu.memory_space<semaphore_mem>>) src(%arg10 : memref<832x32xf32, #tpu.memory_space<vmem>>) dst(%dma_wait3A_140 : memref<832x32xf32, #tpu.memory_space<hbm>>)
    %dma_start3A_141 = arith.constant 4992 : i32
    %dma_start3A_142 = tpu.memref_slice %arg7[%dma_start3A_141] : memref<13312xi32, #tpu.memory_space<vmem>> -> memref<832xi32, #tpu.memory_space<vmem>>
    %dma_start3A_143 = arith.constant 0 : i32
    %dma_start3A_144 = arith.constant 0 : i32
    %dma_start3A_145 = tpu.memref_slice %arg3[%dma_start3A_143, %dma_start3A_144] : memref<2605056x32xf32, #tpu.memory_space<hbm>> -> memref<2605056x32xf32, #tpu.memory_space<hbm>>
    tpu.enqueue_indirect_dma source(%dma_start3A_145 : memref<2605056x32xf32, #tpu.memory_space<hbm>>) target(%arg10 : memref<832x32xf32, #tpu.memory_space<vmem>>) offsets(%dma_start3A_142 : memref<832xi32, #tpu.memory_space<vmem>>) semaphore(%arg12 : memref<!tpu.dma_semaphore, #tpu.memory_space<semaphore_mem>>)
    %dma_wait3A_146 = arith.constant 4160 : i32
    %dma_wait3A_147 = tpu.memref_slice %arg7[%dma_wait3A_146] : memref<13312xi32, #tpu.memory_space<vmem>> -> memref<832xi32, #tpu.memory_space<vmem>>
    %dma_wait3A_148 = arith.constant 0 : i32
    %dma_wait3A_149 = arith.constant 0 : i32
    %dma_wait3A_150 = tpu.memref_slice %arg3[%dma_wait3A_148, %dma_wait3A_149] : memref<2605056x32xf32, #tpu.memory_space<hbm>> -> memref<2605056x32xf32, #tpu.memory_space<hbm>>
    tpu.wait_indirect_dma semaphore(%arg13 : memref<!tpu.dma_semaphore, #tpu.memory_space<semaphore_mem>>) src(%dma_wait3A_150 : memref<2605056x32xf32, #tpu.memory_space<hbm>>) dst(%arg11 : memref<832x32xf32, #tpu.memory_space<vmem>>)
    %scan3A_151 = arith.constant 0 : i32
    %scan3A_152 = arith.constant 0 : i32
    %scan3A_153 = arith.constant 26 : i32
    %scan3A_154 = arith.addi %scan3A_152, %scan3A_153 : i32
    %scan3A_155 = arith.constant 1 : i32
    scf.for %scan3A_422 = %scan3A_152 to %scan3A_154 step %scan3A_155  : i32 {
      %get3A = arith.index_cast %scan3A_422 : i32 to index
      %get3A_423 = arith.constant 0 : index
      %get3A_424 = tpu.vector_load %arg9[%get3A, %get3A_423] {strides = array<i32>} : memref<26x32xf32, #tpu.memory_space<vmem>>, vector<1x16xf32>,
      %get3A_425 = vector.shape_cast %get3A_424 : vector<1x16xf32> to vector<16xf32>
      %get3A_426 = arith.index_cast %scan3A_422 : i32 to index
      %get3A_427 = arith.constant 16 : index
      %get3A_428 = tpu.vector_load %arg9[%get3A_426, %get3A_427] {strides = array<i32>} : memref<26x32xf32, #tpu.memory_space<vmem>>, vector<1x16xf32>,
      %get3A_429 = vector.shape_cast %get3A_428 : vector<1x16xf32> to vector<16xf32>
      %scan3A_430 = arith.constant 0 : i32
      %scan3A_431 = arith.constant 32 : i32
      %scan3A_432 = arith.addi %scan3A_430, %scan3A_431 : i32
      %scan3A_433 = arith.constant 1 : i32
      scf.for %scan3A_435 = %scan3A_430 to %scan3A_432 step %scan3A_433  : i32 {
        %mul3A_436 = arith.constant 26 : i32
        %mul3A_437 = arith.muli %scan3A_435, %mul3A_436 : i32
        %add3A_438 = arith.addi %mul3A_437, %scan3A_422 : i32
        %get3A_439 = arith.index_cast %add3A_438 : i32 to index
        %get3A_440 = arith.constant 0 : index
        %get3A_441 = tpu.vector_load %arg11[%get3A_439, %get3A_440] {strides = array<i32>} : memref<832x32xf32, #tpu.memory_space<vmem>>, vector<1x16xf32>,
        %get3A_442 = vector.shape_cast %get3A_441 : vector<1x16xf32> to vector<16xf32>
        %add3A_443 = arith.addf %get3A_442, %get3A_425 : vector<16xf32>
        %swap3A = arith.index_cast %add3A_438 : i32 to index
        %swap3A_444 = arith.constant 0 : index
        %swap3A_445 = tpu.vector_load %arg11[%swap3A, %swap3A_444] {strides = array<i32>} : memref<832x32xf32, #tpu.memory_space<vmem>>, vector<1x16xf32>,
        %swap3A_446 = vector.shape_cast %swap3A_445 : vector<1x16xf32> to vector<16xf32>
        %swap3A_447 = vector.shape_cast %add3A_443 : vector<16xf32> to vector<1x16xf32>
        tpu.vector_store %arg11[%swap3A, %swap3A_444], %swap3A_447 {strides = array<i32>} : memref<832x32xf32, #tpu.memory_space<vmem>>, vector<1x16xf32>,
        %get3A_448 = arith.index_cast %add3A_438 : i32 to index
        %get3A_449 = arith.constant 16 : index
        %get3A_450 = tpu.vector_load %arg11[%get3A_448, %get3A_449] {strides = array<i32>} : memref<832x32xf32, #tpu.memory_space<vmem>>, vector<1x16xf32>,
        %get3A_451 = vector.shape_cast %get3A_450 : vector<1x16xf32> to vector<16xf32>
        %add3A_452 = arith.addf %get3A_451, %get3A_429 : vector<16xf32>
        %swap3A_453 = arith.index_cast %add3A_438 : i32 to index
        %swap3A_454 = arith.constant 16 : index
        %swap3A_455 = tpu.vector_load %arg11[%swap3A_453, %swap3A_454] {strides = array<i32>} : memref<832x32xf32, #tpu.memory_space<vmem>>, vector<1x16xf32>,
        %swap3A_456 = vector.shape_cast %swap3A_455 : vector<1x16xf32> to vector<16xf32>
        %swap3A_457 = vector.shape_cast %add3A_452 : vector<16xf32> to vector<1x16xf32>
        tpu.vector_store %arg11[%swap3A_453, %swap3A_454], %swap3A_457 {strides = array<i32>} : memref<832x32xf32, #tpu.memory_space<vmem>>, vector<1x16xf32>,
      }
      %scan3A_434 = arith.constant 32 : i32
    }
    %scan3A_156 = arith.constant 26 : i32
    %add3A_157 = arith.constant 4160 : i32
    %add3A_158 = arith.addi %mul3A_2, %add3A_157 : i32
    %dma_start3A_159 = arith.constant 0 : i32
    %dma_start3A_160 = tpu.memref_slice %arg6[%add3A_158, %dma_start3A_159] : memref<425984x32xf32, #tpu.memory_space<hbm>> -> memref<832x32xf32, #tpu.memory_space<hbm>>
    %dma_start3A_161 = arith.constant 0 : i32
    %dma_start3A_162 = tpu.memref_slice %arg6[%add3A_158, %dma_start3A_161] : memref<425984x32xf32, #tpu.memory_space<hbm>> -> memref<832x32xf32, #tpu.memory_space<hbm>>
    tpu.enqueue_dma source(%arg11 : memref<832x32xf32, #tpu.memory_space<vmem>>) target(%dma_start3A_162 : memref<832x32xf32, #tpu.memory_space<hbm>>) target_semaphore(%arg15 : memref<!tpu.dma_semaphore, #tpu.memory_space<semaphore_mem>>)
    %dma_wait3A_163 = arith.constant 0 : i32
    %dma_wait3A_164 = tpu.memref_slice %arg6[%add3A_158, %dma_wait3A_163] : memref<425984x32xf32, #tpu.memory_space<hbm>> -> memref<832x32xf32, #tpu.memory_space<hbm>>
    %dma_wait3A_165 = arith.constant 0 : i32
    %dma_wait3A_166 = tpu.memref_slice %arg6[%add3A_158, %dma_wait3A_165] : memref<425984x32xf32, #tpu.memory_space<hbm>> -> memref<832x32xf32, #tpu.memory_space<hbm>>
    tpu.wait_dma2 semaphore(%arg15 : memref<!tpu.dma_semaphore, #tpu.memory_space<semaphore_mem>>) src(%arg11 : memref<832x32xf32, #tpu.memory_space<vmem>>) dst(%dma_wait3A_166 : memref<832x32xf32, #tpu.memory_space<hbm>>)
    %dma_start3A_167 = arith.constant 5824 : i32
    %dma_start3A_168 = tpu.memref_slice %arg7[%dma_start3A_167] : memref<13312xi32, #tpu.memory_space<vmem>> -> memref<832xi32, #tpu.memory_space<vmem>>
    %dma_start3A_169 = arith.constant 0 : i32
    %dma_start3A_170 = arith.constant 0 : i32
    %dma_start3A_171 = tpu.memref_slice %arg3[%dma_start3A_169, %dma_start3A_170] : memref<2605056x32xf32, #tpu.memory_space<hbm>> -> memref<2605056x32xf32, #tpu.memory_space<hbm>>
    tpu.enqueue_indirect_dma source(%dma_start3A_171 : memref<2605056x32xf32, #tpu.memory_space<hbm>>) target(%arg11 : memref<832x32xf32, #tpu.memory_space<vmem>>) offsets(%dma_start3A_168 : memref<832xi32, #tpu.memory_space<vmem>>) semaphore(%arg13 : memref<!tpu.dma_semaphore, #tpu.memory_space<semaphore_mem>>)
    %dma_wait3A_172 = arith.constant 4992 : i32
    %dma_wait3A_173 = tpu.memref_slice %arg7[%dma_wait3A_172] : memref<13312xi32, #tpu.memory_space<vmem>> -> memref<832xi32, #tpu.memory_space<vmem>>
    %dma_wait3A_174 = arith.constant 0 : i32
    %dma_wait3A_175 = arith.constant 0 : i32
    %dma_wait3A_176 = tpu.memref_slice %arg3[%dma_wait3A_174, %dma_wait3A_175] : memref<2605056x32xf32, #tpu.memory_space<hbm>> -> memref<2605056x32xf32, #tpu.memory_space<hbm>>
    tpu.wait_indirect_dma semaphore(%arg12 : memref<!tpu.dma_semaphore, #tpu.memory_space<semaphore_mem>>) src(%dma_wait3A_176 : memref<2605056x32xf32, #tpu.memory_space<hbm>>) dst(%arg10 : memref<832x32xf32, #tpu.memory_space<vmem>>)
    %scan3A_177 = arith.constant 0 : i32
    %scan3A_178 = arith.constant 0 : i32
    %scan3A_179 = arith.constant 26 : i32
    %scan3A_180 = arith.addi %scan3A_178, %scan3A_179 : i32
    %scan3A_181 = arith.constant 1 : i32
    scf.for %scan3A_422 = %scan3A_178 to %scan3A_180 step %scan3A_181  : i32 {
      %get3A = arith.index_cast %scan3A_422 : i32 to index
      %get3A_423 = arith.constant 0 : index
      %get3A_424 = tpu.vector_load %arg9[%get3A, %get3A_423] {strides = array<i32>} : memref<26x32xf32, #tpu.memory_space<vmem>>, vector<1x16xf32>,
      %get3A_425 = vector.shape_cast %get3A_424 : vector<1x16xf32> to vector<16xf32>
      %get3A_426 = arith.index_cast %scan3A_422 : i32 to index
      %get3A_427 = arith.constant 16 : index
      %get3A_428 = tpu.vector_load %arg9[%get3A_426, %get3A_427] {strides = array<i32>} : memref<26x32xf32, #tpu.memory_space<vmem>>, vector<1x16xf32>,
      %get3A_429 = vector.shape_cast %get3A_428 : vector<1x16xf32> to vector<16xf32>
      %scan3A_430 = arith.constant 0 : i32
      %scan3A_431 = arith.constant 32 : i32
      %scan3A_432 = arith.addi %scan3A_430, %scan3A_431 : i32
      %scan3A_433 = arith.constant 1 : i32
      scf.for %scan3A_435 = %scan3A_430 to %scan3A_432 step %scan3A_433  : i32 {
        %mul3A_436 = arith.constant 26 : i32
        %mul3A_437 = arith.muli %scan3A_435, %mul3A_436 : i32
        %add3A_438 = arith.addi %mul3A_437, %scan3A_422 : i32
        %get3A_439 = arith.index_cast %add3A_438 : i32 to index
        %get3A_440 = arith.constant 0 : index
        %get3A_441 = tpu.vector_load %arg10[%get3A_439, %get3A_440] {strides = array<i32>} : memref<832x32xf32, #tpu.memory_space<vmem>>, vector<1x16xf32>,
        %get3A_442 = vector.shape_cast %get3A_441 : vector<1x16xf32> to vector<16xf32>
        %add3A_443 = arith.addf %get3A_442, %get3A_425 : vector<16xf32>
        %swap3A = arith.index_cast %add3A_438 : i32 to index
        %swap3A_444 = arith.constant 0 : index
        %swap3A_445 = tpu.vector_load %arg10[%swap3A, %swap3A_444] {strides = array<i32>} : memref<832x32xf32, #tpu.memory_space<vmem>>, vector<1x16xf32>,
        %swap3A_446 = vector.shape_cast %swap3A_445 : vector<1x16xf32> to vector<16xf32>
        %swap3A_447 = vector.shape_cast %add3A_443 : vector<16xf32> to vector<1x16xf32>
        tpu.vector_store %arg10[%swap3A, %swap3A_444], %swap3A_447 {strides = array<i32>} : memref<832x32xf32, #tpu.memory_space<vmem>>, vector<1x16xf32>,
        %get3A_448 = arith.index_cast %add3A_438 : i32 to index
        %get3A_449 = arith.constant 16 : index
        %get3A_450 = tpu.vector_load %arg10[%get3A_448, %get3A_449] {strides = array<i32>} : memref<832x32xf32, #tpu.memory_space<vmem>>, vector<1x16xf32>,
        %get3A_451 = vector.shape_cast %get3A_450 : vector<1x16xf32> to vector<16xf32>
        %add3A_452 = arith.addf %get3A_451, %get3A_429 : vector<16xf32>
        %swap3A_453 = arith.index_cast %add3A_438 : i32 to index
        %swap3A_454 = arith.constant 16 : index
        %swap3A_455 = tpu.vector_load %arg10[%swap3A_453, %swap3A_454] {strides = array<i32>} : memref<832x32xf32, #tpu.memory_space<vmem>>, vector<1x16xf32>,
        %swap3A_456 = vector.shape_cast %swap3A_455 : vector<1x16xf32> to vector<16xf32>
        %swap3A_457 = vector.shape_cast %add3A_452 : vector<16xf32> to vector<1x16xf32>
        tpu.vector_store %arg10[%swap3A_453, %swap3A_454], %swap3A_457 {strides = array<i32>} : memref<832x32xf32, #tpu.memory_space<vmem>>, vector<1x16xf32>,
      }
      %scan3A_434 = arith.constant 32 : i32
    }
    %scan3A_182 = arith.constant 26 : i32
    %add3A_183 = arith.constant 4992 : i32
    %add3A_184 = arith.addi %mul3A_2, %add3A_183 : i32
    %dma_start3A_185 = arith.constant 0 : i32
    %dma_start3A_186 = tpu.memref_slice %arg6[%add3A_184, %dma_start3A_185] : memref<425984x32xf32, #tpu.memory_space<hbm>> -> memref<832x32xf32, #tpu.memory_space<hbm>>
    %dma_start3A_187 = arith.constant 0 : i32
    %dma_start3A_188 = tpu.memref_slice %arg6[%add3A_184, %dma_start3A_187] : memref<425984x32xf32, #tpu.memory_space<hbm>> -> memref<832x32xf32, #tpu.memory_space<hbm>>
    tpu.enqueue_dma source(%arg10 : memref<832x32xf32, #tpu.memory_space<vmem>>) target(%dma_start3A_188 : memref<832x32xf32, #tpu.memory_space<hbm>>) target_semaphore(%arg14 : memref<!tpu.dma_semaphore, #tpu.memory_space<semaphore_mem>>)
    %dma_wait3A_189 = arith.constant 0 : i32
    %dma_wait3A_190 = tpu.memref_slice %arg6[%add3A_184, %dma_wait3A_189] : memref<425984x32xf32, #tpu.memory_space<hbm>> -> memref<832x32xf32, #tpu.memory_space<hbm>>
    %dma_wait3A_191 = arith.constant 0 : i32
    %dma_wait3A_192 = tpu.memref_slice %arg6[%add3A_184, %dma_wait3A_191] : memref<425984x32xf32, #tpu.memory_space<hbm>> -> memref<832x32xf32, #tpu.memory_space<hbm>>
    tpu.wait_dma2 semaphore(%arg14 : memref<!tpu.dma_semaphore, #tpu.memory_space<semaphore_mem>>) src(%arg10 : memref<832x32xf32, #tpu.memory_space<vmem>>) dst(%dma_wait3A_192 : memref<832x32xf32, #tpu.memory_space<hbm>>)
    %dma_start3A_193 = arith.constant 6656 : i32
    %dma_start3A_194 = tpu.memref_slice %arg7[%dma_start3A_193] : memref<13312xi32, #tpu.memory_space<vmem>> -> memref<832xi32, #tpu.memory_space<vmem>>
    %dma_start3A_195 = arith.constant 0 : i32
    %dma_start3A_196 = arith.constant 0 : i32
    %dma_start3A_197 = tpu.memref_slice %arg3[%dma_start3A_195, %dma_start3A_196] : memref<2605056x32xf32, #tpu.memory_space<hbm>> -> memref<2605056x32xf32, #tpu.memory_space<hbm>>
    tpu.enqueue_indirect_dma source(%dma_start3A_197 : memref<2605056x32xf32, #tpu.memory_space<hbm>>) target(%arg10 : memref<832x32xf32, #tpu.memory_space<vmem>>) offsets(%dma_start3A_194 : memref<832xi32, #tpu.memory_space<vmem>>) semaphore(%arg12 : memref<!tpu.dma_semaphore, #tpu.memory_space<semaphore_mem>>)
    %dma_wait3A_198 = arith.constant 5824 : i32
    %dma_wait3A_199 = tpu.memref_slice %arg7[%dma_wait3A_198] : memref<13312xi32, #tpu.memory_space<vmem>> -> memref<832xi32, #tpu.memory_space<vmem>>
    %dma_wait3A_200 = arith.constant 0 : i32
    %dma_wait3A_201 = arith.constant 0 : i32
    %dma_wait3A_202 = tpu.memref_slice %arg3[%dma_wait3A_200, %dma_wait3A_201] : memref<2605056x32xf32, #tpu.memory_space<hbm>> -> memref<2605056x32xf32, #tpu.memory_space<hbm>>
    tpu.wait_indirect_dma semaphore(%arg13 : memref<!tpu.dma_semaphore, #tpu.memory_space<semaphore_mem>>) src(%dma_wait3A_202 : memref<2605056x32xf32, #tpu.memory_space<hbm>>) dst(%arg11 : memref<832x32xf32, #tpu.memory_space<vmem>>)
    %scan3A_203 = arith.constant 0 : i32
    %scan3A_204 = arith.constant 0 : i32
    %scan3A_205 = arith.constant 26 : i32
    %scan3A_206 = arith.addi %scan3A_204, %scan3A_205 : i32
    %scan3A_207 = arith.constant 1 : i32
    scf.for %scan3A_422 = %scan3A_204 to %scan3A_206 step %scan3A_207  : i32 {
      %get3A = arith.index_cast %scan3A_422 : i32 to index
      %get3A_423 = arith.constant 0 : index
      %get3A_424 = tpu.vector_load %arg9[%get3A, %get3A_423] {strides = array<i32>} : memref<26x32xf32, #tpu.memory_space<vmem>>, vector<1x16xf32>,
      %get3A_425 = vector.shape_cast %get3A_424 : vector<1x16xf32> to vector<16xf32>
      %get3A_426 = arith.index_cast %scan3A_422 : i32 to index
      %get3A_427 = arith.constant 16 : index
      %get3A_428 = tpu.vector_load %arg9[%get3A_426, %get3A_427] {strides = array<i32>} : memref<26x32xf32, #tpu.memory_space<vmem>>, vector<1x16xf32>,
      %get3A_429 = vector.shape_cast %get3A_428 : vector<1x16xf32> to vector<16xf32>
      %scan3A_430 = arith.constant 0 : i32
      %scan3A_431 = arith.constant 32 : i32
      %scan3A_432 = arith.addi %scan3A_430, %scan3A_431 : i32
      %scan3A_433 = arith.constant 1 : i32
      scf.for %scan3A_435 = %scan3A_430 to %scan3A_432 step %scan3A_433  : i32 {
        %mul3A_436 = arith.constant 26 : i32
        %mul3A_437 = arith.muli %scan3A_435, %mul3A_436 : i32
        %add3A_438 = arith.addi %mul3A_437, %scan3A_422 : i32
        %get3A_439 = arith.index_cast %add3A_438 : i32 to index
        %get3A_440 = arith.constant 0 : index
        %get3A_441 = tpu.vector_load %arg11[%get3A_439, %get3A_440] {strides = array<i32>} : memref<832x32xf32, #tpu.memory_space<vmem>>, vector<1x16xf32>,
        %get3A_442 = vector.shape_cast %get3A_441 : vector<1x16xf32> to vector<16xf32>
        %add3A_443 = arith.addf %get3A_442, %get3A_425 : vector<16xf32>
        %swap3A = arith.index_cast %add3A_438 : i32 to index
        %swap3A_444 = arith.constant 0 : index
        %swap3A_445 = tpu.vector_load %arg11[%swap3A, %swap3A_444] {strides = array<i32>} : memref<832x32xf32, #tpu.memory_space<vmem>>, vector<1x16xf32>,
        %swap3A_446 = vector.shape_cast %swap3A_445 : vector<1x16xf32> to vector<16xf32>
        %swap3A_447 = vector.shape_cast %add3A_443 : vector<16xf32> to vector<1x16xf32>
        tpu.vector_store %arg11[%swap3A, %swap3A_444], %swap3A_447 {strides = array<i32>} : memref<832x32xf32, #tpu.memory_space<vmem>>, vector<1x16xf32>,
        %get3A_448 = arith.index_cast %add3A_438 : i32 to index
        %get3A_449 = arith.constant 16 : index
        %get3A_450 = tpu.vector_load %arg11[%get3A_448, %get3A_449] {strides = array<i32>} : memref<832x32xf32, #tpu.memory_space<vmem>>, vector<1x16xf32>,
        %get3A_451 = vector.shape_cast %get3A_450 : vector<1x16xf32> to vector<16xf32>
        %add3A_452 = arith.addf %get3A_451, %get3A_429 : vector<16xf32>
        %swap3A_453 = arith.index_cast %add3A_438 : i32 to index
        %swap3A_454 = arith.constant 16 : index
        %swap3A_455 = tpu.vector_load %arg11[%swap3A_453, %swap3A_454] {strides = array<i32>} : memref<832x32xf32, #tpu.memory_space<vmem>>, vector<1x16xf32>,
        %swap3A_456 = vector.shape_cast %swap3A_455 : vector<1x16xf32> to vector<16xf32>
        %swap3A_457 = vector.shape_cast %add3A_452 : vector<16xf32> to vector<1x16xf32>
        tpu.vector_store %arg11[%swap3A_453, %swap3A_454], %swap3A_457 {strides = array<i32>} : memref<832x32xf32, #tpu.memory_space<vmem>>, vector<1x16xf32>,
      }
      %scan3A_434 = arith.constant 32 : i32
    }
    %scan3A_208 = arith.constant 26 : i32
    %add3A_209 = arith.constant 5824 : i32
    %add3A_210 = arith.addi %mul3A_2, %add3A_209 : i32
    %dma_start3A_211 = arith.constant 0 : i32
    %dma_start3A_212 = tpu.memref_slice %arg6[%add3A_210, %dma_start3A_211] : memref<425984x32xf32, #tpu.memory_space<hbm>> -> memref<832x32xf32, #tpu.memory_space<hbm>>
    %dma_start3A_213 = arith.constant 0 : i32
    %dma_start3A_214 = tpu.memref_slice %arg6[%add3A_210, %dma_start3A_213] : memref<425984x32xf32, #tpu.memory_space<hbm>> -> memref<832x32xf32, #tpu.memory_space<hbm>>
    tpu.enqueue_dma source(%arg11 : memref<832x32xf32, #tpu.memory_space<vmem>>) target(%dma_start3A_214 : memref<832x32xf32, #tpu.memory_space<hbm>>) target_semaphore(%arg15 : memref<!tpu.dma_semaphore, #tpu.memory_space<semaphore_mem>>)
    %dma_wait3A_215 = arith.constant 0 : i32
    %dma_wait3A_216 = tpu.memref_slice %arg6[%add3A_210, %dma_wait3A_215] : memref<425984x32xf32, #tpu.memory_space<hbm>> -> memref<832x32xf32, #tpu.memory_space<hbm>>
    %dma_wait3A_217 = arith.constant 0 : i32
    %dma_wait3A_218 = tpu.memref_slice %arg6[%add3A_210, %dma_wait3A_217] : memref<425984x32xf32, #tpu.memory_space<hbm>> -> memref<832x32xf32, #tpu.memory_space<hbm>>
    tpu.wait_dma2 semaphore(%arg15 : memref<!tpu.dma_semaphore, #tpu.memory_space<semaphore_mem>>) src(%arg11 : memref<832x32xf32, #tpu.memory_space<vmem>>) dst(%dma_wait3A_218 : memref<832x32xf32, #tpu.memory_space<hbm>>)
    %dma_start3A_219 = arith.constant 7488 : i32
    %dma_start3A_220 = tpu.memref_slice %arg7[%dma_start3A_219] : memref<13312xi32, #tpu.memory_space<vmem>> -> memref<832xi32, #tpu.memory_space<vmem>>
    %dma_start3A_221 = arith.constant 0 : i32
    %dma_start3A_222 = arith.constant 0 : i32
    %dma_start3A_223 = tpu.memref_slice %arg3[%dma_start3A_221, %dma_start3A_222] : memref<2605056x32xf32, #tpu.memory_space<hbm>> -> memref<2605056x32xf32, #tpu.memory_space<hbm>>
    tpu.enqueue_indirect_dma source(%dma_start3A_223 : memref<2605056x32xf32, #tpu.memory_space<hbm>>) target(%arg11 : memref<832x32xf32, #tpu.memory_space<vmem>>) offsets(%dma_start3A_220 : memref<832xi32, #tpu.memory_space<vmem>>) semaphore(%arg13 : memref<!tpu.dma_semaphore, #tpu.memory_space<semaphore_mem>>)
    %dma_wait3A_224 = arith.constant 6656 : i32
    %dma_wait3A_225 = tpu.memref_slice %arg7[%dma_wait3A_224] : memref<13312xi32, #tpu.memory_space<vmem>> -> memref<832xi32, #tpu.memory_space<vmem>>
    %dma_wait3A_226 = arith.constant 0 : i32
    %dma_wait3A_227 = arith.constant 0 : i32
    %dma_wait3A_228 = tpu.memref_slice %arg3[%dma_wait3A_226, %dma_wait3A_227] : memref<2605056x32xf32, #tpu.memory_space<hbm>> -> memref<2605056x32xf32, #tpu.memory_space<hbm>>
    tpu.wait_indirect_dma semaphore(%arg12 : memref<!tpu.dma_semaphore, #tpu.memory_space<semaphore_mem>>) src(%dma_wait3A_228 : memref<2605056x32xf32, #tpu.memory_space<hbm>>) dst(%arg10 : memref<832x32xf32, #tpu.memory_space<vmem>>)
    %scan3A_229 = arith.constant 0 : i32
    %scan3A_230 = arith.constant 0 : i32
    %scan3A_231 = arith.constant 26 : i32
    %scan3A_232 = arith.addi %scan3A_230, %scan3A_231 : i32
    %scan3A_233 = arith.constant 1 : i32
    scf.for %scan3A_422 = %scan3A_230 to %scan3A_232 step %scan3A_233  : i32 {
      %get3A = arith.index_cast %scan3A_422 : i32 to index
      %get3A_423 = arith.constant 0 : index
      %get3A_424 = tpu.vector_load %arg9[%get3A, %get3A_423] {strides = array<i32>} : memref<26x32xf32, #tpu.memory_space<vmem>>, vector<1x16xf32>,
      %get3A_425 = vector.shape_cast %get3A_424 : vector<1x16xf32> to vector<16xf32>
      %get3A_426 = arith.index_cast %scan3A_422 : i32 to index
      %get3A_427 = arith.constant 16 : index
      %get3A_428 = tpu.vector_load %arg9[%get3A_426, %get3A_427] {strides = array<i32>} : memref<26x32xf32, #tpu.memory_space<vmem>>, vector<1x16xf32>,
      %get3A_429 = vector.shape_cast %get3A_428 : vector<1x16xf32> to vector<16xf32>
      %scan3A_430 = arith.constant 0 : i32
      %scan3A_431 = arith.constant 32 : i32
      %scan3A_432 = arith.addi %scan3A_430, %scan3A_431 : i32
      %scan3A_433 = arith.constant 1 : i32
      scf.for %scan3A_435 = %scan3A_430 to %scan3A_432 step %scan3A_433  : i32 {
        %mul3A_436 = arith.constant 26 : i32
        %mul3A_437 = arith.muli %scan3A_435, %mul3A_436 : i32
        %add3A_438 = arith.addi %mul3A_437, %scan3A_422 : i32
        %get3A_439 = arith.index_cast %add3A_438 : i32 to index
        %get3A_440 = arith.constant 0 : index
        %get3A_441 = tpu.vector_load %arg10[%get3A_439, %get3A_440] {strides = array<i32>} : memref<832x32xf32, #tpu.memory_space<vmem>>, vector<1x16xf32>,
        %get3A_442 = vector.shape_cast %get3A_441 : vector<1x16xf32> to vector<16xf32>
        %add3A_443 = arith.addf %get3A_442, %get3A_425 : vector<16xf32>
        %swap3A = arith.index_cast %add3A_438 : i32 to index
        %swap3A_444 = arith.constant 0 : index
        %swap3A_445 = tpu.vector_load %arg10[%swap3A, %swap3A_444] {strides = array<i32>} : memref<832x32xf32, #tpu.memory_space<vmem>>, vector<1x16xf32>,
        %swap3A_446 = vector.shape_cast %swap3A_445 : vector<1x16xf32> to vector<16xf32>
        %swap3A_447 = vector.shape_cast %add3A_443 : vector<16xf32> to vector<1x16xf32>
        tpu.vector_store %arg10[%swap3A, %swap3A_444], %swap3A_447 {strides = array<i32>} : memref<832x32xf32, #tpu.memory_space<vmem>>, vector<1x16xf32>,
        %get3A_448 = arith.index_cast %add3A_438 : i32 to index
        %get3A_449 = arith.constant 16 : index
        %get3A_450 = tpu.vector_load %arg10[%get3A_448, %get3A_449] {strides = array<i32>} : memref<832x32xf32, #tpu.memory_space<vmem>>, vector<1x16xf32>,
        %get3A_451 = vector.shape_cast %get3A_450 : vector<1x16xf32> to vector<16xf32>
        %add3A_452 = arith.addf %get3A_451, %get3A_429 : vector<16xf32>
        %swap3A_453 = arith.index_cast %add3A_438 : i32 to index
        %swap3A_454 = arith.constant 16 : index
        %swap3A_455 = tpu.vector_load %arg10[%swap3A_453, %swap3A_454] {strides = array<i32>} : memref<832x32xf32, #tpu.memory_space<vmem>>, vector<1x16xf32>,
        %swap3A_456 = vector.shape_cast %swap3A_455 : vector<1x16xf32> to vector<16xf32>
        %swap3A_457 = vector.shape_cast %add3A_452 : vector<16xf32> to vector<1x16xf32>
        tpu.vector_store %arg10[%swap3A_453, %swap3A_454], %swap3A_457 {strides = array<i32>} : memref<832x32xf32, #tpu.memory_space<vmem>>, vector<1x16xf32>,
      }
      %scan3A_434 = arith.constant 32 : i32
    }
    %scan3A_234 = arith.constant 26 : i32
    %add3A_235 = arith.constant 6656 : i32
    %add3A_236 = arith.addi %mul3A_2, %add3A_235 : i32
    %dma_start3A_237 = arith.constant 0 : i32
    %dma_start3A_238 = tpu.memref_slice %arg6[%add3A_236, %dma_start3A_237] : memref<425984x32xf32, #tpu.memory_space<hbm>> -> memref<832x32xf32, #tpu.memory_space<hbm>>
    %dma_start3A_239 = arith.constant 0 : i32
    %dma_start3A_240 = tpu.memref_slice %arg6[%add3A_236, %dma_start3A_239] : memref<425984x32xf32, #tpu.memory_space<hbm>> -> memref<832x32xf32, #tpu.memory_space<hbm>>
    tpu.enqueue_dma source(%arg10 : memref<832x32xf32, #tpu.memory_space<vmem>>) target(%dma_start3A_240 : memref<832x32xf32, #tpu.memory_space<hbm>>) target_semaphore(%arg14 : memref<!tpu.dma_semaphore, #tpu.memory_space<semaphore_mem>>)
    %dma_wait3A_241 = arith.constant 0 : i32
    %dma_wait3A_242 = tpu.memref_slice %arg6[%add3A_236, %dma_wait3A_241] : memref<425984x32xf32, #tpu.memory_space<hbm>> -> memref<832x32xf32, #tpu.memory_space<hbm>>
    %dma_wait3A_243 = arith.constant 0 : i32
    %dma_wait3A_244 = tpu.memref_slice %arg6[%add3A_236, %dma_wait3A_243] : memref<425984x32xf32, #tpu.memory_space<hbm>> -> memref<832x32xf32, #tpu.memory_space<hbm>>
    tpu.wait_dma2 semaphore(%arg14 : memref<!tpu.dma_semaphore, #tpu.memory_space<semaphore_mem>>) src(%arg10 : memref<832x32xf32, #tpu.memory_space<vmem>>) dst(%dma_wait3A_244 : memref<832x32xf32, #tpu.memory_space<hbm>>)
    %dma_start3A_245 = arith.constant 8320 : i32
    %dma_start3A_246 = tpu.memref_slice %arg7[%dma_start3A_245] : memref<13312xi32, #tpu.memory_space<vmem>> -> memref<832xi32, #tpu.memory_space<vmem>>
    %dma_start3A_247 = arith.constant 0 : i32
    %dma_start3A_248 = arith.constant 0 : i32
    %dma_start3A_249 = tpu.memref_slice %arg3[%dma_start3A_247, %dma_start3A_248] : memref<2605056x32xf32, #tpu.memory_space<hbm>> -> memref<2605056x32xf32, #tpu.memory_space<hbm>>
    tpu.enqueue_indirect_dma source(%dma_start3A_249 : memref<2605056x32xf32, #tpu.memory_space<hbm>>) target(%arg10 : memref<832x32xf32, #tpu.memory_space<vmem>>) offsets(%dma_start3A_246 : memref<832xi32, #tpu.memory_space<vmem>>) semaphore(%arg12 : memref<!tpu.dma_semaphore, #tpu.memory_space<semaphore_mem>>)
    %dma_wait3A_250 = arith.constant 7488 : i32
    %dma_wait3A_251 = tpu.memref_slice %arg7[%dma_wait3A_250] : memref<13312xi32, #tpu.memory_space<vmem>> -> memref<832xi32, #tpu.memory_space<vmem>>
    %dma_wait3A_252 = arith.constant 0 : i32
    %dma_wait3A_253 = arith.constant 0 : i32
    %dma_wait3A_254 = tpu.memref_slice %arg3[%dma_wait3A_252, %dma_wait3A_253] : memref<2605056x32xf32, #tpu.memory_space<hbm>> -> memref<2605056x32xf32, #tpu.memory_space<hbm>>
    tpu.wait_indirect_dma semaphore(%arg13 : memref<!tpu.dma_semaphore, #tpu.memory_space<semaphore_mem>>) src(%dma_wait3A_254 : memref<2605056x32xf32, #tpu.memory_space<hbm>>) dst(%arg11 : memref<832x32xf32, #tpu.memory_space<vmem>>)
    %scan3A_255 = arith.constant 0 : i32
    %scan3A_256 = arith.constant 0 : i32
    %scan3A_257 = arith.constant 26 : i32
    %scan3A_258 = arith.addi %scan3A_256, %scan3A_257 : i32
    %scan3A_259 = arith.constant 1 : i32
    scf.for %scan3A_422 = %scan3A_256 to %scan3A_258 step %scan3A_259  : i32 {
      %get3A = arith.index_cast %scan3A_422 : i32 to index
      %get3A_423 = arith.constant 0 : index
      %get3A_424 = tpu.vector_load %arg9[%get3A, %get3A_423] {strides = array<i32>} : memref<26x32xf32, #tpu.memory_space<vmem>>, vector<1x16xf32>,
      %get3A_425 = vector.shape_cast %get3A_424 : vector<1x16xf32> to vector<16xf32>
      %get3A_426 = arith.index_cast %scan3A_422 : i32 to index
      %get3A_427 = arith.constant 16 : index
      %get3A_428 = tpu.vector_load %arg9[%get3A_426, %get3A_427] {strides = array<i32>} : memref<26x32xf32, #tpu.memory_space<vmem>>, vector<1x16xf32>,
      %get3A_429 = vector.shape_cast %get3A_428 : vector<1x16xf32> to vector<16xf32>
      %scan3A_430 = arith.constant 0 : i32
      %scan3A_431 = arith.constant 32 : i32
      %scan3A_432 = arith.addi %scan3A_430, %scan3A_431 : i32
      %scan3A_433 = arith.constant 1 : i32
      scf.for %scan3A_435 = %scan3A_430 to %scan3A_432 step %scan3A_433  : i32 {
        %mul3A_436 = arith.constant 26 : i32
        %mul3A_437 = arith.muli %scan3A_435, %mul3A_436 : i32
        %add3A_438 = arith.addi %mul3A_437, %scan3A_422 : i32
        %get3A_439 = arith.index_cast %add3A_438 : i32 to index
        %get3A_440 = arith.constant 0 : index
        %get3A_441 = tpu.vector_load %arg11[%get3A_439, %get3A_440] {strides = array<i32>} : memref<832x32xf32, #tpu.memory_space<vmem>>, vector<1x16xf32>,
        %get3A_442 = vector.shape_cast %get3A_441 : vector<1x16xf32> to vector<16xf32>
        %add3A_443 = arith.addf %get3A_442, %get3A_425 : vector<16xf32>
        %swap3A = arith.index_cast %add3A_438 : i32 to index
        %swap3A_444 = arith.constant 0 : index
        %swap3A_445 = tpu.vector_load %arg11[%swap3A, %swap3A_444] {strides = array<i32>} : memref<832x32xf32, #tpu.memory_space<vmem>>, vector<1x16xf32>,
        %swap3A_446 = vector.shape_cast %swap3A_445 : vector<1x16xf32> to vector<16xf32>
        %swap3A_447 = vector.shape_cast %add3A_443 : vector<16xf32> to vector<1x16xf32>
        tpu.vector_store %arg11[%swap3A, %swap3A_444], %swap3A_447 {strides = array<i32>} : memref<832x32xf32, #tpu.memory_space<vmem>>, vector<1x16xf32>,
        %get3A_448 = arith.index_cast %add3A_438 : i32 to index
        %get3A_449 = arith.constant 16 : index
        %get3A_450 = tpu.vector_load %arg11[%get3A_448, %get3A_449] {strides = array<i32>} : memref<832x32xf32, #tpu.memory_space<vmem>>, vector<1x16xf32>,
        %get3A_451 = vector.shape_cast %get3A_450 : vector<1x16xf32> to vector<16xf32>
        %add3A_452 = arith.addf %get3A_451, %get3A_429 : vector<16xf32>
        %swap3A_453 = arith.index_cast %add3A_438 : i32 to index
        %swap3A_454 = arith.constant 16 : index
        %swap3A_455 = tpu.vector_load %arg11[%swap3A_453, %swap3A_454] {strides = array<i32>} : memref<832x32xf32, #tpu.memory_space<vmem>>, vector<1x16xf32>,
        %swap3A_456 = vector.shape_cast %swap3A_455 : vector<1x16xf32> to vector<16xf32>
        %swap3A_457 = vector.shape_cast %add3A_452 : vector<16xf32> to vector<1x16xf32>
        tpu.vector_store %arg11[%swap3A_453, %swap3A_454], %swap3A_457 {strides = array<i32>} : memref<832x32xf32, #tpu.memory_space<vmem>>, vector<1x16xf32>,
      }
      %scan3A_434 = arith.constant 32 : i32
    }
    %scan3A_260 = arith.constant 26 : i32
    %add3A_261 = arith.constant 7488 : i32
    %add3A_262 = arith.addi %mul3A_2, %add3A_261 : i32
    %dma_start3A_263 = arith.constant 0 : i32
    %dma_start3A_264 = tpu.memref_slice %arg6[%add3A_262, %dma_start3A_263] : memref<425984x32xf32, #tpu.memory_space<hbm>> -> memref<832x32xf32, #tpu.memory_space<hbm>>
    %dma_start3A_265 = arith.constant 0 : i32
    %dma_start3A_266 = tpu.memref_slice %arg6[%add3A_262, %dma_start3A_265] : memref<425984x32xf32, #tpu.memory_space<hbm>> -> memref<832x32xf32, #tpu.memory_space<hbm>>
    tpu.enqueue_dma source(%arg11 : memref<832x32xf32, #tpu.memory_space<vmem>>) target(%dma_start3A_266 : memref<832x32xf32, #tpu.memory_space<hbm>>) target_semaphore(%arg15 : memref<!tpu.dma_semaphore, #tpu.memory_space<semaphore_mem>>)
    %dma_wait3A_267 = arith.constant 0 : i32
    %dma_wait3A_268 = tpu.memref_slice %arg6[%add3A_262, %dma_wait3A_267] : memref<425984x32xf32, #tpu.memory_space<hbm>> -> memref<832x32xf32, #tpu.memory_space<hbm>>
    %dma_wait3A_269 = arith.constant 0 : i32
    %dma_wait3A_270 = tpu.memref_slice %arg6[%add3A_262, %dma_wait3A_269] : memref<425984x32xf32, #tpu.memory_space<hbm>> -> memref<832x32xf32, #tpu.memory_space<hbm>>
    tpu.wait_dma2 semaphore(%arg15 : memref<!tpu.dma_semaphore, #tpu.memory_space<semaphore_mem>>) src(%arg11 : memref<832x32xf32, #tpu.memory_space<vmem>>) dst(%dma_wait3A_270 : memref<832x32xf32, #tpu.memory_space<hbm>>)
    %dma_start3A_271 = arith.constant 9152 : i32
    %dma_start3A_272 = tpu.memref_slice %arg7[%dma_start3A_271] : memref<13312xi32, #tpu.memory_space<vmem>> -> memref<832xi32, #tpu.memory_space<vmem>>
    %dma_start3A_273 = arith.constant 0 : i32
    %dma_start3A_274 = arith.constant 0 : i32
    %dma_start3A_275 = tpu.memref_slice %arg3[%dma_start3A_273, %dma_start3A_274] : memref<2605056x32xf32, #tpu.memory_space<hbm>> -> memref<2605056x32xf32, #tpu.memory_space<hbm>>
    tpu.enqueue_indirect_dma source(%dma_start3A_275 : memref<2605056x32xf32, #tpu.memory_space<hbm>>) target(%arg11 : memref<832x32xf32, #tpu.memory_space<vmem>>) offsets(%dma_start3A_272 : memref<832xi32, #tpu.memory_space<vmem>>) semaphore(%arg13 : memref<!tpu.dma_semaphore, #tpu.memory_space<semaphore_mem>>)
    %dma_wait3A_276 = arith.constant 8320 : i32
    %dma_wait3A_277 = tpu.memref_slice %arg7[%dma_wait3A_276] : memref<13312xi32, #tpu.memory_space<vmem>> -> memref<832xi32, #tpu.memory_space<vmem>>
    %dma_wait3A_278 = arith.constant 0 : i32
    %dma_wait3A_279 = arith.constant 0 : i32
    %dma_wait3A_280 = tpu.memref_slice %arg3[%dma_wait3A_278, %dma_wait3A_279] : memref<2605056x32xf32, #tpu.memory_space<hbm>> -> memref<2605056x32xf32, #tpu.memory_space<hbm>>
    tpu.wait_indirect_dma semaphore(%arg12 : memref<!tpu.dma_semaphore, #tpu.memory_space<semaphore_mem>>) src(%dma_wait3A_280 : memref<2605056x32xf32, #tpu.memory_space<hbm>>) dst(%arg10 : memref<832x32xf32, #tpu.memory_space<vmem>>)
    %scan3A_281 = arith.constant 0 : i32
    %scan3A_282 = arith.constant 0 : i32
    %scan3A_283 = arith.constant 26 : i32
    %scan3A_284 = arith.addi %scan3A_282, %scan3A_283 : i32
    %scan3A_285 = arith.constant 1 : i32
    scf.for %scan3A_422 = %scan3A_282 to %scan3A_284 step %scan3A_285  : i32 {
      %get3A = arith.index_cast %scan3A_422 : i32 to index
      %get3A_423 = arith.constant 0 : index
      %get3A_424 = tpu.vector_load %arg9[%get3A, %get3A_423] {strides = array<i32>} : memref<26x32xf32, #tpu.memory_space<vmem>>, vector<1x16xf32>,
      %get3A_425 = vector.shape_cast %get3A_424 : vector<1x16xf32> to vector<16xf32>
      %get3A_426 = arith.index_cast %scan3A_422 : i32 to index
      %get3A_427 = arith.constant 16 : index
      %get3A_428 = tpu.vector_load %arg9[%get3A_426, %get3A_427] {strides = array<i32>} : memref<26x32xf32, #tpu.memory_space<vmem>>, vector<1x16xf32>,
      %get3A_429 = vector.shape_cast %get3A_428 : vector<1x16xf32> to vector<16xf32>
      %scan3A_430 = arith.constant 0 : i32
      %scan3A_431 = arith.constant 32 : i32
      %scan3A_432 = arith.addi %scan3A_430, %scan3A_431 : i32
      %scan3A_433 = arith.constant 1 : i32
      scf.for %scan3A_435 = %scan3A_430 to %scan3A_432 step %scan3A_433  : i32 {
        %mul3A_436 = arith.constant 26 : i32
        %mul3A_437 = arith.muli %scan3A_435, %mul3A_436 : i32
        %add3A_438 = arith.addi %mul3A_437, %scan3A_422 : i32
        %get3A_439 = arith.index_cast %add3A_438 : i32 to index
        %get3A_440 = arith.constant 0 : index
        %get3A_441 = tpu.vector_load %arg10[%get3A_439, %get3A_440] {strides = array<i32>} : memref<832x32xf32, #tpu.memory_space<vmem>>, vector<1x16xf32>,
        %get3A_442 = vector.shape_cast %get3A_441 : vector<1x16xf32> to vector<16xf32>
        %add3A_443 = arith.addf %get3A_442, %get3A_425 : vector<16xf32>
        %swap3A = arith.index_cast %add3A_438 : i32 to index
        %swap3A_444 = arith.constant 0 : index
        %swap3A_445 = tpu.vector_load %arg10[%swap3A, %swap3A_444] {strides = array<i32>} : memref<832x32xf32, #tpu.memory_space<vmem>>, vector<1x16xf32>,
        %swap3A_446 = vector.shape_cast %swap3A_445 : vector<1x16xf32> to vector<16xf32>
        %swap3A_447 = vector.shape_cast %add3A_443 : vector<16xf32> to vector<1x16xf32>
        tpu.vector_store %arg10[%swap3A, %swap3A_444], %swap3A_447 {strides = array<i32>} : memref<832x32xf32, #tpu.memory_space<vmem>>, vector<1x16xf32>,
        %get3A_448 = arith.index_cast %add3A_438 : i32 to index
        %get3A_449 = arith.constant 16 : index
        %get3A_450 = tpu.vector_load %arg10[%get3A_448, %get3A_449] {strides = array<i32>} : memref<832x32xf32, #tpu.memory_space<vmem>>, vector<1x16xf32>,
        %get3A_451 = vector.shape_cast %get3A_450 : vector<1x16xf32> to vector<16xf32>
        %add3A_452 = arith.addf %get3A_451, %get3A_429 : vector<16xf32>
        %swap3A_453 = arith.index_cast %add3A_438 : i32 to index
        %swap3A_454 = arith.constant 16 : index
        %swap3A_455 = tpu.vector_load %arg10[%swap3A_453, %swap3A_454] {strides = array<i32>} : memref<832x32xf32, #tpu.memory_space<vmem>>, vector<1x16xf32>,
        %swap3A_456 = vector.shape_cast %swap3A_455 : vector<1x16xf32> to vector<16xf32>
        %swap3A_457 = vector.shape_cast %add3A_452 : vector<16xf32> to vector<1x16xf32>
        tpu.vector_store %arg10[%swap3A_453, %swap3A_454], %swap3A_457 {strides = array<i32>} : memref<832x32xf32, #tpu.memory_space<vmem>>, vector<1x16xf32>,
      }
      %scan3A_434 = arith.constant 32 : i32
    }
    %scan3A_286 = arith.constant 26 : i32
    %add3A_287 = arith.constant 8320 : i32
    %add3A_288 = arith.addi %mul3A_2, %add3A_287 : i32
    %dma_start3A_289 = arith.constant 0 : i32
    %dma_start3A_290 = tpu.memref_slice %arg6[%add3A_288, %dma_start3A_289] : memref<425984x32xf32, #tpu.memory_space<hbm>> -> memref<832x32xf32, #tpu.memory_space<hbm>>
    %dma_start3A_291 = arith.constant 0 : i32
    %dma_start3A_292 = tpu.memref_slice %arg6[%add3A_288, %dma_start3A_291] : memref<425984x32xf32, #tpu.memory_space<hbm>> -> memref<832x32xf32, #tpu.memory_space<hbm>>
    tpu.enqueue_dma source(%arg10 : memref<832x32xf32, #tpu.memory_space<vmem>>) target(%dma_start3A_292 : memref<832x32xf32, #tpu.memory_space<hbm>>) target_semaphore(%arg14 : memref<!tpu.dma_semaphore, #tpu.memory_space<semaphore_mem>>)
    %dma_wait3A_293 = arith.constant 0 : i32
    %dma_wait3A_294 = tpu.memref_slice %arg6[%add3A_288, %dma_wait3A_293] : memref<425984x32xf32, #tpu.memory_space<hbm>> -> memref<832x32xf32, #tpu.memory_space<hbm>>
    %dma_wait3A_295 = arith.constant 0 : i32
    %dma_wait3A_296 = tpu.memref_slice %arg6[%add3A_288, %dma_wait3A_295] : memref<425984x32xf32, #tpu.memory_space<hbm>> -> memref<832x32xf32, #tpu.memory_space<hbm>>
    tpu.wait_dma2 semaphore(%arg14 : memref<!tpu.dma_semaphore, #tpu.memory_space<semaphore_mem>>) src(%arg10 : memref<832x32xf32, #tpu.memory_space<vmem>>) dst(%dma_wait3A_296 : memref<832x32xf32, #tpu.memory_space<hbm>>)
    %dma_start3A_297 = arith.constant 9984 : i32
    %dma_start3A_298 = tpu.memref_slice %arg7[%dma_start3A_297] : memref<13312xi32, #tpu.memory_space<vmem>> -> memref<832xi32, #tpu.memory_space<vmem>>
    %dma_start3A_299 = arith.constant 0 : i32
    %dma_start3A_300 = arith.constant 0 : i32
    %dma_start3A_301 = tpu.memref_slice %arg3[%dma_start3A_299, %dma_start3A_300] : memref<2605056x32xf32, #tpu.memory_space<hbm>> -> memref<2605056x32xf32, #tpu.memory_space<hbm>>
    tpu.enqueue_indirect_dma source(%dma_start3A_301 : memref<2605056x32xf32, #tpu.memory_space<hbm>>) target(%arg10 : memref<832x32xf32, #tpu.memory_space<vmem>>) offsets(%dma_start3A_298 : memref<832xi32, #tpu.memory_space<vmem>>) semaphore(%arg12 : memref<!tpu.dma_semaphore, #tpu.memory_space<semaphore_mem>>)
    %dma_wait3A_302 = arith.constant 9152 : i32
    %dma_wait3A_303 = tpu.memref_slice %arg7[%dma_wait3A_302] : memref<13312xi32, #tpu.memory_space<vmem>> -> memref<832xi32, #tpu.memory_space<vmem>>
    %dma_wait3A_304 = arith.constant 0 : i32
    %dma_wait3A_305 = arith.constant 0 : i32
    %dma_wait3A_306 = tpu.memref_slice %arg3[%dma_wait3A_304, %dma_wait3A_305] : memref<2605056x32xf32, #tpu.memory_space<hbm>> -> memref<2605056x32xf32, #tpu.memory_space<hbm>>
    tpu.wait_indirect_dma semaphore(%arg13 : memref<!tpu.dma_semaphore, #tpu.memory_space<semaphore_mem>>) src(%dma_wait3A_306 : memref<2605056x32xf32, #tpu.memory_space<hbm>>) dst(%arg11 : memref<832x32xf32, #tpu.memory_space<vmem>>)
    %scan3A_307 = arith.constant 0 : i32
    %scan3A_308 = arith.constant 0 : i32
    %scan3A_309 = arith.constant 26 : i32
    %scan3A_310 = arith.addi %scan3A_308, %scan3A_309 : i32
    %scan3A_311 = arith.constant 1 : i32
    scf.for %scan3A_422 = %scan3A_308 to %scan3A_310 step %scan3A_311  : i32 {
      %get3A = arith.index_cast %scan3A_422 : i32 to index
      %get3A_423 = arith.constant 0 : index
      %get3A_424 = tpu.vector_load %arg9[%get3A, %get3A_423] {strides = array<i32>} : memref<26x32xf32, #tpu.memory_space<vmem>>, vector<1x16xf32>,
      %get3A_425 = vector.shape_cast %get3A_424 : vector<1x16xf32> to vector<16xf32>
      %get3A_426 = arith.index_cast %scan3A_422 : i32 to index
      %get3A_427 = arith.constant 16 : index
      %get3A_428 = tpu.vector_load %arg9[%get3A_426, %get3A_427] {strides = array<i32>} : memref<26x32xf32, #tpu.memory_space<vmem>>, vector<1x16xf32>,
      %get3A_429 = vector.shape_cast %get3A_428 : vector<1x16xf32> to vector<16xf32>
      %scan3A_430 = arith.constant 0 : i32
      %scan3A_431 = arith.constant 32 : i32
      %scan3A_432 = arith.addi %scan3A_430, %scan3A_431 : i32
      %scan3A_433 = arith.constant 1 : i32
      scf.for %scan3A_435 = %scan3A_430 to %scan3A_432 step %scan3A_433  : i32 {
        %mul3A_436 = arith.constant 26 : i32
        %mul3A_437 = arith.muli %scan3A_435, %mul3A_436 : i32
        %add3A_438 = arith.addi %mul3A_437, %scan3A_422 : i32
        %get3A_439 = arith.index_cast %add3A_438 : i32 to index
        %get3A_440 = arith.constant 0 : index
        %get3A_441 = tpu.vector_load %arg11[%get3A_439, %get3A_440] {strides = array<i32>} : memref<832x32xf32, #tpu.memory_space<vmem>>, vector<1x16xf32>,
        %get3A_442 = vector.shape_cast %get3A_441 : vector<1x16xf32> to vector<16xf32>
        %add3A_443 = arith.addf %get3A_442, %get3A_425 : vector<16xf32>
        %swap3A = arith.index_cast %add3A_438 : i32 to index
        %swap3A_444 = arith.constant 0 : index
        %swap3A_445 = tpu.vector_load %arg11[%swap3A, %swap3A_444] {strides = array<i32>} : memref<832x32xf32, #tpu.memory_space<vmem>>, vector<1x16xf32>,
        %swap3A_446 = vector.shape_cast %swap3A_445 : vector<1x16xf32> to vector<16xf32>
        %swap3A_447 = vector.shape_cast %add3A_443 : vector<16xf32> to vector<1x16xf32>
        tpu.vector_store %arg11[%swap3A, %swap3A_444], %swap3A_447 {strides = array<i32>} : memref<832x32xf32, #tpu.memory_space<vmem>>, vector<1x16xf32>,
        %get3A_448 = arith.index_cast %add3A_438 : i32 to index
        %get3A_449 = arith.constant 16 : index
        %get3A_450 = tpu.vector_load %arg11[%get3A_448, %get3A_449] {strides = array<i32>} : memref<832x32xf32, #tpu.memory_space<vmem>>, vector<1x16xf32>,
        %get3A_451 = vector.shape_cast %get3A_450 : vector<1x16xf32> to vector<16xf32>
        %add3A_452 = arith.addf %get3A_451, %get3A_429 : vector<16xf32>
        %swap3A_453 = arith.index_cast %add3A_438 : i32 to index
        %swap3A_454 = arith.constant 16 : index
        %swap3A_455 = tpu.vector_load %arg11[%swap3A_453, %swap3A_454] {strides = array<i32>} : memref<832x32xf32, #tpu.memory_space<vmem>>, vector<1x16xf32>,
        %swap3A_456 = vector.shape_cast %swap3A_455 : vector<1x16xf32> to vector<16xf32>
        %swap3A_457 = vector.shape_cast %add3A_452 : vector<16xf32> to vector<1x16xf32>
        tpu.vector_store %arg11[%swap3A_453, %swap3A_454], %swap3A_457 {strides = array<i32>} : memref<832x32xf32, #tpu.memory_space<vmem>>, vector<1x16xf32>,
      }
      %scan3A_434 = arith.constant 32 : i32
    }
    %scan3A_312 = arith.constant 26 : i32
    %add3A_313 = arith.constant 9152 : i32
    %add3A_314 = arith.addi %mul3A_2, %add3A_313 : i32
    %dma_start3A_315 = arith.constant 0 : i32
    %dma_start3A_316 = tpu.memref_slice %arg6[%add3A_314, %dma_start3A_315] : memref<425984x32xf32, #tpu.memory_space<hbm>> -> memref<832x32xf32, #tpu.memory_space<hbm>>
    %dma_start3A_317 = arith.constant 0 : i32
    %dma_start3A_318 = tpu.memref_slice %arg6[%add3A_314, %dma_start3A_317] : memref<425984x32xf32, #tpu.memory_space<hbm>> -> memref<832x32xf32, #tpu.memory_space<hbm>>
    tpu.enqueue_dma source(%arg11 : memref<832x32xf32, #tpu.memory_space<vmem>>) target(%dma_start3A_318 : memref<832x32xf32, #tpu.memory_space<hbm>>) target_semaphore(%arg15 : memref<!tpu.dma_semaphore, #tpu.memory_space<semaphore_mem>>)
    %dma_wait3A_319 = arith.constant 0 : i32
    %dma_wait3A_320 = tpu.memref_slice %arg6[%add3A_314, %dma_wait3A_319] : memref<425984x32xf32, #tpu.memory_space<hbm>> -> memref<832x32xf32, #tpu.memory_space<hbm>>
    %dma_wait3A_321 = arith.constant 0 : i32
    %dma_wait3A_322 = tpu.memref_slice %arg6[%add3A_314, %dma_wait3A_321] : memref<425984x32xf32, #tpu.memory_space<hbm>> -> memref<832x32xf32, #tpu.memory_space<hbm>>
    tpu.wait_dma2 semaphore(%arg15 : memref<!tpu.dma_semaphore, #tpu.memory_space<semaphore_mem>>) src(%arg11 : memref<832x32xf32, #tpu.memory_space<vmem>>) dst(%dma_wait3A_322 : memref<832x32xf32, #tpu.memory_space<hbm>>)
    %dma_start3A_323 = arith.constant 10816 : i32
    %dma_start3A_324 = tpu.memref_slice %arg7[%dma_start3A_323] : memref<13312xi32, #tpu.memory_space<vmem>> -> memref<832xi32, #tpu.memory_space<vmem>>
    %dma_start3A_325 = arith.constant 0 : i32
    %dma_start3A_326 = arith.constant 0 : i32
    %dma_start3A_327 = tpu.memref_slice %arg3[%dma_start3A_325, %dma_start3A_326] : memref<2605056x32xf32, #tpu.memory_space<hbm>> -> memref<2605056x32xf32, #tpu.memory_space<hbm>>
    tpu.enqueue_indirect_dma source(%dma_start3A_327 : memref<2605056x32xf32, #tpu.memory_space<hbm>>) target(%arg11 : memref<832x32xf32, #tpu.memory_space<vmem>>) offsets(%dma_start3A_324 : memref<832xi32, #tpu.memory_space<vmem>>) semaphore(%arg13 : memref<!tpu.dma_semaphore, #tpu.memory_space<semaphore_mem>>)
    %dma_wait3A_328 = arith.constant 9984 : i32
    %dma_wait3A_329 = tpu.memref_slice %arg7[%dma_wait3A_328] : memref<13312xi32, #tpu.memory_space<vmem>> -> memref<832xi32, #tpu.memory_space<vmem>>
    %dma_wait3A_330 = arith.constant 0 : i32
    %dma_wait3A_331 = arith.constant 0 : i32
    %dma_wait3A_332 = tpu.memref_slice %arg3[%dma_wait3A_330, %dma_wait3A_331] : memref<2605056x32xf32, #tpu.memory_space<hbm>> -> memref<2605056x32xf32, #tpu.memory_space<hbm>>
    tpu.wait_indirect_dma semaphore(%arg12 : memref<!tpu.dma_semaphore, #tpu.memory_space<semaphore_mem>>) src(%dma_wait3A_332 : memref<2605056x32xf32, #tpu.memory_space<hbm>>) dst(%arg10 : memref<832x32xf32, #tpu.memory_space<vmem>>)
    %scan3A_333 = arith.constant 0 : i32
    %scan3A_334 = arith.constant 0 : i32
    %scan3A_335 = arith.constant 26 : i32
    %scan3A_336 = arith.addi %scan3A_334, %scan3A_335 : i32
    %scan3A_337 = arith.constant 1 : i32
    scf.for %scan3A_422 = %scan3A_334 to %scan3A_336 step %scan3A_337  : i32 {
      %get3A = arith.index_cast %scan3A_422 : i32 to index
      %get3A_423 = arith.constant 0 : index
      %get3A_424 = tpu.vector_load %arg9[%get3A, %get3A_423] {strides = array<i32>} : memref<26x32xf32, #tpu.memory_space<vmem>>, vector<1x16xf32>,
      %get3A_425 = vector.shape_cast %get3A_424 : vector<1x16xf32> to vector<16xf32>
      %get3A_426 = arith.index_cast %scan3A_422 : i32 to index
      %get3A_427 = arith.constant 16 : index
      %get3A_428 = tpu.vector_load %arg9[%get3A_426, %get3A_427] {strides = array<i32>} : memref<26x32xf32, #tpu.memory_space<vmem>>, vector<1x16xf32>,
      %get3A_429 = vector.shape_cast %get3A_428 : vector<1x16xf32> to vector<16xf32>
      %scan3A_430 = arith.constant 0 : i32
      %scan3A_431 = arith.constant 32 : i32
      %scan3A_432 = arith.addi %scan3A_430, %scan3A_431 : i32
      %scan3A_433 = arith.constant 1 : i32
      scf.for %scan3A_435 = %scan3A_430 to %scan3A_432 step %scan3A_433  : i32 {
        %mul3A_436 = arith.constant 26 : i32
        %mul3A_437 = arith.muli %scan3A_435, %mul3A_436 : i32
        %add3A_438 = arith.addi %mul3A_437, %scan3A_422 : i32
        %get3A_439 = arith.index_cast %add3A_438 : i32 to index
        %get3A_440 = arith.constant 0 : index
        %get3A_441 = tpu.vector_load %arg10[%get3A_439, %get3A_440] {strides = array<i32>} : memref<832x32xf32, #tpu.memory_space<vmem>>, vector<1x16xf32>,
        %get3A_442 = vector.shape_cast %get3A_441 : vector<1x16xf32> to vector<16xf32>
        %add3A_443 = arith.addf %get3A_442, %get3A_425 : vector<16xf32>
        %swap3A = arith.index_cast %add3A_438 : i32 to index
        %swap3A_444 = arith.constant 0 : index
        %swap3A_445 = tpu.vector_load %arg10[%swap3A, %swap3A_444] {strides = array<i32>} : memref<832x32xf32, #tpu.memory_space<vmem>>, vector<1x16xf32>,
        %swap3A_446 = vector.shape_cast %swap3A_445 : vector<1x16xf32> to vector<16xf32>
        %swap3A_447 = vector.shape_cast %add3A_443 : vector<16xf32> to vector<1x16xf32>
        tpu.vector_store %arg10[%swap3A, %swap3A_444], %swap3A_447 {strides = array<i32>} : memref<832x32xf32, #tpu.memory_space<vmem>>, vector<1x16xf32>,
        %get3A_448 = arith.index_cast %add3A_438 : i32 to index
        %get3A_449 = arith.constant 16 : index
        %get3A_450 = tpu.vector_load %arg10[%get3A_448, %get3A_449] {strides = array<i32>} : memref<832x32xf32, #tpu.memory_space<vmem>>, vector<1x16xf32>,
        %get3A_451 = vector.shape_cast %get3A_450 : vector<1x16xf32> to vector<16xf32>
        %add3A_452 = arith.addf %get3A_451, %get3A_429 : vector<16xf32>
        %swap3A_453 = arith.index_cast %add3A_438 : i32 to index
        %swap3A_454 = arith.constant 16 : index
        %swap3A_455 = tpu.vector_load %arg10[%swap3A_453, %swap3A_454] {strides = array<i32>} : memref<832x32xf32, #tpu.memory_space<vmem>>, vector<1x16xf32>,
        %swap3A_456 = vector.shape_cast %swap3A_455 : vector<1x16xf32> to vector<16xf32>
        %swap3A_457 = vector.shape_cast %add3A_452 : vector<16xf32> to vector<1x16xf32>
        tpu.vector_store %arg10[%swap3A_453, %swap3A_454], %swap3A_457 {strides = array<i32>} : memref<832x32xf32, #tpu.memory_space<vmem>>, vector<1x16xf32>,
      }
      %scan3A_434 = arith.constant 32 : i32
    }
    %scan3A_338 = arith.constant 26 : i32
    %add3A_339 = arith.constant 9984 : i32
    %add3A_340 = arith.addi %mul3A_2, %add3A_339 : i32
    %dma_start3A_341 = arith.constant 0 : i32
    %dma_start3A_342 = tpu.memref_slice %arg6[%add3A_340, %dma_start3A_341] : memref<425984x32xf32, #tpu.memory_space<hbm>> -> memref<832x32xf32, #tpu.memory_space<hbm>>
    %dma_start3A_343 = arith.constant 0 : i32
    %dma_start3A_344 = tpu.memref_slice %arg6[%add3A_340, %dma_start3A_343] : memref<425984x32xf32, #tpu.memory_space<hbm>> -> memref<832x32xf32, #tpu.memory_space<hbm>>
    tpu.enqueue_dma source(%arg10 : memref<832x32xf32, #tpu.memory_space<vmem>>) target(%dma_start3A_344 : memref<832x32xf32, #tpu.memory_space<hbm>>) target_semaphore(%arg14 : memref<!tpu.dma_semaphore, #tpu.memory_space<semaphore_mem>>)
    %dma_wait3A_345 = arith.constant 0 : i32
    %dma_wait3A_346 = tpu.memref_slice %arg6[%add3A_340, %dma_wait3A_345] : memref<425984x32xf32, #tpu.memory_space<hbm>> -> memref<832x32xf32, #tpu.memory_space<hbm>>
    %dma_wait3A_347 = arith.constant 0 : i32
    %dma_wait3A_348 = tpu.memref_slice %arg6[%add3A_340, %dma_wait3A_347] : memref<425984x32xf32, #tpu.memory_space<hbm>> -> memref<832x32xf32, #tpu.memory_space<hbm>>
    tpu.wait_dma2 semaphore(%arg14 : memref<!tpu.dma_semaphore, #tpu.memory_space<semaphore_mem>>) src(%arg10 : memref<832x32xf32, #tpu.memory_space<vmem>>) dst(%dma_wait3A_348 : memref<832x32xf32, #tpu.memory_space<hbm>>)
    %dma_start3A_349 = arith.constant 11648 : i32
    %dma_start3A_350 = tpu.memref_slice %arg7[%dma_start3A_349] : memref<13312xi32, #tpu.memory_space<vmem>> -> memref<832xi32, #tpu.memory_space<vmem>>
    %dma_start3A_351 = arith.constant 0 : i32
    %dma_start3A_352 = arith.constant 0 : i32
    %dma_start3A_353 = tpu.memref_slice %arg3[%dma_start3A_351, %dma_start3A_352] : memref<2605056x32xf32, #tpu.memory_space<hbm>> -> memref<2605056x32xf32, #tpu.memory_space<hbm>>
    tpu.enqueue_indirect_dma source(%dma_start3A_353 : memref<2605056x32xf32, #tpu.memory_space<hbm>>) target(%arg10 : memref<832x32xf32, #tpu.memory_space<vmem>>) offsets(%dma_start3A_350 : memref<832xi32, #tpu.memory_space<vmem>>) semaphore(%arg12 : memref<!tpu.dma_semaphore, #tpu.memory_space<semaphore_mem>>)
    %dma_wait3A_354 = arith.constant 10816 : i32
    %dma_wait3A_355 = tpu.memref_slice %arg7[%dma_wait3A_354] : memref<13312xi32, #tpu.memory_space<vmem>> -> memref<832xi32, #tpu.memory_space<vmem>>
    %dma_wait3A_356 = arith.constant 0 : i32
    %dma_wait3A_357 = arith.constant 0 : i32
    %dma_wait3A_358 = tpu.memref_slice %arg3[%dma_wait3A_356, %dma_wait3A_357] : memref<2605056x32xf32, #tpu.memory_space<hbm>> -> memref<2605056x32xf32, #tpu.memory_space<hbm>>
    tpu.wait_indirect_dma semaphore(%arg13 : memref<!tpu.dma_semaphore, #tpu.memory_space<semaphore_mem>>) src(%dma_wait3A_358 : memref<2605056x32xf32, #tpu.memory_space<hbm>>) dst(%arg11 : memref<832x32xf32, #tpu.memory_space<vmem>>)
    %scan3A_359 = arith.constant 0 : i32
    %scan3A_360 = arith.constant 0 : i32
    %scan3A_361 = arith.constant 26 : i32
    %scan3A_362 = arith.addi %scan3A_360, %scan3A_361 : i32
    %scan3A_363 = arith.constant 1 : i32
    scf.for %scan3A_422 = %scan3A_360 to %scan3A_362 step %scan3A_363  : i32 {
      %get3A = arith.index_cast %scan3A_422 : i32 to index
      %get3A_423 = arith.constant 0 : index
      %get3A_424 = tpu.vector_load %arg9[%get3A, %get3A_423] {strides = array<i32>} : memref<26x32xf32, #tpu.memory_space<vmem>>, vector<1x16xf32>,
      %get3A_425 = vector.shape_cast %get3A_424 : vector<1x16xf32> to vector<16xf32>
      %get3A_426 = arith.index_cast %scan3A_422 : i32 to index
      %get3A_427 = arith.constant 16 : index
      %get3A_428 = tpu.vector_load %arg9[%get3A_426, %get3A_427] {strides = array<i32>} : memref<26x32xf32, #tpu.memory_space<vmem>>, vector<1x16xf32>,
      %get3A_429 = vector.shape_cast %get3A_428 : vector<1x16xf32> to vector<16xf32>
      %scan3A_430 = arith.constant 0 : i32
      %scan3A_431 = arith.constant 32 : i32
      %scan3A_432 = arith.addi %scan3A_430, %scan3A_431 : i32
      %scan3A_433 = arith.constant 1 : i32
      scf.for %scan3A_435 = %scan3A_430 to %scan3A_432 step %scan3A_433  : i32 {
        %mul3A_436 = arith.constant 26 : i32
        %mul3A_437 = arith.muli %scan3A_435, %mul3A_436 : i32
        %add3A_438 = arith.addi %mul3A_437, %scan3A_422 : i32
        %get3A_439 = arith.index_cast %add3A_438 : i32 to index
        %get3A_440 = arith.constant 0 : index
        %get3A_441 = tpu.vector_load %arg11[%get3A_439, %get3A_440] {strides = array<i32>} : memref<832x32xf32, #tpu.memory_space<vmem>>, vector<1x16xf32>,
        %get3A_442 = vector.shape_cast %get3A_441 : vector<1x16xf32> to vector<16xf32>
        %add3A_443 = arith.addf %get3A_442, %get3A_425 : vector<16xf32>
        %swap3A = arith.index_cast %add3A_438 : i32 to index
        %swap3A_444 = arith.constant 0 : index
        %swap3A_445 = tpu.vector_load %arg11[%swap3A, %swap3A_444] {strides = array<i32>} : memref<832x32xf32, #tpu.memory_space<vmem>>, vector<1x16xf32>,
        %swap3A_446 = vector.shape_cast %swap3A_445 : vector<1x16xf32> to vector<16xf32>
        %swap3A_447 = vector.shape_cast %add3A_443 : vector<16xf32> to vector<1x16xf32>
        tpu.vector_store %arg11[%swap3A, %swap3A_444], %swap3A_447 {strides = array<i32>} : memref<832x32xf32, #tpu.memory_space<vmem>>, vector<1x16xf32>,
        %get3A_448 = arith.index_cast %add3A_438 : i32 to index
        %get3A_449 = arith.constant 16 : index
        %get3A_450 = tpu.vector_load %arg11[%get3A_448, %get3A_449] {strides = array<i32>} : memref<832x32xf32, #tpu.memory_space<vmem>>, vector<1x16xf32>,
        %get3A_451 = vector.shape_cast %get3A_450 : vector<1x16xf32> to vector<16xf32>
        %add3A_452 = arith.addf %get3A_451, %get3A_429 : vector<16xf32>
        %swap3A_453 = arith.index_cast %add3A_438 : i32 to index
        %swap3A_454 = arith.constant 16 : index
        %swap3A_455 = tpu.vector_load %arg11[%swap3A_453, %swap3A_454] {strides = array<i32>} : memref<832x32xf32, #tpu.memory_space<vmem>>, vector<1x16xf32>,
        %swap3A_456 = vector.shape_cast %swap3A_455 : vector<1x16xf32> to vector<16xf32>
        %swap3A_457 = vector.shape_cast %add3A_452 : vector<16xf32> to vector<1x16xf32>
        tpu.vector_store %arg11[%swap3A_453, %swap3A_454], %swap3A_457 {strides = array<i32>} : memref<832x32xf32, #tpu.memory_space<vmem>>, vector<1x16xf32>,
      }
      %scan3A_434 = arith.constant 32 : i32
    }
    %scan3A_364 = arith.constant 26 : i32
    %add3A_365 = arith.constant 10816 : i32
    %add3A_366 = arith.addi %mul3A_2, %add3A_365 : i32
    %dma_start3A_367 = arith.constant 0 : i32
    %dma_start3A_368 = tpu.memref_slice %arg6[%add3A_366, %dma_start3A_367] : memref<425984x32xf32, #tpu.memory_space<hbm>> -> memref<832x32xf32, #tpu.memory_space<hbm>>
    %dma_start3A_369 = arith.constant 0 : i32
    %dma_start3A_370 = tpu.memref_slice %arg6[%add3A_366, %dma_start3A_369] : memref<425984x32xf32, #tpu.memory_space<hbm>> -> memref<832x32xf32, #tpu.memory_space<hbm>>
    tpu.enqueue_dma source(%arg11 : memref<832x32xf32, #tpu.memory_space<vmem>>) target(%dma_start3A_370 : memref<832x32xf32, #tpu.memory_space<hbm>>) target_semaphore(%arg15 : memref<!tpu.dma_semaphore, #tpu.memory_space<semaphore_mem>>)
    %dma_wait3A_371 = arith.constant 0 : i32
    %dma_wait3A_372 = tpu.memref_slice %arg6[%add3A_366, %dma_wait3A_371] : memref<425984x32xf32, #tpu.memory_space<hbm>> -> memref<832x32xf32, #tpu.memory_space<hbm>>
    %dma_wait3A_373 = arith.constant 0 : i32
    %dma_wait3A_374 = tpu.memref_slice %arg6[%add3A_366, %dma_wait3A_373] : memref<425984x32xf32, #tpu.memory_space<hbm>> -> memref<832x32xf32, #tpu.memory_space<hbm>>
    tpu.wait_dma2 semaphore(%arg15 : memref<!tpu.dma_semaphore, #tpu.memory_space<semaphore_mem>>) src(%arg11 : memref<832x32xf32, #tpu.memory_space<vmem>>) dst(%dma_wait3A_374 : memref<832x32xf32, #tpu.memory_space<hbm>>)
    %dma_start3A_375 = arith.constant 12480 : i32
    %dma_start3A_376 = tpu.memref_slice %arg7[%dma_start3A_375] : memref<13312xi32, #tpu.memory_space<vmem>> -> memref<832xi32, #tpu.memory_space<vmem>>
    %dma_start3A_377 = arith.constant 0 : i32
    %dma_start3A_378 = arith.constant 0 : i32
    %dma_start3A_379 = tpu.memref_slice %arg3[%dma_start3A_377, %dma_start3A_378] : memref<2605056x32xf32, #tpu.memory_space<hbm>> -> memref<2605056x32xf32, #tpu.memory_space<hbm>>
    tpu.enqueue_indirect_dma source(%dma_start3A_379 : memref<2605056x32xf32, #tpu.memory_space<hbm>>) target(%arg11 : memref<832x32xf32, #tpu.memory_space<vmem>>) offsets(%dma_start3A_376 : memref<832xi32, #tpu.memory_space<vmem>>) semaphore(%arg13 : memref<!tpu.dma_semaphore, #tpu.memory_space<semaphore_mem>>)
    %dma_wait3A_380 = arith.constant 11648 : i32
    %dma_wait3A_381 = tpu.memref_slice %arg7[%dma_wait3A_380] : memref<13312xi32, #tpu.memory_space<vmem>> -> memref<832xi32, #tpu.memory_space<vmem>>
    %dma_wait3A_382 = arith.constant 0 : i32
    %dma_wait3A_383 = arith.constant 0 : i32
    %dma_wait3A_384 = tpu.memref_slice %arg3[%dma_wait3A_382, %dma_wait3A_383] : memref<2605056x32xf32, #tpu.memory_space<hbm>> -> memref<2605056x32xf32, #tpu.memory_space<hbm>>
    tpu.wait_indirect_dma semaphore(%arg12 : memref<!tpu.dma_semaphore, #tpu.memory_space<semaphore_mem>>) src(%dma_wait3A_384 : memref<2605056x32xf32, #tpu.memory_space<hbm>>) dst(%arg10 : memref<832x32xf32, #tpu.memory_space<vmem>>)
    %scan3A_385 = arith.constant 0 : i32
    %scan3A_386 = arith.constant 0 : i32
    %scan3A_387 = arith.constant 26 : i32
    %scan3A_388 = arith.addi %scan3A_386, %scan3A_387 : i32
    %scan3A_389 = arith.constant 1 : i32
    scf.for %scan3A_422 = %scan3A_386 to %scan3A_388 step %scan3A_389  : i32 {
      %get3A = arith.index_cast %scan3A_422 : i32 to index
      %get3A_423 = arith.constant 0 : index
      %get3A_424 = tpu.vector_load %arg9[%get3A, %get3A_423] {strides = array<i32>} : memref<26x32xf32, #tpu.memory_space<vmem>>, vector<1x16xf32>,
      %get3A_425 = vector.shape_cast %get3A_424 : vector<1x16xf32> to vector<16xf32>
      %get3A_426 = arith.index_cast %scan3A_422 : i32 to index
      %get3A_427 = arith.constant 16 : index
      %get3A_428 = tpu.vector_load %arg9[%get3A_426, %get3A_427] {strides = array<i32>} : memref<26x32xf32, #tpu.memory_space<vmem>>, vector<1x16xf32>,
      %get3A_429 = vector.shape_cast %get3A_428 : vector<1x16xf32> to vector<16xf32>
      %scan3A_430 = arith.constant 0 : i32
      %scan3A_431 = arith.constant 32 : i32
      %scan3A_432 = arith.addi %scan3A_430, %scan3A_431 : i32
      %scan3A_433 = arith.constant 1 : i32
      scf.for %scan3A_435 = %scan3A_430 to %scan3A_432 step %scan3A_433  : i32 {
        %mul3A_436 = arith.constant 26 : i32
        %mul3A_437 = arith.muli %scan3A_435, %mul3A_436 : i32
        %add3A_438 = arith.addi %mul3A_437, %scan3A_422 : i32
        %get3A_439 = arith.index_cast %add3A_438 : i32 to index
        %get3A_440 = arith.constant 0 : index
        %get3A_441 = tpu.vector_load %arg10[%get3A_439, %get3A_440] {strides = array<i32>} : memref<832x32xf32, #tpu.memory_space<vmem>>, vector<1x16xf32>,
        %get3A_442 = vector.shape_cast %get3A_441 : vector<1x16xf32> to vector<16xf32>
        %add3A_443 = arith.addf %get3A_442, %get3A_425 : vector<16xf32>
        %swap3A = arith.index_cast %add3A_438 : i32 to index
        %swap3A_444 = arith.constant 0 : index
        %swap3A_445 = tpu.vector_load %arg10[%swap3A, %swap3A_444] {strides = array<i32>} : memref<832x32xf32, #tpu.memory_space<vmem>>, vector<1x16xf32>,
        %swap3A_446 = vector.shape_cast %swap3A_445 : vector<1x16xf32> to vector<16xf32>
        %swap3A_447 = vector.shape_cast %add3A_443 : vector<16xf32> to vector<1x16xf32>
        tpu.vector_store %arg10[%swap3A, %swap3A_444], %swap3A_447 {strides = array<i32>} : memref<832x32xf32, #tpu.memory_space<vmem>>, vector<1x16xf32>,
        %get3A_448 = arith.index_cast %add3A_438 : i32 to index
        %get3A_449 = arith.constant 16 : index
        %get3A_450 = tpu.vector_load %arg10[%get3A_448, %get3A_449] {strides = array<i32>} : memref<832x32xf32, #tpu.memory_space<vmem>>, vector<1x16xf32>,
        %get3A_451 = vector.shape_cast %get3A_450 : vector<1x16xf32> to vector<16xf32>
        %add3A_452 = arith.addf %get3A_451, %get3A_429 : vector<16xf32>
        %swap3A_453 = arith.index_cast %add3A_438 : i32 to index
        %swap3A_454 = arith.constant 16 : index
        %swap3A_455 = tpu.vector_load %arg10[%swap3A_453, %swap3A_454] {strides = array<i32>} : memref<832x32xf32, #tpu.memory_space<vmem>>, vector<1x16xf32>,
        %swap3A_456 = vector.shape_cast %swap3A_455 : vector<1x16xf32> to vector<16xf32>
        %swap3A_457 = vector.shape_cast %add3A_452 : vector<16xf32> to vector<1x16xf32>
        tpu.vector_store %arg10[%swap3A_453, %swap3A_454], %swap3A_457 {strides = array<i32>} : memref<832x32xf32, #tpu.memory_space<vmem>>, vector<1x16xf32>,
      }
      %scan3A_434 = arith.constant 32 : i32
    }
    %scan3A_390 = arith.constant 26 : i32
    %add3A_391 = arith.constant 11648 : i32
    %add3A_392 = arith.addi %mul3A_2, %add3A_391 : i32
    %dma_start3A_393 = arith.constant 0 : i32
    %dma_start3A_394 = tpu.memref_slice %arg6[%add3A_392, %dma_start3A_393] : memref<425984x32xf32, #tpu.memory_space<hbm>> -> memref<832x32xf32, #tpu.memory_space<hbm>>
    %dma_start3A_395 = arith.constant 0 : i32
    %dma_start3A_396 = tpu.memref_slice %arg6[%add3A_392, %dma_start3A_395] : memref<425984x32xf32, #tpu.memory_space<hbm>> -> memref<832x32xf32, #tpu.memory_space<hbm>>
    tpu.enqueue_dma source(%arg10 : memref<832x32xf32, #tpu.memory_space<vmem>>) target(%dma_start3A_396 : memref<832x32xf32, #tpu.memory_space<hbm>>) target_semaphore(%arg14 : memref<!tpu.dma_semaphore, #tpu.memory_space<semaphore_mem>>)
    %dma_wait3A_397 = arith.constant 12480 : i32
    %dma_wait3A_398 = tpu.memref_slice %arg7[%dma_wait3A_397] : memref<13312xi32, #tpu.memory_space<vmem>> -> memref<832xi32, #tpu.memory_space<vmem>>
    %dma_wait3A_399 = arith.constant 0 : i32
    %dma_wait3A_400 = arith.constant 0 : i32
    %dma_wait3A_401 = tpu.memref_slice %arg3[%dma_wait3A_399, %dma_wait3A_400] : memref<2605056x32xf32, #tpu.memory_space<hbm>> -> memref<2605056x32xf32, #tpu.memory_space<hbm>>
    tpu.wait_indirect_dma semaphore(%arg13 : memref<!tpu.dma_semaphore, #tpu.memory_space<semaphore_mem>>) src(%dma_wait3A_401 : memref<2605056x32xf32, #tpu.memory_space<hbm>>) dst(%arg11 : memref<832x32xf32, #tpu.memory_space<vmem>>)
    %scan3A_402 = arith.constant 0 : i32
    %scan3A_403 = arith.constant 0 : i32
    %scan3A_404 = arith.constant 26 : i32
    %scan3A_405 = arith.addi %scan3A_403, %scan3A_404 : i32
    %scan3A_406 = arith.constant 1 : i32
    scf.for %scan3A_422 = %scan3A_403 to %scan3A_405 step %scan3A_406  : i32 {
      %get3A = arith.index_cast %scan3A_422 : i32 to index
      %get3A_423 = arith.constant 0 : index
      %get3A_424 = tpu.vector_load %arg9[%get3A, %get3A_423] {strides = array<i32>} : memref<26x32xf32, #tpu.memory_space<vmem>>, vector<1x16xf32>,
      %get3A_425 = vector.shape_cast %get3A_424 : vector<1x16xf32> to vector<16xf32>
      %get3A_426 = arith.index_cast %scan3A_422 : i32 to index
      %get3A_427 = arith.constant 16 : index
      %get3A_428 = tpu.vector_load %arg9[%get3A_426, %get3A_427] {strides = array<i32>} : memref<26x32xf32, #tpu.memory_space<vmem>>, vector<1x16xf32>,
      %get3A_429 = vector.shape_cast %get3A_428 : vector<1x16xf32> to vector<16xf32>
      %scan3A_430 = arith.constant 0 : i32
      %scan3A_431 = arith.constant 32 : i32
      %scan3A_432 = arith.addi %scan3A_430, %scan3A_431 : i32
      %scan3A_433 = arith.constant 1 : i32
      scf.for %scan3A_435 = %scan3A_430 to %scan3A_432 step %scan3A_433  : i32 {
        %mul3A_436 = arith.constant 26 : i32
        %mul3A_437 = arith.muli %scan3A_435, %mul3A_436 : i32
        %add3A_438 = arith.addi %mul3A_437, %scan3A_422 : i32
        %get3A_439 = arith.index_cast %add3A_438 : i32 to index
        %get3A_440 = arith.constant 0 : index
        %get3A_441 = tpu.vector_load %arg11[%get3A_439, %get3A_440] {strides = array<i32>} : memref<832x32xf32, #tpu.memory_space<vmem>>, vector<1x16xf32>,
        %get3A_442 = vector.shape_cast %get3A_441 : vector<1x16xf32> to vector<16xf32>
        %add3A_443 = arith.addf %get3A_442, %get3A_425 : vector<16xf32>
        %swap3A = arith.index_cast %add3A_438 : i32 to index
        %swap3A_444 = arith.constant 0 : index
        %swap3A_445 = tpu.vector_load %arg11[%swap3A, %swap3A_444] {strides = array<i32>} : memref<832x32xf32, #tpu.memory_space<vmem>>, vector<1x16xf32>,
        %swap3A_446 = vector.shape_cast %swap3A_445 : vector<1x16xf32> to vector<16xf32>
        %swap3A_447 = vector.shape_cast %add3A_443 : vector<16xf32> to vector<1x16xf32>
        tpu.vector_store %arg11[%swap3A, %swap3A_444], %swap3A_447 {strides = array<i32>} : memref<832x32xf32, #tpu.memory_space<vmem>>, vector<1x16xf32>,
        %get3A_448 = arith.index_cast %add3A_438 : i32 to index
        %get3A_449 = arith.constant 16 : index
        %get3A_450 = tpu.vector_load %arg11[%get3A_448, %get3A_449] {strides = array<i32>} : memref<832x32xf32, #tpu.memory_space<vmem>>, vector<1x16xf32>,
        %get3A_451 = vector.shape_cast %get3A_450 : vector<1x16xf32> to vector<16xf32>
        %add3A_452 = arith.addf %get3A_451, %get3A_429 : vector<16xf32>
        %swap3A_453 = arith.index_cast %add3A_438 : i32 to index
        %swap3A_454 = arith.constant 16 : index
        %swap3A_455 = tpu.vector_load %arg11[%swap3A_453, %swap3A_454] {strides = array<i32>} : memref<832x32xf32, #tpu.memory_space<vmem>>, vector<1x16xf32>,
        %swap3A_456 = vector.shape_cast %swap3A_455 : vector<1x16xf32> to vector<16xf32>
        %swap3A_457 = vector.shape_cast %add3A_452 : vector<16xf32> to vector<1x16xf32>
        tpu.vector_store %arg11[%swap3A_453, %swap3A_454], %swap3A_457 {strides = array<i32>} : memref<832x32xf32, #tpu.memory_space<vmem>>, vector<1x16xf32>,
      }
      %scan3A_434 = arith.constant 32 : i32
    }
    %scan3A_407 = arith.constant 26 : i32
    %add3A_408 = arith.constant 12480 : i32
    %add3A_409 = arith.addi %mul3A_2, %add3A_408 : i32
    %dma_start3A_410 = arith.constant 0 : i32
    %dma_start3A_411 = tpu.memref_slice %arg6[%add3A_409, %dma_start3A_410] : memref<425984x32xf32, #tpu.memory_space<hbm>> -> memref<832x32xf32, #tpu.memory_space<hbm>>
    %dma_start3A_412 = arith.constant 0 : i32
    %dma_start3A_413 = tpu.memref_slice %arg6[%add3A_409, %dma_start3A_412] : memref<425984x32xf32, #tpu.memory_space<hbm>> -> memref<832x32xf32, #tpu.memory_space<hbm>>
    tpu.enqueue_dma source(%arg11 : memref<832x32xf32, #tpu.memory_space<vmem>>) target(%dma_start3A_413 : memref<832x32xf32, #tpu.memory_space<hbm>>) target_semaphore(%arg15 : memref<!tpu.dma_semaphore, #tpu.memory_space<semaphore_mem>>)
    %dma_wait3A_414 = arith.constant 0 : i32
    %dma_wait3A_415 = tpu.memref_slice %arg6[%add3A_392, %dma_wait3A_414] : memref<425984x32xf32, #tpu.memory_space<hbm>> -> memref<832x32xf32, #tpu.memory_space<hbm>>
    %dma_wait3A_416 = arith.constant 0 : i32
    %dma_wait3A_417 = tpu.memref_slice %arg6[%add3A_392, %dma_wait3A_416] : memref<425984x32xf32, #tpu.memory_space<hbm>> -> memref<832x32xf32, #tpu.memory_space<hbm>>
    tpu.wait_dma2 semaphore(%arg14 : memref<!tpu.dma_semaphore, #tpu.memory_space<semaphore_mem>>) src(%arg10 : memref<832x32xf32, #tpu.memory_space<vmem>>) dst(%dma_wait3A_417 : memref<832x32xf32, #tpu.memory_space<hbm>>)
    %dma_wait3A_418 = arith.constant 0 : i32
    %dma_wait3A_419 = tpu.memref_slice %arg6[%add3A_409, %dma_wait3A_418] : memref<425984x32xf32, #tpu.memory_space<hbm>> -> memref<832x32xf32, #tpu.memory_space<hbm>>
    %dma_wait3A_420 = arith.constant 0 : i32
    %dma_wait3A_421 = tpu.memref_slice %arg6[%add3A_409, %dma_wait3A_420] : memref<425984x32xf32, #tpu.memory_space<hbm>> -> memref<832x32xf32, #tpu.memory_space<hbm>>
    tpu.wait_dma2 semaphore(%arg15 : memref<!tpu.dma_semaphore, #tpu.memory_space<semaphore_mem>>) src(%arg11 : memref<832x32xf32, #tpu.memory_space<vmem>>) dst(%dma_wait3A_421 : memref<832x32xf32, #tpu.memory_space<hbm>>)
    return
  }
}

module attributes {stable_mosaic.version = 14 : i64} {
  func.func @_convert_body(%arg0: i32, %arg1: memref<32x2048xf32, #tpu.memory_space<vmem>>, %arg2: memref<32x2048xf32, #tpu.memory_space<vmem>>, %arg3: memref<32x2048xf32, #tpu.memory_space<vmem>>, %arg4: memref<32x2048xf32, #tpu.memory_space<vmem>>, %arg5: memref<128x128xf32, #tpu.memory_space<vmem>>, %arg6: memref<2048x128xf32, #tpu.memory_space<vmem>>) attributes {dimension_semantics = [#tpu.dimension_semantics<arbitrary>], iteration_bounds = array<i64: 318>, scalar_prefetch = 0 : i64, scratch_operands = 0 : i64, tpu.core_type = #tpu.core_type<tc>, window_params = [{transform_indices = @transform_0, window_bounds = array<i64: 32, 2048>}, {transform_indices = @transform_1, window_bounds = array<i64: 32, 2048>}, {transform_indices = @transform_2, window_bounds = array<i64: 32, 2048>}, {transform_indices = @transform_3, window_bounds = array<i64: 32, 2048>}, {pipeline_mode = #tpu.pipeline_mode<synchronous>, transform_indices = @transform_4, window_bounds = array<i64: 128, 128>}, {transform_indices = @transform_5, window_bounds = array<i64: 2048, 128>}]} {
    %get3A = arith.constant 0 : index
    %get3A_0 = arith.constant 0 : index
    %get3A_1 = vector.load %arg1[%get3A, %get3A_0] : memref<32x2048xf32, #tpu.memory_space<vmem>>, vector<32x2048xf32>
    %get3A_2 = arith.constant 0 : index
    %get3A_3 = arith.constant 0 : index
    %get3A_4 = vector.load %arg2[%get3A_2, %get3A_3] : memref<32x2048xf32, #tpu.memory_space<vmem>>, vector<32x2048xf32>
    %get3A_5 = arith.constant 0 : index
    %get3A_6 = arith.constant 0 : index
    %get3A_7 = vector.load %arg3[%get3A_5, %get3A_6] : memref<32x2048xf32, #tpu.memory_space<vmem>>, vector<32x2048xf32>
    %get3A_8 = arith.constant 0 : index
    %get3A_9 = arith.constant 0 : index
    %get3A_10 = vector.load %arg4[%get3A_8, %get3A_9] : memref<32x2048xf32, #tpu.memory_space<vmem>>, vector<32x2048xf32>
    %concatenate3A = tpu.concatenate %get3A_1, %get3A_4, %get3A_7, %get3A_10 in 0 : vector<32x2048xf32>, vector<32x2048xf32>, vector<32x2048xf32>, vector<32x2048xf32> -> vector<128x2048xf32>
    %get3A_11 = arith.constant 0 : index
    %get3A_12 = arith.constant 0 : index
    %get3A_13 = vector.load %arg5[%get3A_11, %get3A_12] : memref<128x128xf32, #tpu.memory_space<vmem>>, vector<128x128xf32>
    %dot_general3A = arith.constant dense<0.000000e+00> : vector<2048x128xf32>
    %dot_general3A_14 = tpu.matmul %concatenate3A, %get3A_13, %dot_general3A {dimension_numbers = #tpu.dot_dimension_numbers<[0], [0], [1], [1], [0, 1, 1, 1], [], []>, precision = #tpu.contract_precision<fp32>, transpose_lhs_hint = false} : vector<128x2048xf32>, vector<128x128xf32>, vector<2048x128xf32> -> vector<2048x128xf32>
    %swap3A = arith.constant 0 : index
    %swap3A_15 = arith.constant 0 : index
    %swap3A_16 = vector.load %arg6[%swap3A, %swap3A_15] : memref<2048x128xf32, #tpu.memory_space<vmem>>, vector<2048x128xf32>
    tpu.vector_store %arg6[%swap3A, %swap3A_15], %dot_general3A_14 {strides = array<i32>} : memref<2048x128xf32, #tpu.memory_space<vmem>>, vector<2048x128xf32>,
    return
  }
  func.func @transform_0(%arg0: i32) -> (i32, i32) {
    %add3A = arith.constant 0 : i32
    %add3A_0 = arith.addi %add3A, %arg0 : i32
    %min3A = arith.constant 1269 : i32
    %min3A_1 = arith.minsi %add3A_0, %min3A : i32
    %c0_i32 = arith.constant 0 : i32
    %c0_i32_2 = arith.constant 0 : i32
    return %c0_i32, %min3A_1 : i32, i32
  }
  func.func @transform_1(%arg0: i32) -> (i32, i32) {
    %add3A = arith.constant 318 : i32
    %add3A_0 = arith.addi %add3A, %arg0 : i32
    %min3A = arith.constant 1269 : i32
    %min3A_1 = arith.minsi %add3A_0, %min3A : i32
    %c0_i32 = arith.constant 0 : i32
    %c0_i32_2 = arith.constant 0 : i32
    return %c0_i32, %min3A_1 : i32, i32
  }
  func.func @transform_2(%arg0: i32) -> (i32, i32) {
    %add3A = arith.constant 636 : i32
    %add3A_0 = arith.addi %add3A, %arg0 : i32
    %min3A = arith.constant 1269 : i32
    %min3A_1 = arith.minsi %add3A_0, %min3A : i32
    %c0_i32 = arith.constant 0 : i32
    %c0_i32_2 = arith.constant 0 : i32
    return %c0_i32, %min3A_1 : i32, i32
  }
  func.func @transform_3(%arg0: i32) -> (i32, i32) {
    %add3A = arith.constant 954 : i32
    %add3A_0 = arith.addi %add3A, %arg0 : i32
    %min3A = arith.constant 1269 : i32
    %min3A_1 = arith.minsi %add3A_0, %min3A : i32
    %c0_i32 = arith.constant 0 : i32
    %c0_i32_2 = arith.constant 0 : i32
    return %c0_i32, %min3A_1 : i32, i32
  }
  func.func @transform_4(%arg0: i32) -> (i32, i32) {
    %c0_i32 = arith.constant 0 : i32
    %c0_i32_0 = arith.constant 0 : i32
    %c0_i32_1 = arith.constant 0 : i32
    return %c0_i32, %c0_i32_0 : i32, i32
  }
  func.func @transform_5(%arg0: i32) -> (i32, i32) {
    %c0_i32 = arith.constant 0 : i32
    %c0_i32_0 = arith.constant 0 : i32
    return %arg0, %c0_i32 : i32, i32
  }
}

</mosaic_0001>

<sc_bundles>
// kernel: kernel.4.cloned.1.call-start
scs
__scs_entry_jumppad:
0x0: {  	(pc) =	sbr.rel $0x88, $3  }
0x1: {  	(tag) =	ssettag $0x0;
	lr =	simm.s32 $0x1  }
0x2: {  	[smem:$0x3F9E] =	sst lr;
	_ =	strace $0xD0000000  }
0x3: {  	_ = 	snop  }
0x4: {  	_ = 	snop  }
0x5: {  	_ = 	snop  }
0x6: {  	_ = 	snop  }
0x7: {  	_ = 	snop  }
__scs_overlays_trampoline_lowered:
0x8: {  	[smem:$0x3FAD] =	sst s0  }
0x9: {  	[smem:$0x3FAE] =	sst s1  }
0xa: {  	[smem:$0x3FAF] =	sst s2  }
0xb: {  	[smem:$0x3FB0] =	sst s3  }
0xc: {  	[smem:$0x3FB1] =	sst s4  }
0xd: {  	[smem:$0x3FB2] =	sst s5  }
0xe: {  	[smem:$0x3FB3] =	sst s6  }
0xf: {  	[smem:$0x3FB4] =	sst s7  }
0x10: {  	[smem:$0x3FB5] =	sst s8  }
0x11: {  	[smem:$0x3FB6] =	sst s9;
	s0 =	simm.s32 @!p0 $0x0  }
0x12: {  	s1 =	sld [smem:$0x3F9C];
	s0 =	simm.s32 @p0 $0x1  }
0x13: {  	[smem:$0x3FB7] =	sst s0;
	s0 =	simm.s32 @!p1 $0x0  }
0x14: {  	s2 =	sld [smem:$0x3F9B];
	s0 =	simm.s32 @p1 $0x1  }
0x15: {  	[smem:$0x3FB8] =	sst s0;
	s0 =	simm.s32 @!p2 $0x0  }
0x16: {  	s3 =	sld [smem:$0x3FDB];
	s0 =	simm.s32 @p2 $0x1  }
0x17: {  	s4 =	simm.s32 $0x1BF5;
	[smem:$0x3FBA] =	sst s0  }
0x18: {  	s0 =	sld [smem:$0x3F9D];
	_ =	swait.ge [sflag:s4], $0x0  }
0x19: {  	s7 =	sld [smem:$0x3F9E]  }
0x1a: {  	s8 =	sadd.s32 $0xFFFFE003, lr  }
0x1b: {  	s9 =	sadd.s32 $0xFFFFFEF7, lr;
	s5 =	simm.s32 $0xFFFFFFFF;
	p2 =	slt.u32 s8, $0xFFFFF086  }
0x1c: {  	p1 =	slt.u32 s9, $0xF7A;
	s5 =	simm.s32 @!p2 $0x0  }
0x1d: {  	s5 =	simm.s32 @p1 $0x1;
	p0 =	seq.s32 s7, s2  }
0x1e: {  	s7 =	smul.u32 @!p0 $0xF7A, s2;
	p2 =	seq.s32 @!p0 s5, $0x0  }
0x1f: {  	s9 =	smul.u32 $0xF7A, s1;
	s8 =	simm.s32 @!p0 $0x1BF5;
	p2 =	por !p2, p0  }
0x20: {  	[sflag:s8] =	ssyncset.s32 @!p0 $0xFFFFF086;
	s6 =	sadd.s32 @!p0 s3, s7;
	s7 =	simm.s32 @!p0 $0x108  }
0x21: {  	s3 =	sadd.s32 s3, s9;
	s6 =	sadd.s32 @!p0 $0x88, s6;
	s7 =	simm.s32 @p2 $0x1082  }
0x22: {  	[simem:s7], [sflag:s8] =	dma.local @!p0 [hbm:s6], $0xF7A  }
0x23: {  	s9 =	sor.u32 $0xD0000000, s2;
	s6 =	simm.s32 $0x108;
	_ =	swait.ge @!p0 [sflag:s8], $0x0  }
0x24: {  	s3 =	sadd.s32 $0x88, s3;
	s6 =	simm.s32 @!p1 $0x1082;
	[sflag:s4] =	ssyncset.s32 $0xFFFFF086  }
0x25: {  	[simem:s6], [sflag:s4] =	dma.local [hbm:s3], $0xF7A  }
0x26: {  	[smem:$0x3F9E] =	sst s1;
	(tag) =	ssettag s2;
	_ =	strace s9  }
0x27: {  	s1 =	sld [smem:$0x3FAE]  }
0x28: {  	s2 =	sld [smem:$0x3FAF]  }
0x29: {  	s4 =	sld [smem:$0x3FB1]  }
0x2a: {  	p0 =	seq.s32 s5, $0x0;
	s5 =	sld [smem:$0x3FB2]  }
0x2b: {  	s6 =	sld [smem:$0x3FB3]  }
0x2c: {  	s7 =	sld [smem:$0x3FB4]  }
0x2d: {  	s3 =	simm.s32 $0x108;
	s8 =	sld [smem:$0x3FB5]  }
0x2e: {  	s3 =	simm.s32 @!p0 $0x1082;
	s9 =	sld [smem:$0x3FB6]  }
0x2f: {  	lr =	sadd.s32 s0, s3;
	s0 =	sld [smem:$0x3FAD]  }
0x30: {  	s3 =	sld [smem:$0x3FB0]  }
0x31: {  	[smem:$0x3FB9] =	sst s10  }
0x32: {  	s10 =	sld [smem:$0x3FB7];
	_ =	sdelay $0x3  }
0x33: {  	p0 =	seq.s32 s10, $0x1;
	s10 =	sld [smem:$0x3FB9];
	_ =	sdelay $0x3  }
0x34: {  	[smem:$0x3FB9] =	sst s10  }
0x35: {  	s10 =	sld [smem:$0x3FB8];
	_ =	sdelay $0x3  }
0x36: {  	p1 =	seq.s32 s10, $0x1;
	s10 =	sld [smem:$0x3FB9];
	_ =	sdelay $0x3  }
0x37: {  	[smem:$0x3FB9] =	sst s10  }
0x38: {  	s10 =	sld [smem:$0x3FBA]  }
0x39: {  	_ = 	snop;
	(pc) =	sbr.ind lr, $3  }
0x3a: {  	_ = 	snop  }
0x3b: {  	_ = 	snop  }
0x3c: {  	p2 =	seq.s32 s10, $0x1;
	s10 =	sld [smem:$0x3FB9]  }
0x3d: {  	_ =	shalt  }
0x3e: {  	_ =	shalt  }
0x3f: {  	_ =	shalt  }
0x40: {  	_ =	shalt  }
0x41: {  	_ =	shalt  }
0x42: {  	_ =	shalt  }
0x43: {  	_ =	shalt  }
0x44: {  	_ =	shalt  }
0x45: {  	_ =	shalt  }
0x46: {  	_ =	shalt  }
0x47: {  	_ =	shalt  }
0x48: {  	_ =	shalt  }
0x49: {  	_ =	shalt  }
0x4a: {  	_ =	shalt  }
0x4b: {  	_ =	shalt  }
0x4c: {  	_ =	shalt  }
0x4d: {  	_ =	shalt  }
0x4e: {  	_ =	shalt  }
0x4f: {  	_ =	shalt  }
0x50: {  	_ =	shalt  }
0x51: {  	_ =	shalt  }
0x52: {  	_ =	shalt  }
0x53: {  	_ =	shalt  }
0x54: {  	_ =	shalt  }
0x55: {  	_ =	shalt  }
0x56: {  	_ =	shalt  }
0x57: {  	_ =	shalt  }
0x58: {  	_ =	shalt  }
0x59: {  	_ =	shalt  }
0x5a: {  	_ =	shalt  }
0x5b: {  	_ =	shalt  }
0x5c: {  	_ =	shalt  }
0x5d: {  	_ =	shalt  }
0x5e: {  	_ =	shalt  }
0x5f: {  	_ =	shalt  }
0x60: {  	_ =	shalt  }
0x61: {  	_ =	shalt  }
0x62: {  	_ =	shalt  }
0x63: {  	_ =	shalt  }
0x64: {  	_ =	shalt  }
0x65: {  	_ =	shalt  }
0x66: {  	_ =	shalt  }
0x67: {  	_ =	shalt  }
0x68: {  	_ =	shalt  }
0x69: {  	_ =	shalt  }
0x6a: {  	_ =	shalt  }
0x6b: {  	_ =	shalt  }
0x6c: {  	_ =	shalt  }
0x6d: {  	_ =	shalt  }
0x6e: {  	_ =	shalt  }
0x6f: {  	_ =	shalt  }
0x70: {  	_ =	shalt  }
0x71: {  	_ =	shalt  }
0x72: {  	_ =	shalt  }
0x73: {  	_ =	shalt  }
0x74: {  	_ =	shalt  }
0x75: {  	_ =	shalt  }
0x76: {  	_ =	shalt  }
0x77: {  	_ =	shalt  }
0x78: {  	_ =	shalt  }
0x79: {  	_ =	shalt  }
0x7a: {  	_ =	shalt  }
0x7b: {  	_ =	shalt  }
0x7c: {  	_ =	shalt  }
0x7d: {  	_ =	shalt  }
0x7e: {  	_ =	shalt  }
0x7f: {  	_ =	shalt  }
0x80: {  	_ =	shalt  }
0x81: {  	_ =	shalt  }
0x82: {  	_ =	shalt  }
0x83: {  	_ =	shalt  }
0x84: {  	_ =	shalt  }
0x85: {  	_ =	shalt  }
0x86: {  	_ =	shalt  }
0x87: {  	_ =	shalt  }
.Lfunc_end0:
.L_simem_size_0:
called_computation.1_lowered:
.L_overlay_start_0:
0x88: {  	s2 =	sld [smem:$0x3FD9]  }
0x89: {  	s3 =	sld [smem:$0x3FFE];
	_ =	sdelay $0x1  }
0x8a: {  	s1 =	srdreg.scid  }
0x8b: {  	s0 =	sand.u32 $0x1, s1  }
0x8c: {  	s17 =	sshll.u32 s0, $0xA;
	s2 =	sadd.s32 s3, s2  }
0x8d: {  	s2 =	sadd.s32 s2, s17  }
0x8e: {  	[smem:$0x3FC5] =	sst s2  }
0x8f: {  	_ = 	snop  }
0x90: {  	s2 =	sld [smem:$0x3FD0];
	(tm) =	ssettm $0x1  }
0x91: {  	s18 =	sld [smem:$0x3FFB];
	_ =	sdelay $0x3  }
0x92: {  	_ =	strace s18  }
0x93: {  	s3 =	sld [smem:$0x3FFC];
	_ =	sdelay $0x3  }
0x94: {  	_ =	strace s3  }
0x95: {  	s3 =	sld [smem:$0x3FFD];
	_ =	sdelay $0x3  }
0x96: {  	_ =	strace s3  }
0x97: {  	_ =	strace $0x8FFFFFFF  }
0x98: {  	s19 =	sld [smem:$0x3FDB];
	_ =	sdelay $0x1  }
0x99: {  	s4 =	simm.s32 $_scs_section_size  }
0x9a: {  	s5 =	simm.s32 $_size__tile_overlayer_lowered;
	s6 =	simm.s32 $_tile_overlayer_lowered  }
0x9b: {  	s22 =	simm.s32 $0x1BFF;
	s21 =	sshll.u32 s6, $0x1;
	s3 =	sadd.s32 s4, s19  }
0x9c: {  	s7 =	simm.s32 $0x0;
	s20 =	sshll.u32 s5, $0x1;
	s5 =	sadd.s32 s21, s3  }
0x9d: {  	[timem:s7], [sflag:s22] =	dma.local [hbm:s5], s20  }
0x9e: {  	_ =	swait.ge [sflag:s22], s20  }
0x9f: {  	s4 =	ssub.s32 $0x0, s20;
	[sflag:s22] =	ssyncset.done $0x0  }
0xa0: {  	[sflag:s22] =	ssyncadd.s32 s4;
	_ =	sdelay $0x1  }
0xa1: {  	s23 =	simm.s32 $0x1B8B  }
0xa2: {  	_ =	swait.ge [sflag:s23], $0x1  }
0xa3: {  	[sflag:s23] =	ssyncset.done $0x0  }
0xa4: {  	s25 =	simm.s32 $0x1B8E;
	s24 =	sld [smem:$0x3FFE];
	[sflag:s23] =	ssyncadd.s32 $0xFFFFFFFF  }
0xa5: {  	s26 =	simm.s32 $execute0_lowered;
	[smem:$0x3FD2] =	sst s25  }
0xa6: {  	s5 =	sshll.u32 s26, $0x1;
	_ =	strace $0x80000046;
	[dreg:$0x1] =	wrdreg $0xFFFFFFFF  }
0xa7: {  	s28 =	simm.s32 $_size_execute0_lowered;
	s3 =	sadd.s32 s3, s5;
	[dreg:$0x0] =	wrdreg $0x0  }
0xa8: {  	s5 =	sshll.u32 s28, $0x1;
	[dreg:$0x2] =	wrdreg s3  }
0xa9: {  	[dreg:$0x3] =	wrdreg s5  }
0xaa: {  	[dreg:$0x4] =	wrdreg $0xC0  }
0xab: {  	_ =	task [dreg:s7], $0x5FFFF  }
0xac: {  	[dreg:$0x1] =	wrdreg $0xFFFFFFFF  }
0xad: {  	[dreg:$0x0] =	wrdreg $0x60  }
0xae: {  	[dreg:$0x2] =	wrdreg s24  }
0xaf: {  	[dreg:$0x3] =	wrdreg s2  }
0xb0: {  	[dreg:$0x4] =	wrdreg $0x9  }
0xb1: {  	_ =	task.clear_ibuf [dreg:s7], $0x5FFFF;
	_ =	strace $0x90000046  }
0xb2: {  	s29 =	simm.s32 $0x9;
	_ =	strace $0x80000048  }
0xb3: {  	_ =	swait.ge [sflag:s29], $0x1  }
0xb4: {  	[sflag:s29] =	ssyncadd.s32 $0xFFFFFFFF  }
0xb5: {  	_ =	strace $0x90000048  }
0xb6: {  	_ =	sfence  }
0xb7: {  	s30 =	sld [smem:$0x0];
	_ =	sdelay $0x2  }
0xb8: {  	s31 =	sshll.u32 s1, $0xD;
	s1 =	sshrl.u32 s1, $0x2  }
0xb9: {  	s3 =	sand.u32 $0x4000, s31;
	s1 =	sadd.s32 s1, s30  }
0xba: {  	s0 =	sor.u32 s3, s0;
	s1 =	sshll.u32 s1, $0x11  }
0xbb: {  	s0 =	sor.u32 s1, s0  }
0xbc: {  	s0 =	sadd.s32 $0x8F2B, s0  }
0xbd: {  	[sflag:s0] =	ssyncadd.remote.s32 $0x1  }
0xbe: {  	_ =	sfence.sel $0xFFFF  }
0xbf: {  	[dreg:$0x0] =	wrdreg $0xFFFFFFFF;
	(pc) =	sbr.abs _section_cstart, $3  }
0xc0: {  	[dreg:$0x1] =	wrdreg $0xFFFFFFFF  }
0xc1: {  	_ =	task.clear_ibuf [dreg:s7], $0x2FFFF;
	_ =	strace $0x9FFFFFFF  }
0xc2: {  	(tm) =	ssettm $0x7FFFFFFF  }
0xc3: {  	_ =	shalt  }
tec
execute0_lowered:
.L_overlay_start_1:
0x0: {  	(tag) =	ssettag $0x1  }
0x1: {  	s1 =	srdreg.scid;
	s3 =	stileid.u32  }
0x2: {  	s1 =	sand.u32 $0x1, s1;
	s3 =	sshll.u32 s3, $0x1  }
0x3: {  	s0 =	rddreg [dreg:$0x0];
	s4 =	sor.u32 s1, s3  }
0x4: {  	s2 =	rddreg [dreg:$0x1];
	s7 =	simm.s32 $0x0;
	s3 =	smul.u32 $0x680, s4  }
0x5: {  	[smem:$0x7FF] =	sst s7;
	s8 =	sadd.s32 $0xA00, s0;
	s6 =	smul.u32 $0x68000, s4  }
0x6: {  	_ =	strace $0x80000047;
	[dreg:$0x3] =	wrdreg s8;
	s4 =	smul.u32 $0xD000, s4  }
0x7: {  	s5 =	sadd.s32 s3, s0;
	s3 =	sadd.s32 $0xDC00, s0;
	s0 =	sadd.s32 $0x9FDC00, s0  }
0x8: {  	s4 =	sadd.s32 s2, s4;
	[dreg:$0x4] =	wrdreg s0  }
0x9: {  	s6 =	sshrl.u32 s6, $0x3;
	s16 =	sadd.s32 $0xC00, s5;
	[dreg:$0x5] =	wrdreg s4  }
0xa: {  	s15 =	sadd.s32 s2, s6;
	s17 =	sadd.s32 $0xD00, s4;
	[dreg:$0x6] =	wrdreg s16  }
0xb: {  	[dreg:$0x7] =	wrdreg s17;
	s18 =	sadd.s32 $0x1A00, s15  }
0xc: {  	s19 =	sadd.s32 $0x2700, s15;
	[dreg:$0x8] =	wrdreg s18  }
0xd: {  	s20 =	sadd.s32 $0x3400, s15;
	[dreg:$0x9] =	wrdreg s19  }
0xe: {  	s21 =	sadd.s32 $0x4100, s15;
	[dreg:$0xa] =	wrdreg s20  }
0xf: {  	s22 =	sadd.s32 $0x4E00, s15;
	[dreg:$0xb] =	wrdreg s21  }
0x10: {  	s23 =	sadd.s32 $0x5B00, s15;
	[dreg:$0xc] =	wrdreg s22  }
0x11: {  	s24 =	sadd.s32 $0x6800, s15;
	[dreg:$0xd] =	wrdreg s23  }
0x12: {  	s25 =	sadd.s32 $0x7500, s15;
	[dreg:$0xe] =	wrdreg s24  }
0x13: {  	s26 =	sadd.s32 $0x8200, s15;
	[dreg:$0xf] =	wrdreg s25  }
0x14: {  	v0 =	vimm.s32 $0xECA86420;
	vm0 =	vcmask $0xB08;
	vm1 =	vcmask $0x1310;
	s28 =	sadd.s32 $0x8F00, s15;
	[dreg:$0x10] =	wrdreg s26  }
0x15: {  	vm2 =	vcmask $0x1B18;
	vm3 =	vcmask $0x300;
	vm4 =	vcmask $0x2320;
	s29 =	sadd.s32 $0x9C00, s15;
	[dreg:$0x11] =	wrdreg s28  }
0x16: {  	vm5 =	vcmask $0x2B28;
	vm6 =	vcmask $0x3330;
	vm7 =	vcmask $0x3B38;
	s1 =	ssub.s32 $0x2, s1;
	s30 =	sadd.s32 $0xA900, s15;
	[dreg:$0x12] =	wrdreg s29  }
0x17: {  	v1 =	vlaneseq.u32;
	vm8 =	vmmov $0xff;
	vm9 =	vcmask $0x704;
	s14 =	sshrl.u32 s1, $0x1;
	s31 =	sadd.s32 $0xB600, s15;
	[dreg:$0x13] =	wrdreg s30  }
0x18: {  	vm10 =	vcmask $0xF0C;
	vm11 =	vcmask $0x1714;
	v0 =	vunpack.c.l.s4.s8 v0;
	s0 =	ssub.s32 s1, s14;
	s1 =	sadd.s32 $0xC300, s15;
	[dreg:$0x14] =	wrdreg s31  }
0x19: {  	vm12 =	vcmask $0x1F1C;
	vm13 =	vcmask $0x2724;
	vm14 =	vcmask $0x2F2C;
	s0 =	smax.u32 s0, $0x1;
	[dreg:$0x15] =	wrdreg s1  }
0x1a: {  	vm15 =	vcmask $0x3734;
	v1 =	vmul.u32 $0x2, v1;
	v0 =	vunpack.c.0.s8.s32 v0;
	[dreg:$0x16] =	wrdreg s0;
	s26 =	simm.s32 $0x4;
	s1 =	simm.s32 $0x0  }
.LBB2_1:
0x1b: {  	[dreg:$0x17] =	wrdreg s1  }
0x1c: {  	s0 =	rddreg [dreg:$0x6];
	s2 =	simm.s32 $0x5  }
0x1d: {  	[tilespmem:s7], [sflag:$0x5] =	stream.linear.gather [hbm4b:s0+s7], $0x3400, $0x38;
	[tilespmem:$0x10810] =	vst v63  }
0x1e: {  	_ =	swait.ge [sflag:s2], $0x3400  }
0x1f: {  	s19 =	simm.s32 $0x34D0;
	[sflag:s2] =	ssyncset.done $0x0  }
0x20: {  	s20 =	smul.u32 $0x4EC5, s7;
	s18 =	rddreg [dreg:$0x3];
	[sflag:s2] =	ssyncadd.s32 $0xFFFFCC00  }
0x21: {  	[tilespmem:s19], [sflag:$0x5] =	stream.linear.gather [hbm4b:s18+s7], $0x340, $0x38;
	[tilespmem:$0x10810] =	vst v63  }
0x22: {  	_ =	swait.ge [sflag:s2], $0x340  }
0x23: {  	s4 =	simm.s32 $0x3400;
	s0 =	sshrl.u32 s20, $0x12;
	[sflag:s2] =	ssyncset.done $0x0  }
0x24: {  	s0 =	smul.u32 $0xD, s0;
	s21 =	rddreg [dreg:$0x4];
	[sflag:s2] =	ssyncadd.s32 $0xFFFFFCC0  }
0x25: {  	[tilespmem:s4], [sflag:$0x5] =	stream.linear.gather [hbm4b:s21+s7], $0xD0, $0x38;
	[tilespmem:$0x10810] =	vst v63  }
0x26: {  	s0 =	ssub.s32 $0x0, s0;
	_ =	swait.ge [sflag:s2], $0xD0  }
0x27: {  	s0 =	sand.u32 $0xFCBF, s0;
	[sflag:s2] =	ssyncset.done $0x0  }
0x28: {  	s0 =	sshll.u32 s0, $0x4;
	[sflag:s2] =	ssyncadd.s32 $0xFFFFFF30  }
0x29: {  	v2 =	vld [tilespmem:s0+$0x3400]  }
0x2a: {  	v3 =	vld [tilespmem:s7+$0x0];
	_ =	sdelay $0x4  }
0x2b: {  	v2 =	vadd.s32 v2, v3  }
0x2c: {  	(v2sf) =	vpush v2, $0x7;
	_ =	sdelay $0x2  }
0x2d: {  	(v2sf) =	vpush v2, $0x2  }
0x2e: {  	(v2sf) =	vpush v2, $0x3;
	_ =	sdelay $0x2  }
0x2f: {  	(v2sf) =	vpush v2, $0x4  }
0x30: {  	(v2sf) =	vpush v2, $0x1  }
0x31: {  	(v2sf) =	vpush v2, $0xC  }
0x32: {  	(v2sf) =	vpush v2, $0x0  }
0x33: {  	(v2sf) =	vpush v2, $0x8  }
0x34: {  	(v2sf) =	vpush v2, $0xD  }
0x35: {  	(v2sf) =	vpush v2, $0xE  }
0x36: {  	(v2sf) =	vpush v2, $0x9  }
0x37: {  	s22 =	spop (v2sf);
	(v2sf) =	vpush v2, $0xA;
	_ =	sdelay $0x1  }
0x38: {  	s24 =	smulhi.u32 $0x19C2D14F, s22;
	s0 =	sshra.s32 s22, $0x1F  }
0x39: {  	s23 =	spop (v2sf);
	s0 =	smul.u32 $0x19C2D14F, s0  }
0x3a: {  	s6 =	spop (v2sf);
	s2 =	smulhi.u32 $0x19C2D14F, s23  }
0x3b: {  	s9 =	sshra.s32 s23, $0x1F;
	s10 =	smulhi.u32 $0x19C2D14F, s6  }
0x3c: {  	(v2sf) =	vpush v2, $0xB;
	s6 =	sshra.s32 s6, $0x1F;
	s30 =	smul.u32 $0x19C2D14F, s9  }
0x3d: {  	s5 =	simm.s32 $0x1;
	s8 =	spop (v2sf);
	s6 =	smul.u32 $0x19C2D14F, s6  }
0x3e: {  	s25 =	sshra.s32 s8, $0x1F;
	s11 =	spop (v2sf);
	s18 =	smulhi.u32 $0x19C2D14F, s8  }
0x3f: {  	s7 =	sadd.s32 s0, s24;
	s17 =	smul.u32 $0x19C2D14F, s25;
	s4 =	spop (v2sf)  }
0x40: {  	(v2sf) =	vpush v2, $0x5;
	s19 =	sshra.s32 s7, $0x1F;
	s1 =	smulhi.u32 $0x19C2D14F, s11;
	s21 =	spop (v2sf)  }
0x41: {  	(v2sf) =	vpush v2, $0x6;
	s11 =	sshra.s32 s11, $0x1F;
	s31 =	sadd.s32 s30, s2;
	s14 =	spop (v2sf)  }
0x42: {  	s15 =	sshra.s32 s4, $0x1F;
	s11 =	smul.u32 $0x19C2D14F, s11;
	s13 =	spop (v2sf)  }
0x43: {  	s12 =	sshra.s32 s31, $0x10;
	s28 =	smulhi.u32 $0x19C2D14F, s4;
	s29 =	spop (v2sf)  }
0x44: {  	s9 =	sadd.s32 s17, s18;
	s17 =	smulhi.u32 $0x19C2D14F, s21;
	s24 =	spop (v2sf)  }
0x45: {  	s2 =	sshra.s32 s13, $0x1F;
	s20 =	smulhi.u32 $0x19C2D14F, s13;
	s8 =	spop (v2sf);
	(v2sf) =	vpush v2, $0xF  }
0x46: {  	s10 =	sadd.s32 s6, s10;
	s4 =	simm.s32 $0x0;
	s0 =	smul.u32 $0x19C2D14F, s2  }
0x47: {  	s23 =	sshra.s32 s21, $0x1F;
	s22 =	sshra.s32 s29, $0x1F;
	s29 =	smulhi.u32 $0x19C2D14F, s29  }
0x48: {  	s16 =	sshra.s32 s14, $0x1F;
	s30 =	sadd.s32 s11, s1;
	s22 =	smul.u32 $0x19C2D14F, s22  }
0x49: {  	s11 =	sshra.s32 s9, $0x10;
	s13 =	sshra.s32 s31, $0x1F;
	s18 =	smulhi.u32 $0x19C2D14F, s24  }
0x4a: {  	s20 =	sadd.s32 s0, s20;
	s0 =	smul.u32 $0x19C2D14F, s23;
	s23 =	sshra.s32 s24, $0x1F  }
0x4b: {  	s21 =	smul.u32 $0x19C2D14F, s23;
	s24 =	sshra.s32 s8, $0x1F;
	s1 =	spop (v2sf)  }
0x4c: {  	s17 =	sadd.s32 s0, s17;
	s25 =	sshra.s32 s1, $0x1F;
	s6 =	smul.u32 $0x19C2D14F, s24  }
0x4d: {  	v3 =	vmov s19;
	s19 =	sshrl.u32 s17, $0x1F;
	s24 =	smul.u32 $0x19C2D14F, s25;
	s25 =	sshra.s32 s17, $0x10  }
0x4e: {  	s2 =	smulhi.u32 $0x19C2D14F, s8;
	v4 =	vmov s19;
	s8 =	sshrl.u32 s30, $0x1F;
	v3 =	vsel vm3, s25, v3;
	s25 =	sshra.s32 s17, $0x1F  }
0x4f: {  	s19 =	sshra.s32 s30, $0x10;
	s30 =	sshra.s32 s30, $0x1F;
	s23 =	spop (v2sf);
	v4 =	vnsel vm3, $0x0, v4;
	v3 =	vsel vm9, s25, v3  }
0x50: {  	s0 =	sshra.s32 s23, $0x1F;
	v4 =	vsel vm0, s8, v4;
	s17 =	spop (v2sf);
	s25 =	sshrl.u32 s31, $0x1F;
	v5 =	vsel vm0, s19, v3  }
0x51: {  	s8 =	simm.s32 $0x0;
	s31 =	smulhi.u32 $0x19C2D14F, s1;
	v3 =	vsel vm1, s25, v4;
	s19 =	sshra.s32 s17, $0x1F;
	v4 =	vsel vm10, s30, v5  }
.LBB2_2:
0x52: {  	p0 =	sne.s32 s5, $0x33F  }
0x53: {  	s1 =	smulhi.u32 $0x19C2D14F, s23;
	s8 =	sadd.s32 $0x10, s8;
	s23 =	smov.u32 s5  }
0x54: {  	s5 =	sadd.s32 $0x1, s5;
	s15 =	smul.u32 $0x19C2D14F, s15;
	s30 =	spop (v2sf)  }
0x55: {  	s0 =	smul.u32 $0x19C2D14F, s0;
	s25 =	sshra.s32 s30, $0x1F  }
0x56: {  	s16 =	smul.u32 $0x19C2D14F, s16;
	s15 =	sadd.s32 s15, s28  }
0x57: {  	s22 =	sadd.s32 s22, s29;
	s28 =	sshrl.u32 s15, $0x1F;
	s15 =	sshra.s32 s15, $0x10  }
0x58: {  	s29 =	sshrl.u32 s20, $0x1F;
	s14 =	smulhi.u32 $0x19C2D14F, s14;
	s20 =	sshra.s32 s20, $0x10;
	v5 =	vmov s28;
	v6 =	vmov s15  }
0x59: {  	s0 =	sadd.s32 s0, s1;
	s1 =	sshra.s32 s22, $0x10;
	s15 =	sshrl.u32 s22, $0x1F;
	v5 =	vsel vm0, s29, v5;
	v6 =	vsel vm0, s20, v6  }
0x5a: {  	s2 =	sadd.s32 s6, s2;
	s6 =	sadd.s32 s24, s31;
	s14 =	sadd.s32 s16, s14;
	v5 =	vsel vm1, s15, v5;
	v6 =	vsel vm1, s1, v6  }
0x5b: {  	s1 =	sadd.s32 s21, s18;
	s15 =	sshrl.u32 s14, $0x1F;
	s14 =	sshra.s32 s14, $0x10  }
0x5c: {  	s16 =	smulhi.u32 $0x19C2D14F, s30;
	s18 =	sshrl.u32 s1, $0x1F;
	v7 =	vmov s15;
	s1 =	sshra.s32 s1, $0x10;
	v8 =	vmov s14  }
0x5d: {  	v4 =	vsel vm1, s12, v4;
	s14 =	smul.u32 $0x19C2D14F, s25;
	s15 =	sshrl.u32 s2, $0x1F;
	v7 =	vsel vm0, s18, v7;
	v8 =	vsel vm0, s1, v8;
	s1 =	sshra.s32 s2, $0x10  }
0x5e: {  	v4 =	vsel vm11, s13, v4;
	s2 =	sshrl.u32 s6, $0x1F;
	v7 =	vsel vm1, s15, v7;
	v8 =	vsel vm1, s1, v8;
	s1 =	sshra.s32 s10, $0x10  }
0x5f: {  	s6 =	sshra.s32 s6, $0x10;
	s12 =	sadd.s32 s14, s16;
	v4 =	vsel vm2, s1, v4;
	s1 =	sshra.s32 s10, $0x1F  }
0x60: {  	s13 =	sshrl.u32 s12, $0x1F;
	v7 =	vsel vm2, s2, v7;
	s2 =	smulhi.u32 $0x19C2D14F, s17;
	s12 =	sshra.s32 s12, $0x10;
	v8 =	vsel vm2, s6, v8;
	v4 =	vsel vm12, s1, v4  }
0x61: {  	s6 =	sshra.s32 s9, $0x1F;
	v5 =	vsel vm2, s13, v5;
	s1 =	smul.u32 $0x19C2D14F, s19;
	v6 =	vsel vm2, s12, v6;
	v4 =	vsel vm4, s11, v4  }
0x62: {  	s10 =	sshrl.u32 s10, $0x1F;
	v5 =	vcombine.low v7, v5;
	v6 =	vcombine.low v8, v6;
	v4 =	vsel vm13, s6, v4;
	s6 =	sshra.s32 s0, $0x10  }
0x63: {  	s9 =	sshrl.u32 s9, $0x1F;
	v3 =	vsel vm2, s10, v3;
	s1 =	sadd.s32 s1, s2;
	s2 =	sshra.s32 s0, $0x1F;
	v4 =	vsel vm5, s6, v4  }
0x64: {  	v3 =	vsel vm4, s9, v3;
	s0 =	sshrl.u32 s0, $0x1F;
	v4 =	vsel vm14, s2, v4;
	s2 =	sshra.s32 s1, $0x10  }
0x65: {  	s6 =	smul.u32 $0x4EC5, s23;
	v3 =	vsel vm5, s0, v3;
	s0 =	sshrl.u32 s1, $0x1F;
	s1 =	sshra.s32 s1, $0x1F;
	v4 =	vsel vm6, s2, v4  }
0x66: {  	v6 =	vperm.xlane v6, v0;
	v3 =	vsel vm6, s0, v3;
	s0 =	sshrl.u32 s7, $0x1F;
	v4 =	vsel vm15, s1, v4;
	s1 =	sshra.s32 s7, $0x10  }
0x67: {  	v5 =	vperm.xlane v5, v0;
	s2 =	sshrl.u32 s6, $0x12;
	v3 =	vsel vm7, s0, v3;
	v4 =	vsel vm7, s1, v4  }
0x68: {  	s0 =	smul.u32 $0xD, s2;
	v3 =	vperm.xlane v3, v1;
	v4 =	vperm.xlane v4, v1;
	_ =	sdelay $0x1  }
0x69: {  	s0 =	ssub.s32 s23, s0;
	v3 =	vsel vm8, v3, v5;
	v4 =	vsel vm8, v4, v6  }
0x6a: {  	s0 =	sand.u32 $0xFCBF, s0;
	v3 =	vadd.s32 v3, v4  }
0x6b: {  	s0 =	sshll.u32 s0, $0x4;
	v3 =	vmul.u32 $0xFFD84001, v3  }
0x6c: {  	v2 =	vshll.u32 v2, $0x2  }
0x6d: {  	v2 =	vadd.s32 v2, v3  }
0x6e: {  	[tilespmem:s4+$0x0] =	vst v2;
	s4 =	smov.u32 s8  }
0x6f: {  	v2 =	vld [tilespmem:s0+$0x3400]  }
0x70: {  	v3 =	vld [tilespmem:s8+$0x0];
	_ =	sdelay $0x4  }
0x71: {  	v2 =	vadd.s32 v2, v3  }
0x72: {  	(v2sf) =	vpush v2, $0x7  }
0x73: {  	(v2sf) =	vpush v2, $0x2  }
0x74: {  	(v2sf) =	vpush v2, $0x3  }
0x75: {  	(v2sf) =	vpush v2, $0x4  }
0x76: {  	(v2sf) =	vpush v2, $0x1  }
0x77: {  	(v2sf) =	vpush v2, $0xC  }
0x78: {  	(v2sf) =	vpush v2, $0x0  }
0x79: {  	(v2sf) =	vpush v2, $0x8;
	_ =	sdelay $0x1  }
0x7a: {  	(v2sf) =	vpush v2, $0xD;
	_ =	sdelay $0x2  }
0x7b: {  	(v2sf) =	vpush v2, $0xE;
	_ =	sdelay $0x1  }
0x7c: {  	(v2sf) =	vpush v2, $0x9  }
0x7d: {  	s0 =	spop (v2sf)  }
0x7e: {  	s1 =	smulhi.u32 $0x19C2D14F, s0;
	s0 =	sshra.s32 s0, $0x1F  }
0x7f: {  	(v2sf) =	vpush v2, $0xA;
	s2 =	spop (v2sf);
	s0 =	smul.u32 $0x19C2D14F, s0  }
0x80: {  	s6 =	sshra.s32 s2, $0x1F;
	(v2sf) =	vpush v2, $0xB;
	s7 =	spop (v2sf);
	s2 =	smulhi.u32 $0x19C2D14F, s2  }
0x81: {  	s9 =	smulhi.u32 $0x19C2D14F, s7;
	s10 =	sshra.s32 s7, $0x1F;
	s11 =	spop (v2sf);
	(v2sf) =	vpush v2, $0x5  }
0x82: {  	s12 =	sshra.s32 s11, $0x1F;
	s7 =	sadd.s32 s0, s1;
	s0 =	spop (v2sf)  }
0x83: {  	s1 =	smul.u32 $0x19C2D14F, s12;
	s12 =	sshra.s32 s7, $0x1F;
	s19 =	spop (v2sf)  }
0x84: {  	s6 =	smul.u32 $0x19C2D14F, s6;
	s15 =	sshra.s32 s19, $0x1F;
	v3 =	vmov s12;
	s17 =	spop (v2sf);
	(v2sf) =	vpush v2, $0x6  }
0x85: {  	s10 =	smul.u32 $0x19C2D14F, s10;
	s21 =	sshra.s32 s17, $0x1F;
	s14 =	spop (v2sf)  }
0x86: {  	s13 =	smulhi.u32 $0x19C2D14F, s0;
	s0 =	sshra.s32 s0, $0x1F;
	s16 =	sshra.s32 s14, $0x1F  }
0x87: {  	s25 =	sadd.s32 s6, s2;
	s0 =	smul.u32 $0x19C2D14F, s0;
	s2 =	spop (v2sf)  }
0x88: {  	s12 =	sshra.s32 s25, $0x10;
	s17 =	smulhi.u32 $0x19C2D14F, s17;
	s6 =	sshra.s32 s2, $0x1F  }
0x89: {  	s30 =	sadd.s32 s0, s13;
	s0 =	smulhi.u32 $0x19C2D14F, s11;
	s13 =	sshra.s32 s25, $0x1F;
	(v2sf) =	vpush v2, $0xF  }
0x8a: {  	s10 =	sadd.s32 s10, s9;
	s2 =	smulhi.u32 $0x19C2D14F, s2;
	s29 =	spop (v2sf)  }
0x8b: {  	s9 =	sadd.s32 s1, s0;
	s6 =	smul.u32 $0x19C2D14F, s6;
	s11 =	sshra.s32 s29, $0x1F  }
0x8c: {  	s22 =	smul.u32 $0x19C2D14F, s11;
	s11 =	sshra.s32 s9, $0x10;
	s0 =	spop (v2sf)  }
0x8d: {  	s20 =	sadd.s32 s6, s2;
	s18 =	smulhi.u32 $0x19C2D14F, s0;
	s0 =	sshra.s32 s0, $0x1F  }
0x8e: {  	s1 =	smul.u32 $0x19C2D14F, s21;
	s2 =	spop (v2sf)  }
0x8f: {  	s21 =	smul.u32 $0x19C2D14F, s0;
	s6 =	sshra.s32 s2, $0x1F;
	s31 =	spop (v2sf)  }
0x90: {  	s2 =	smulhi.u32 $0x19C2D14F, s2;
	s24 =	sshra.s32 s31, $0x1F;
	s23 =	spop (v2sf)  }
0x91: {  	s1 =	sadd.s32 s1, s17;
	s6 =	smul.u32 $0x19C2D14F, s6;
	s0 =	sshra.s32 s23, $0x1F  }
.Ltmp0:
0x92: {  	s17 =	sshrl.u32 s1, $0x1F;
	s28 =	sshra.s32 s1, $0x10;
	(pc) =	sbr.rel @p0 .LBB2_2-.Ltmp0, $4  }
0x93: {  	s1 =	sshra.s32 s1, $0x1F;
	v4 =	vmov s17;
	v3 =	vsel vm3, s28, v3;
	s24 =	smul.u32 $0x19C2D14F, s24;
	s17 =	spop (v2sf)  }
0x94: {  	s28 =	smulhi.u32 $0x19C2D14F, s19;
	s19 =	sshrl.u32 s30, $0x1F;
	v4 =	vnsel vm3, $0x0, v4;
	v3 =	vsel vm9, s1, v3;
	s1 =	sshra.s32 s30, $0x10  }
0x95: {  	s29 =	smulhi.u32 $0x19C2D14F, s29;
	v4 =	vsel vm0, s19, v4;
	s19 =	sshrl.u32 s25, $0x1F;
	v5 =	vsel vm0, s1, v3;
	s1 =	sshra.s32 s30, $0x1F  }
0x96: {  	v3 =	vsel vm1, s19, v4;
	v4 =	vsel vm10, s1, v5;
	s31 =	smulhi.u32 $0x19C2D14F, s31;
	s19 =	sshra.s32 s17, $0x1F  }
0x97: {  	s1 =	smulhi.u32 $0x19C2D14F, s23  }
0x98: {  	s5 =	smul.u32 $0x19C2D14F, s15  }
0x99: {  	s0 =	smul.u32 $0x19C2D14F, s0  }
0x9a: {  	s8 =	smul.u32 $0x19C2D14F, s16  }
0x9b: {  	s14 =	smulhi.u32 $0x19C2D14F, s14  }
0x9c: {  	s15 =	sadd.s32 s22, s29;
	s2 =	sadd.s32 s6, s2;
	s29 =	sshrl.u32 s20, $0x1F  }
0x9d: {  	s30 =	sshra.s32 s20, $0x10;
	s23 =	spop (v2sf);
	s16 =	sadd.s32 s24, s31  }
0x9e: {  	s31 =	sadd.s32 s21, s18;
	s21 =	sshrl.u32 s15, $0x1F;
	s5 =	sadd.s32 s5, s28  }
0x9f: {  	s0 =	sadd.s32 s0, s1;
	s8 =	sadd.s32 s8, s14;
	s25 =	sshra.s32 s23, $0x1F  }
0xa0: {  	v4 =	vsel vm1, s12, v4;
	s1 =	smulhi.u32 $0x19C2D14F, s23;
	s28 =	sshrl.u32 s5, $0x1F;
	s5 =	sshra.s32 s5, $0x10  }
0xa1: {  	v4 =	vsel vm11, s13, v4;
	s14 =	smul.u32 $0x19C2D14F, s25;
	s24 =	sshrl.u32 s8, $0x1F;
	s8 =	sshra.s32 s8, $0x10;
	v5 =	vmov s28;
	v6 =	vmov s5  }
0xa2: {  	s13 =	sshrl.u32 s2, $0x1F;
	s25 =	sshrl.u32 s31, $0x1F;
	s28 =	sshra.s32 s10, $0x10;
	v7 =	vmov s24;
	v8 =	vmov s8;
	v5 =	vsel vm0, s29, v5  }
0xa3: {  	s23 =	sshra.s32 s15, $0x10;
	v6 =	vsel vm0, s30, v6;
	s1 =	sadd.s32 s14, s1;
	v4 =	vsel vm2, s28, v4;
	s30 =	sshra.s32 s10, $0x1F;
	v7 =	vsel vm0, s25, v7  }
0xa4: {  	s29 =	sshra.s32 s31, $0x10;
	s14 =	smul.u32 $0x19C2D14F, s19;
	s19 =	sshrl.u32 s10, $0x1F;
	v5 =	vsel vm1, s21, v5;
	v6 =	vsel vm1, s23, v6;
	v4 =	vsel vm12, s30, v4  }
0xa5: {  	s2 =	sshra.s32 s2, $0x10;
	s18 =	sshra.s32 s9, $0x1F;
	s15 =	sshrl.u32 s16, $0x1F;
	v8 =	vsel vm0, s29, v8;
	v7 =	vsel vm1, s13, v7;
	v3 =	vsel vm2, s19, v3  }
0xa6: {  	s31 =	smulhi.u32 $0x19C2D14F, s17;
	s22 =	sshrl.u32 s1, $0x1F;
	s23 =	sshrl.u32 s9, $0x1F;
	v4 =	vsel vm4, s11, v4;
	v8 =	vsel vm1, s2, v8;
	v7 =	vsel vm2, s15, v7  }
0xa7: {  	s17 =	sshra.s32 s16, $0x10;
	s21 =	sshra.s32 s0, $0x10;
	s1 =	sshra.s32 s1, $0x10;
	v5 =	vsel vm2, s22, v5;
	v3 =	vsel vm4, s23, v3;
	v4 =	vsel vm13, s18, v4  }
0xa8: {  	s24 =	sshra.s32 s0, $0x1F;
	s0 =	sshrl.u32 s0, $0x1F;
	s20 =	sadd.s32 s14, s31;
	v6 =	vsel vm2, s1, v6;
	v8 =	vsel vm2, s17, v8;
	v4 =	vsel vm5, s21, v4  }
0xa9: {  	s25 =	sshra.s32 s20, $0x10;
	v3 =	vsel vm5, s0, v3;
	s28 =	sshrl.u32 s20, $0x1F;
	v5 =	vcombine.low v7, v5;
	v4 =	vsel vm14, s24, v4  }
0xaa: {  	s30 =	sshrl.u32 s7, $0x1F;
	s29 =	sshra.s32 s20, $0x1F;
	v6 =	vcombine.low v8, v6;
	v3 =	vsel vm6, s28, v3;
	v4 =	vsel vm6, s25, v4  }
0xab: {  	s31 =	sshra.s32 s7, $0x10;
	v3 =	vsel vm7, s30, v3;
	v4 =	vsel vm15, s29, v4  }
0xac: {  	v5 =	vperm.xlane v5, v0;
	v6 =	vperm.xlane v6, v0;
	v4 =	vsel vm7, s31, v4  }
0xad: {  	v3 =	vperm.xlane v3, v1;
	v4 =	vperm.xlane v4, v1;
	_ =	sdelay $0x1  }
0xae: {  	v3 =	vsel vm8, v3, v5;
	v4 =	vsel vm8, v4, v6  }
0xaf: {  	v3 =	vadd.s32 v3, v4  }
0xb0: {  	v3 =	vmul.u32 $0xFFD84001, v3  }
0xb1: {  	v2 =	vshll.u32 v2, $0x2  }
0xb2: {  	v2 =	vadd.s32 v2, v3  }
0xb3: {  	s8 =	simm.s32 $0x340;
	s2 =	simm.s32 $0x3810;
	s0 =	simm.s32 $0x0;
	[tilespmem:s4+$0x0] =	vst v2  }
0xb4: {  	[tilespmem:s2], [sflag:$0x1] =	stream.indirect.gather [hbm4b:s3+s8], $0x20, s0, s8, $0xb8;
	[tilespmem:$0x10810] =	vst v63  }
0xb5: {  	s10 =	simm.s32 $0x1;
	s9 =	simm.s32 $0xA010  }
0xb6: {  	[tilespmem:s9], [sflag:$0x2] =	stream.indirect.gather [hbm4b:s3+s8], $0x20, s8, s8, $0xb8;
	[tilespmem:$0x10810] =	vst v63  }
0xb7: {  	_ =	swait.ge [sflag:s10], $0x6800  }
0xb8: {  	s12 =	simm.s32 $0x3;
	s13 =	simm.s32 $0x2;
	[sflag:s10] =	ssyncset.done $0x0  }
0xb9: {  	s7 =	simm.s32 $0x0;
	s11 =	simm.s32 $0x3810;
	[sflag:s10] =	ssyncadd.s32 $0xFFFF9800  }
.LBB2_4:
0xba: {  	v2 =	vmov s2;
	_ =	sdelay $0x1  }
0xbb: {  	s1 =	sshll.u32 s0, $0x5  }
0xbc: {  	s1 =	sand.u32 $0x3FFFFFE0, s1  }
0xbd: {  	s4 =	simm.s32 $0x0;
	v3 =	vld [tilespmem:s1+$0x34D0]  }
0xbe: {  	v4 =	vld.idx.msk [tilespmem:v2+s4+$0x0 ss:$0x1], $0xffff;
	_ =	sdelay $0x4  }
0xbf: {  	v5 =	vadd.f32 v4, v3;
	_ =	sdelay $0x1  }
0xc0: {  	v4 =	vld [tilespmem:s1+$0x34E0];
	[tilespmem:v2+s4+$0x0 ss:$0x1] =	vst.idx.msk $0xffff, v5  }
0xc1: {  	v5 =	vld.idx.msk [tilespmem:v2+s4+$0x10 ss:$0x1], $0xffff;
	_ =	sdelay $0x4  }
0xc2: {  	s5 =	simm.s32 $0xD00;
	s6 =	simm.s32 $0x1A00;
	v5 =	vadd.f32 v5, v4  }
.LBB2_5:
0xc3: {  	p0 =	sne.s32 s6, $0x19300  }
0xc4: {  	[tilespmem:v2+s4+$0x10 ss:$0x1] =	vst.idx.msk $0xffff, v5;
	s4 =	sshra.s32 s5, $0x2;
	s5 =	smov.u32 s6;
	s6 =	sadd.s32 $0xD00, s6  }
0xc5: {  	v5 =	vld.idx.msk [tilespmem:v2+s4+$0x0 ss:$0x1], $0xffff;
	_ =	sdelay $0x5  }
0xc6: {  	v5 =	vadd.f32 v5, v3;
	_ =	sdelay $0x1  }
0xc7: {  	[tilespmem:v2+s4+$0x0 ss:$0x1] =	vst.idx.msk $0xffff, v5  }
0xc8: {  	v5 =	vld.idx.msk [tilespmem:v2+s4+$0x10 ss:$0x1], $0xffff;
	_ =	sdelay $0x1  }
.Ltmp1:
0xc9: {  	(pc) =	sbr.rel @p0 .LBB2_5-.Ltmp1, $2  }
0xca: {  	_ =	sdelay $0x2  }
0xcb: {  	v5 =	vadd.f32 v5, v4  }
0xcc: {  	_ =	sdelay $0x3  }
0xcd: {  	s1 =	sshra.s32 s5, $0x2;
	[tilespmem:v2+s4+$0x10 ss:$0x1] =	vst.idx.msk $0xffff, v5  }
0xce: {  	v5 =	vld.idx.msk [tilespmem:v2+s1+$0x0 ss:$0x1], $0xffff;
	_ =	sdelay $0x4  }
0xcf: {  	v3 =	vadd.f32 v5, v3;
	_ =	sdelay $0x1  }
0xd0: {  	[tilespmem:v2+s1+$0x0 ss:$0x1] =	vst.idx.msk $0xffff, v3  }
0xd1: {  	v3 =	vld.idx.msk [tilespmem:v2+s1+$0x10 ss:$0x1], $0xffff  }
0xd2: {  	s0 =	sadd.s32 $0x1, s0  }
0xd3: {  	p0 =	sne.s32 s0, $0x1A  }
.Ltmp2:
0xd4: {  	_ = 	snop;
	(pc) =	sbr.rel @p0 .LBB2_4-.Ltmp2, $3  }
0xd5: {  	_ = 	snop  }
0xd6: {  	v3 =	vadd.f32 v3, v4;
	_ =	sdelay $0x1  }
0xd7: {  	s2 =	sadd.s32 $0x20, s2;
	[tilespmem:v2+s1+$0x10 ss:$0x1] =	vst.idx.msk $0xffff, v3  }
0xd8: {  	s0 =	simm.s32 $0x0;
	s1 =	rddreg [dreg:$0x5]  }
0xd9: {  	[hbm4b:s1+s0] =	stream.linear.scatter [tilespmem:s11], [sflag:$0x3], $0x6800, $0x38;
	[tilespmem:$0x10810] =	vst v63  }
0xda: {  	_ =	swait.ge [sflag:s12], $0x6800  }
0xdb: {  	[sflag:s12] =	ssyncset.done $0x0  }
0xdc: {  	s31 =	simm.s32 $0x680;
	[sflag:s12] =	ssyncadd.s32 $0xFFFF9800  }
0xdd: {  	[tilespmem:s11], [sflag:$0x1] =	stream.indirect.gather [hbm4b:s3+s8], $0x20, s31, s8, $0xb8;
	[tilespmem:$0x10810] =	vst v63  }
0xde: {  	_ =	swait.ge [sflag:s13], $0x6800  }
0xdf: {  	[sflag:s13] =	ssyncset.done $0x0  }
0xe0: {  	s2 =	simm.s32 $0xA010;
	[sflag:s13] =	ssyncadd.s32 $0xFFFF9800  }
.LBB2_8:
0xe1: {  	v2 =	vmov s2;
	_ =	sdelay $0x1  }
0xe2: {  	s1 =	sshll.u32 s0, $0x5  }
0xe3: {  	s1 =	sand.u32 $0x3FFFFFE0, s1  }
0xe4: {  	s4 =	simm.s32 $0x0;
	v3 =	vld [tilespmem:s1+$0x34D0]  }
0xe5: {  	v4 =	vld.idx.msk [tilespmem:v2+s4+$0x0 ss:$0x1], $0xffff;
	_ =	sdelay $0x4  }
0xe6: {  	v5 =	vadd.f32 v4, v3;
	_ =	sdelay $0x1  }
0xe7: {  	v4 =	vld [tilespmem:s1+$0x34E0];
	[tilespmem:v2+s4+$0x0 ss:$0x1] =	vst.idx.msk $0xffff, v5  }
0xe8: {  	v5 =	vld.idx.msk [tilespmem:v2+s4+$0x10 ss:$0x1], $0xffff;
	_ =	sdelay $0x4  }
0xe9: {  	s5 =	simm.s32 $0xD00;
	s6 =	simm.s32 $0x1A00;
	v5 =	vadd.f32 v5, v4  }
.LBB2_9:
0xea: {  	p0 =	sne.s32 s6, $0x19300  }
0xeb: {  	[tilespmem:v2+s4+$0x10 ss:$0x1] =	vst.idx.msk $0xffff, v5;
	s4 =	sshra.s32 s5, $0x2;
	s5 =	smov.u32 s6;
	s6 =	sadd.s32 $0xD00, s6  }
0xec: {  	v5 =	vld.idx.msk [tilespmem:v2+s4+$0x0 ss:$0x1], $0xffff;
	_ =	sdelay $0x5  }
0xed: {  	v5 =	vadd.f32 v5, v3;
	_ =	sdelay $0x1  }
0xee: {  	[tilespmem:v2+s4+$0x0 ss:$0x1] =	vst.idx.msk $0xffff, v5  }
0xef: {  	v5 =	vld.idx.msk [tilespmem:v2+s4+$0x10 ss:$0x1], $0xffff;
	_ =	sdelay $0x1  }
.Ltmp3:
0xf0: {  	(pc) =	sbr.rel @p0 .LBB2_9-.Ltmp3, $2  }
0xf1: {  	_ =	sdelay $0x2  }
0xf2: {  	v5 =	vadd.f32 v5, v4  }
0xf3: {  	_ =	sdelay $0x3  }
0xf4: {  	s1 =	sshra.s32 s5, $0x2;
	[tilespmem:v2+s4+$0x10 ss:$0x1] =	vst.idx.msk $0xffff, v5  }
0xf5: {  	v5 =	vld.idx.msk [tilespmem:v2+s1+$0x0 ss:$0x1], $0xffff;
	_ =	sdelay $0x4  }
0xf6: {  	v3 =	vadd.f32 v5, v3;
	_ =	sdelay $0x1  }
0xf7: {  	[tilespmem:v2+s1+$0x0 ss:$0x1] =	vst.idx.msk $0xffff, v3  }
0xf8: {  	v3 =	vld.idx.msk [tilespmem:v2+s1+$0x10 ss:$0x1], $0xffff  }
0xf9: {  	s0 =	sadd.s32 $0x1, s0  }
0xfa: {  	p0 =	sne.s32 s0, $0x1A  }
.Ltmp4:
0xfb: {  	_ = 	snop;
	(pc) =	sbr.rel @p0 .LBB2_8-.Ltmp4, $3  }
0xfc: {  	_ = 	snop  }
0xfd: {  	v3 =	vadd.f32 v3, v4;
	_ =	sdelay $0x1  }
0xfe: {  	s2 =	sadd.s32 $0x20, s2;
	[tilespmem:v2+s1+$0x10 ss:$0x1] =	vst.idx.msk $0xffff, v3  }
0xff: {  	s0 =	simm.s32 $0x0;
	s1 =	rddreg [dreg:$0x7]  }
0x100: {  	[hbm4b:s1+s0] =	stream.linear.scatter [tilespmem:s9], [sflag:$0x4], $0x6800, $0x38;
	[tilespmem:$0x10810] =	vst v63  }
0x101: {  	_ =	swait.ge [sflag:s26], $0x6800  }
0x102: {  	[sflag:s26] =	ssyncset.done $0x0  }
0x103: {  	s31 =	simm.s32 $0x9C0;
	[sflag:s26] =	ssyncadd.s32 $0xFFFF9800  }
0x104: {  	[tilespmem:s9], [sflag:$0x2] =	stream.indirect.gather [hbm4b:s3+s8], $0x20, s31, s8, $0xb8;
	[tilespmem:$0x10810] =	vst v63  }
0x105: {  	_ =	swait.ge [sflag:s10], $0x6800  }
0x106: {  	[sflag:s10] =	ssyncset.done $0x0  }
0x107: {  	s2 =	simm.s32 $0x3810;
	[sflag:s10] =	ssyncadd.s32 $0xFFFF9800  }
.LBB2_12:
0x108: {  	v2 =	vmov s2;
	_ =	sdelay $0x1  }
0x109: {  	s1 =	sshll.u32 s0, $0x5  }
0x10a: {  	s1 =	sand.u32 $0x3FFFFFE0, s1  }
0x10b: {  	s4 =	simm.s32 $0x0;
	v3 =	vld [tilespmem:s1+$0x34D0]  }
0x10c: {  	v4 =	vld.idx.msk [tilespmem:v2+s4+$0x0 ss:$0x1], $0xffff;
	_ =	sdelay $0x4  }
0x10d: {  	v5 =	vadd.f32 v4, v3;
	_ =	sdelay $0x1  }
0x10e: {  	v4 =	vld [tilespmem:s1+$0x34E0];
	[tilespmem:v2+s4+$0x0 ss:$0x1] =	vst.idx.msk $0xffff, v5  }
0x10f: {  	v5 =	vld.idx.msk [tilespmem:v2+s4+$0x10 ss:$0x1], $0xffff;
	_ =	sdelay $0x4  }
0x110: {  	s5 =	simm.s32 $0xD00;
	s6 =	simm.s32 $0x1A00;
	v5 =	vadd.f32 v5, v4  }
.LBB2_13:
0x111: {  	p0 =	sne.s32 s6, $0x19300  }
0x112: {  	[tilespmem:v2+s4+$0x10 ss:$0x1] =	vst.idx.msk $0xffff, v5;
	s4 =	sshra.s32 s5, $0x2;
	s5 =	smov.u32 s6;
	s6 =	sadd.s32 $0xD00, s6  }
0x113: {  	v5 =	vld.idx.msk [tilespmem:v2+s4+$0x0 ss:$0x1], $0xffff;
	_ =	sdelay $0x5  }
0x114: {  	v5 =	vadd.f32 v5, v3;
	_ =	sdelay $0x1  }
0x115: {  	[tilespmem:v2+s4+$0x0 ss:$0x1] =	vst.idx.msk $0xffff, v5  }
0x116: {  	v5 =	vld.idx.msk [tilespmem:v2+s4+$0x10 ss:$0x1], $0xffff;
	_ =	sdelay $0x1  }
.Ltmp5:
0x117: {  	(pc) =	sbr.rel @p0 .LBB2_13-.Ltmp5, $2  }
0x118: {  	_ =	sdelay $0x2  }
0x119: {  	v5 =	vadd.f32 v5, v4  }
0x11a: {  	_ =	sdelay $0x3  }
0x11b: {  	s1 =	sshra.s32 s5, $0x2;
	[tilespmem:v2+s4+$0x10 ss:$0x1] =	vst.idx.msk $0xffff, v5  }
0x11c: {  	v5 =	vld.idx.msk [tilespmem:v2+s1+$0x0 ss:$0x1], $0xffff;
	_ =	sdelay $0x4  }
0x11d: {  	v3 =	vadd.f32 v5, v3;
	_ =	sdelay $0x1  }
0x11e: {  	[tilespmem:v2+s1+$0x0 ss:$0x1] =	vst.idx.msk $0xffff, v3  }
0x11f: {  	v3 =	vld.idx.msk [tilespmem:v2+s1+$0x10 ss:$0x1], $0xffff  }
0x120: {  	s0 =	sadd.s32 $0x1, s0  }
0x121: {  	p0 =	sne.s32 s0, $0x1A  }
.Ltmp6:
0x122: {  	_ = 	snop;
	(pc) =	sbr.rel @p0 .LBB2_12-.Ltmp6, $3  }
0x123: {  	_ = 	snop  }
0x124: {  	v3 =	vadd.f32 v3, v4;
	_ =	sdelay $0x1  }
0x125: {  	s2 =	sadd.s32 $0x20, s2;
	[tilespmem:v2+s1+$0x10 ss:$0x1] =	vst.idx.msk $0xffff, v3  }
0x126: {  	s0 =	simm.s32 $0x0;
	s1 =	rddreg [dreg:$0x8]  }
0x127: {  	[hbm4b:s1+s0] =	stream.linear.scatter [tilespmem:s11], [sflag:$0x3], $0x6800, $0x38;
	[tilespmem:$0x10810] =	vst v63  }
0x128: {  	_ =	swait.ge [sflag:s12], $0x6800  }
0x129: {  	[sflag:s12] =	ssyncset.done $0x0  }
0x12a: {  	s31 =	simm.s32 $0xD00;
	[sflag:s12] =	ssyncadd.s32 $0xFFFF9800  }
0x12b: {  	[tilespmem:s11], [sflag:$0x1] =	stream.indirect.gather [hbm4b:s3+s8], $0x20, s31, s8, $0xb8;
	[tilespmem:$0x10810] =	vst v63  }
0x12c: {  	_ =	swait.ge [sflag:s13], $0x6800  }
0x12d: {  	[sflag:s13] =	ssyncset.done $0x0  }
0x12e: {  	s2 =	simm.s32 $0xA010;
	[sflag:s13] =	ssyncadd.s32 $0xFFFF9800  }
.LBB2_16:
0x12f: {  	v2 =	vmov s2;
	_ =	sdelay $0x1  }
0x130: {  	s1 =	sshll.u32 s0, $0x5  }
0x131: {  	s1 =	sand.u32 $0x3FFFFFE0, s1  }
0x132: {  	s4 =	simm.s32 $0x0;
	v3 =	vld [tilespmem:s1+$0x34D0]  }
0x133: {  	v4 =	vld.idx.msk [tilespmem:v2+s4+$0x0 ss:$0x1], $0xffff;
	_ =	sdelay $0x4  }
0x134: {  	v5 =	vadd.f32 v4, v3;
	_ =	sdelay $0x1  }
0x135: {  	v4 =	vld [tilespmem:s1+$0x34E0];
	[tilespmem:v2+s4+$0x0 ss:$0x1] =	vst.idx.msk $0xffff, v5  }
0x136: {  	v5 =	vld.idx.msk [tilespmem:v2+s4+$0x10 ss:$0x1], $0xffff;
	_ =	sdelay $0x4  }
0x137: {  	s5 =	simm.s32 $0xD00;
	s6 =	simm.s32 $0x1A00;
	v5 =	vadd.f32 v5, v4  }
.LBB2_17:
0x138: {  	p0 =	sne.s32 s6, $0x19300  }
0x139: {  	[tilespmem:v2+s4+$0x10 ss:$0x1] =	vst.idx.msk $0xffff, v5;
	s4 =	sshra.s32 s5, $0x2;
	s5 =	smov.u32 s6;
	s6 =	sadd.s32 $0xD00, s6  }
0x13a: {  	v5 =	vld.idx.msk [tilespmem:v2+s4+$0x0 ss:$0x1], $0xffff;
	_ =	sdelay $0x5  }
0x13b: {  	v5 =	vadd.f32 v5, v3;
	_ =	sdelay $0x1  }
0x13c: {  	[tilespmem:v2+s4+$0x0 ss:$0x1] =	vst.idx.msk $0xffff, v5  }
0x13d: {  	v5 =	vld.idx.msk [tilespmem:v2+s4+$0x10 ss:$0x1], $0xffff;
	_ =	sdelay $0x1  }
.Ltmp7:
0x13e: {  	(pc) =	sbr.rel @p0 .LBB2_17-.Ltmp7, $2  }
0x13f: {  	_ =	sdelay $0x2  }
0x140: {  	v5 =	vadd.f32 v5, v4  }
0x141: {  	_ =	sdelay $0x3  }
0x142: {  	s1 =	sshra.s32 s5, $0x2;
	[tilespmem:v2+s4+$0x10 ss:$0x1] =	vst.idx.msk $0xffff, v5  }
0x143: {  	v5 =	vld.idx.msk [tilespmem:v2+s1+$0x0 ss:$0x1], $0xffff;
	_ =	sdelay $0x4  }
0x144: {  	v3 =	vadd.f32 v5, v3;
	_ =	sdelay $0x1  }
0x145: {  	[tilespmem:v2+s1+$0x0 ss:$0x1] =	vst.idx.msk $0xffff, v3  }
0x146: {  	v3 =	vld.idx.msk [tilespmem:v2+s1+$0x10 ss:$0x1], $0xffff  }
0x147: {  	s0 =	sadd.s32 $0x1, s0  }
0x148: {  	p0 =	sne.s32 s0, $0x1A  }
.Ltmp8:
0x149: {  	_ = 	snop;
	(pc) =	sbr.rel @p0 .LBB2_16-.Ltmp8, $3  }
0x14a: {  	_ = 	snop  }
0x14b: {  	v3 =	vadd.f32 v3, v4;
	_ =	sdelay $0x1  }
0x14c: {  	s2 =	sadd.s32 $0x20, s2;
	[tilespmem:v2+s1+$0x10 ss:$0x1] =	vst.idx.msk $0xffff, v3  }
0x14d: {  	s0 =	simm.s32 $0x0;
	s1 =	rddreg [dreg:$0x9]  }
0x14e: {  	[hbm4b:s1+s0] =	stream.linear.scatter [tilespmem:s9], [sflag:$0x4], $0x6800, $0x38;
	[tilespmem:$0x10810] =	vst v63  }
0x14f: {  	_ =	swait.ge [sflag:s26], $0x6800  }
0x150: {  	[sflag:s26] =	ssyncset.done $0x0  }
0x151: {  	s31 =	simm.s32 $0x1040;
	[sflag:s26] =	ssyncadd.s32 $0xFFFF9800  }
0x152: {  	[tilespmem:s9], [sflag:$0x2] =	stream.indirect.gather [hbm4b:s3+s8], $0x20, s31, s8, $0xb8;
	[tilespmem:$0x10810] =	vst v63  }
0x153: {  	_ =	swait.ge [sflag:s10], $0x6800  }
0x154: {  	[sflag:s10] =	ssyncset.done $0x0  }
0x155: {  	s2 =	simm.s32 $0x3810;
	[sflag:s10] =	ssyncadd.s32 $0xFFFF9800  }
.LBB2_20:
0x156: {  	v2 =	vmov s2;
	_ =	sdelay $0x1  }
0x157: {  	s1 =	sshll.u32 s0, $0x5  }
0x158: {  	s1 =	sand.u32 $0x3FFFFFE0, s1  }
0x159: {  	s4 =	simm.s32 $0x0;
	v3 =	vld [tilespmem:s1+$0x34D0]  }
0x15a: {  	v4 =	vld.idx.msk [tilespmem:v2+s4+$0x0 ss:$0x1], $0xffff;
	_ =	sdelay $0x4  }
0x15b: {  	v5 =	vadd.f32 v4, v3;
	_ =	sdelay $0x1  }
0x15c: {  	v4 =	vld [tilespmem:s1+$0x34E0];
	[tilespmem:v2+s4+$0x0 ss:$0x1] =	vst.idx.msk $0xffff, v5  }
0x15d: {  	v5 =	vld.idx.msk [tilespmem:v2+s4+$0x10 ss:$0x1], $0xffff;
	_ =	sdelay $0x4  }
0x15e: {  	s5 =	simm.s32 $0xD00;
	s6 =	simm.s32 $0x1A00;
	v5 =	vadd.f32 v5, v4  }
.LBB2_21:
0x15f: {  	p0 =	sne.s32 s6, $0x19300  }
0x160: {  	[tilespmem:v2+s4+$0x10 ss:$0x1] =	vst.idx.msk $0xffff, v5;
	s4 =	sshra.s32 s5, $0x2;
	s5 =	smov.u32 s6;
	s6 =	sadd.s32 $0xD00, s6  }
0x161: {  	v5 =	vld.idx.msk [tilespmem:v2+s4+$0x0 ss:$0x1], $0xffff;
	_ =	sdelay $0x5  }
0x162: {  	v5 =	vadd.f32 v5, v3;
	_ =	sdelay $0x1  }
0x163: {  	[tilespmem:v2+s4+$0x0 ss:$0x1] =	vst.idx.msk $0xffff, v5  }
0x164: {  	v5 =	vld.idx.msk [tilespmem:v2+s4+$0x10 ss:$0x1], $0xffff;
	_ =	sdelay $0x1  }
.Ltmp9:
0x165: {  	(pc) =	sbr.rel @p0 .LBB2_21-.Ltmp9, $2  }
0x166: {  	_ =	sdelay $0x2  }
0x167: {  	v5 =	vadd.f32 v5, v4  }
0x168: {  	_ =	sdelay $0x3  }
0x169: {  	s1 =	sshra.s32 s5, $0x2;
	[tilespmem:v2+s4+$0x10 ss:$0x1] =	vst.idx.msk $0xffff, v5  }
0x16a: {  	v5 =	vld.idx.msk [tilespmem:v2+s1+$0x0 ss:$0x1], $0xffff;
	_ =	sdelay $0x4  }
0x16b: {  	v3 =	vadd.f32 v5, v3;
	_ =	sdelay $0x1  }
0x16c: {  	[tilespmem:v2+s1+$0x0 ss:$0x1] =	vst.idx.msk $0xffff, v3  }
0x16d: {  	v3 =	vld.idx.msk [tilespmem:v2+s1+$0x10 ss:$0x1], $0xffff  }
0x16e: {  	s0 =	sadd.s32 $0x1, s0  }
0x16f: {  	p0 =	sne.s32 s0, $0x1A  }
.Ltmp10:
0x170: {  	_ = 	snop;
	(pc) =	sbr.rel @p0 .LBB2_20-.Ltmp10, $3  }
0x171: {  	_ = 	snop  }
0x172: {  	v3 =	vadd.f32 v3, v4;
	_ =	sdelay $0x1  }
0x173: {  	s2 =	sadd.s32 $0x20, s2;
	[tilespmem:v2+s1+$0x10 ss:$0x1] =	vst.idx.msk $0xffff, v3  }
0x174: {  	s0 =	simm.s32 $0x0;
	s1 =	rddreg [dreg:$0xa]  }
0x175: {  	[hbm4b:s1+s0] =	stream.linear.scatter [tilespmem:s11], [sflag:$0x3], $0x6800, $0x38;
	[tilespmem:$0x10810] =	vst v63  }
0x176: {  	_ =	swait.ge [sflag:s12], $0x6800  }
0x177: {  	[sflag:s12] =	ssyncset.done $0x0  }
0x178: {  	s31 =	simm.s32 $0x1380;
	[sflag:s12] =	ssyncadd.s32 $0xFFFF9800  }
0x179: {  	[tilespmem:s11], [sflag:$0x1] =	stream.indirect.gather [hbm4b:s3+s8], $0x20, s31, s8, $0xb8;
	[tilespmem:$0x10810] =	vst v63  }
0x17a: {  	_ =	swait.ge [sflag:s13], $0x6800  }
0x17b: {  	[sflag:s13] =	ssyncset.done $0x0  }
0x17c: {  	s2 =	simm.s32 $0xA010;
	[sflag:s13] =	ssyncadd.s32 $0xFFFF9800  }
.LBB2_24:
0x17d: {  	v2 =	vmov s2;
	_ =	sdelay $0x1  }
0x17e: {  	s1 =	sshll.u32 s0, $0x5  }
0x17f: {  	s1 =	sand.u32 $0x3FFFFFE0, s1  }
0x180: {  	s4 =	simm.s32 $0x0;
	v3 =	vld [tilespmem:s1+$0x34D0]  }
0x181: {  	v4 =	vld.idx.msk [tilespmem:v2+s4+$0x0 ss:$0x1], $0xffff;
	_ =	sdelay $0x4  }
0x182: {  	v5 =	vadd.f32 v4, v3;
	_ =	sdelay $0x1  }
0x183: {  	v4 =	vld [tilespmem:s1+$0x34E0];
	[tilespmem:v2+s4+$0x0 ss:$0x1] =	vst.idx.msk $0xffff, v5  }
0x184: {  	v5 =	vld.idx.msk [tilespmem:v2+s4+$0x10 ss:$0x1], $0xffff;
	_ =	sdelay $0x4  }
0x185: {  	s5 =	simm.s32 $0xD00;
	s6 =	simm.s32 $0x1A00;
	v5 =	vadd.f32 v5, v4  }
.LBB2_25:
0x186: {  	p0 =	sne.s32 s6, $0x19300  }
0x187: {  	[tilespmem:v2+s4+$0x10 ss:$0x1] =	vst.idx.msk $0xffff, v5;
	s4 =	sshra.s32 s5, $0x2;
	s5 =	smov.u32 s6;
	s6 =	sadd.s32 $0xD00, s6  }
0x188: {  	v5 =	vld.idx.msk [tilespmem:v2+s4+$0x0 ss:$0x1], $0xffff;
	_ =	sdelay $0x5  }
0x189: {  	v5 =	vadd.f32 v5, v3;
	_ =	sdelay $0x1  }
0x18a: {  	[tilespmem:v2+s4+$0x0 ss:$0x1] =	vst.idx.msk $0xffff, v5  }
0x18b: {  	v5 =	vld.idx.msk [tilespmem:v2+s4+$0x10 ss:$0x1], $0xffff;
	_ =	sdelay $0x1  }
.Ltmp11:
0x18c: {  	(pc) =	sbr.rel @p0 .LBB2_25-.Ltmp11, $2  }
0x18d: {  	_ =	sdelay $0x2  }
0x18e: {  	v5 =	vadd.f32 v5, v4  }
0x18f: {  	_ =	sdelay $0x3  }
0x190: {  	s1 =	sshra.s32 s5, $0x2;
	[tilespmem:v2+s4+$0x10 ss:$0x1] =	vst.idx.msk $0xffff, v5  }
0x191: {  	v5 =	vld.idx.msk [tilespmem:v2+s1+$0x0 ss:$0x1], $0xffff;
	_ =	sdelay $0x4  }
0x192: {  	v3 =	vadd.f32 v5, v3;
	_ =	sdelay $0x1  }
0x193: {  	[tilespmem:v2+s1+$0x0 ss:$0x1] =	vst.idx.msk $0xffff, v3  }
0x194: {  	v3 =	vld.idx.msk [tilespmem:v2+s1+$0x10 ss:$0x1], $0xffff  }
0x195: {  	s0 =	sadd.s32 $0x1, s0  }
0x196: {  	p0 =	sne.s32 s0, $0x1A  }
.Ltmp12:
0x197: {  	_ = 	snop;
	(pc) =	sbr.rel @p0 .LBB2_24-.Ltmp12, $3  }
0x198: {  	_ = 	snop  }
0x199: {  	v3 =	vadd.f32 v3, v4;
	_ =	sdelay $0x1  }
0x19a: {  	s2 =	sadd.s32 $0x20, s2;
	[tilespmem:v2+s1+$0x10 ss:$0x1] =	vst.idx.msk $0xffff, v3  }
0x19b: {  	s0 =	simm.s32 $0x0;
	s1 =	rddreg [dreg:$0xb]  }
0x19c: {  	[hbm4b:s1+s0] =	stream.linear.scatter [tilespmem:s9], [sflag:$0x4], $0x6800, $0x38;
	[tilespmem:$0x10810] =	vst v63  }
0x19d: {  	_ =	swait.ge [sflag:s26], $0x6800  }
0x19e: {  	[sflag:s26] =	ssyncset.done $0x0  }
0x19f: {  	s31 =	simm.s32 $0x16C0;
	[sflag:s26] =	ssyncadd.s32 $0xFFFF9800  }
0x1a0: {  	[tilespmem:s9], [sflag:$0x2] =	stream.indirect.gather [hbm4b:s3+s8], $0x20, s31, s8, $0xb8;
	[tilespmem:$0x10810] =	vst v63  }
0x1a1: {  	_ =	swait.ge [sflag:s10], $0x6800  }
0x1a2: {  	[sflag:s10] =	ssyncset.done $0x0  }
0x1a3: {  	s2 =	simm.s32 $0x3810;
	[sflag:s10] =	ssyncadd.s32 $0xFFFF9800  }
.LBB2_28:
0x1a4: {  	v2 =	vmov s2;
	_ =	sdelay $0x1  }
0x1a5: {  	s1 =	sshll.u32 s0, $0x5  }
0x1a6: {  	s1 =	sand.u32 $0x3FFFFFE0, s1  }
0x1a7: {  	s4 =	simm.s32 $0x0;
	v3 =	vld [tilespmem:s1+$0x34D0]  }
0x1a8: {  	v4 =	vld.idx.msk [tilespmem:v2+s4+$0x0 ss:$0x1], $0xffff;
	_ =	sdelay $0x4  }
0x1a9: {  	v5 =	vadd.f32 v4, v3;
	_ =	sdelay $0x1  }
0x1aa: {  	v4 =	vld [tilespmem:s1+$0x34E0];
	[tilespmem:v2+s4+$0x0 ss:$0x1] =	vst.idx.msk $0xffff, v5  }
0x1ab: {  	v5 =	vld.idx.msk [tilespmem:v2+s4+$0x10 ss:$0x1], $0xffff;
	_ =	sdelay $0x4  }
0x1ac: {  	s5 =	simm.s32 $0xD00;
	s6 =	simm.s32 $0x1A00;
	v5 =	vadd.f32 v5, v4  }
.LBB2_29:
0x1ad: {  	p0 =	sne.s32 s6, $0x19300  }
0x1ae: {  	[tilespmem:v2+s4+$0x10 ss:$0x1] =	vst.idx.msk $0xffff, v5;
	s4 =	sshra.s32 s5, $0x2;
	s5 =	smov.u32 s6;
	s6 =	sadd.s32 $0xD00, s6  }
0x1af: {  	v5 =	vld.idx.msk [tilespmem:v2+s4+$0x0 ss:$0x1], $0xffff;
	_ =	sdelay $0x5  }
0x1b0: {  	v5 =	vadd.f32 v5, v3;
	_ =	sdelay $0x1  }
0x1b1: {  	[tilespmem:v2+s4+$0x0 ss:$0x1] =	vst.idx.msk $0xffff, v5  }
0x1b2: {  	v5 =	vld.idx.msk [tilespmem:v2+s4+$0x10 ss:$0x1], $0xffff;
	_ =	sdelay $0x1  }
.Ltmp13:
0x1b3: {  	(pc) =	sbr.rel @p0 .LBB2_29-.Ltmp13, $2  }
0x1b4: {  	_ =	sdelay $0x2  }
0x1b5: {  	v5 =	vadd.f32 v5, v4  }
0x1b6: {  	_ =	sdelay $0x3  }
0x1b7: {  	s1 =	sshra.s32 s5, $0x2;
	[tilespmem:v2+s4+$0x10 ss:$0x1] =	vst.idx.msk $0xffff, v5  }
0x1b8: {  	v5 =	vld.idx.msk [tilespmem:v2+s1+$0x0 ss:$0x1], $0xffff;
	_ =	sdelay $0x4  }
0x1b9: {  	v3 =	vadd.f32 v5, v3;
	_ =	sdelay $0x1  }
0x1ba: {  	[tilespmem:v2+s1+$0x0 ss:$0x1] =	vst.idx.msk $0xffff, v3  }
0x1bb: {  	v3 =	vld.idx.msk [tilespmem:v2+s1+$0x10 ss:$0x1], $0xffff  }
0x1bc: {  	s0 =	sadd.s32 $0x1, s0  }
0x1bd: {  	p0 =	sne.s32 s0, $0x1A  }
.Ltmp14:
0x1be: {  	_ = 	snop;
	(pc) =	sbr.rel @p0 .LBB2_28-.Ltmp14, $3  }
0x1bf: {  	_ = 	snop  }
0x1c0: {  	v3 =	vadd.f32 v3, v4;
	_ =	sdelay $0x1  }
0x1c1: {  	s2 =	sadd.s32 $0x20, s2;
	[tilespmem:v2+s1+$0x10 ss:$0x1] =	vst.idx.msk $0xffff, v3  }
0x1c2: {  	s0 =	simm.s32 $0x0;
	s1 =	rddreg [dreg:$0xc]  }
0x1c3: {  	[hbm4b:s1+s0] =	stream.linear.scatter [tilespmem:s11], [sflag:$0x3], $0x6800, $0x38;
	[tilespmem:$0x10810] =	vst v63  }
0x1c4: {  	_ =	swait.ge [sflag:s12], $0x6800  }
0x1c5: {  	[sflag:s12] =	ssyncset.done $0x0  }
0x1c6: {  	s31 =	simm.s32 $0x1A00;
	[sflag:s12] =	ssyncadd.s32 $0xFFFF9800  }
0x1c7: {  	[tilespmem:s11], [sflag:$0x1] =	stream.indirect.gather [hbm4b:s3+s8], $0x20, s31, s8, $0xb8;
	[tilespmem:$0x10810] =	vst v63  }
0x1c8: {  	_ =	swait.ge [sflag:s13], $0x6800  }
0x1c9: {  	[sflag:s13] =	ssyncset.done $0x0  }
0x1ca: {  	s2 =	simm.s32 $0xA010;
	[sflag:s13] =	ssyncadd.s32 $0xFFFF9800  }
.LBB2_32:
0x1cb: {  	v2 =	vmov s2;
	_ =	sdelay $0x1  }
0x1cc: {  	s1 =	sshll.u32 s0, $0x5  }
0x1cd: {  	s1 =	sand.u32 $0x3FFFFFE0, s1  }
0x1ce: {  	s4 =	simm.s32 $0x0;
	v3 =	vld [tilespmem:s1+$0x34D0]  }
0x1cf: {  	v4 =	vld.idx.msk [tilespmem:v2+s4+$0x0 ss:$0x1], $0xffff;
	_ =	sdelay $0x4  }
0x1d0: {  	v5 =	vadd.f32 v4, v3;
	_ =	sdelay $0x1  }
0x1d1: {  	v4 =	vld [tilespmem:s1+$0x34E0];
	[tilespmem:v2+s4+$0x0 ss:$0x1] =	vst.idx.msk $0xffff, v5  }
0x1d2: {  	v5 =	vld.idx.msk [tilespmem:v2+s4+$0x10 ss:$0x1], $0xffff;
	_ =	sdelay $0x4  }
0x1d3: {  	s5 =	simm.s32 $0xD00;
	s6 =	simm.s32 $0x1A00;
	v5 =	vadd.f32 v5, v4  }
.LBB2_33:
0x1d4: {  	p0 =	sne.s32 s6, $0x19300  }
0x1d5: {  	[tilespmem:v2+s4+$0x10 ss:$0x1] =	vst.idx.msk $0xffff, v5;
	s4 =	sshra.s32 s5, $0x2;
	s5 =	smov.u32 s6;
	s6 =	sadd.s32 $0xD00, s6  }
0x1d6: {  	v5 =	vld.idx.msk [tilespmem:v2+s4+$0x0 ss:$0x1], $0xffff;
	_ =	sdelay $0x5  }
0x1d7: {  	v5 =	vadd.f32 v5, v3;
	_ =	sdelay $0x1  }
0x1d8: {  	[tilespmem:v2+s4+$0x0 ss:$0x1] =	vst.idx.msk $0xffff, v5  }
0x1d9: {  	v5 =	vld.idx.msk [tilespmem:v2+s4+$0x10 ss:$0x1], $0xffff;
	_ =	sdelay $0x1  }
.Ltmp15:
0x1da: {  	(pc) =	sbr.rel @p0 .LBB2_33-.Ltmp15, $2  }
0x1db: {  	_ =	sdelay $0x2  }
0x1dc: {  	v5 =	vadd.f32 v5, v4  }
0x1dd: {  	_ =	sdelay $0x3  }
0x1de: {  	s1 =	sshra.s32 s5, $0x2;
	[tilespmem:v2+s4+$0x10 ss:$0x1] =	vst.idx.msk $0xffff, v5  }
0x1df: {  	v5 =	vld.idx.msk [tilespmem:v2+s1+$0x0 ss:$0x1], $0xffff;
	_ =	sdelay $0x4  }
0x1e0: {  	v3 =	vadd.f32 v5, v3;
	_ =	sdelay $0x1  }
0x1e1: {  	[tilespmem:v2+s1+$0x0 ss:$0x1] =	vst.idx.msk $0xffff, v3  }
0x1e2: {  	v3 =	vld.idx.msk [tilespmem:v2+s1+$0x10 ss:$0x1], $0xffff  }
0x1e3: {  	s0 =	sadd.s32 $0x1, s0  }
0x1e4: {  	p0 =	sne.s32 s0, $0x1A  }
.Ltmp16:
0x1e5: {  	_ = 	snop;
	(pc) =	sbr.rel @p0 .LBB2_32-.Ltmp16, $3  }
0x1e6: {  	_ = 	snop  }
0x1e7: {  	v3 =	vadd.f32 v3, v4;
	_ =	sdelay $0x1  }
0x1e8: {  	s2 =	sadd.s32 $0x20, s2;
	[tilespmem:v2+s1+$0x10 ss:$0x1] =	vst.idx.msk $0xffff, v3  }
0x1e9: {  	s0 =	simm.s32 $0x0;
	s1 =	rddreg [dreg:$0xd]  }
0x1ea: {  	[hbm4b:s1+s0] =	stream.linear.scatter [tilespmem:s9], [sflag:$0x4], $0x6800, $0x38;
	[tilespmem:$0x10810] =	vst v63  }
0x1eb: {  	_ =	swait.ge [sflag:s26], $0x6800  }
0x1ec: {  	[sflag:s26] =	ssyncset.done $0x0  }
0x1ed: {  	s31 =	simm.s32 $0x1D40;
	[sflag:s26] =	ssyncadd.s32 $0xFFFF9800  }
0x1ee: {  	[tilespmem:s9], [sflag:$0x2] =	stream.indirect.gather [hbm4b:s3+s8], $0x20, s31, s8, $0xb8;
	[tilespmem:$0x10810] =	vst v63  }
0x1ef: {  	_ =	swait.ge [sflag:s10], $0x6800  }
0x1f0: {  	[sflag:s10] =	ssyncset.done $0x0  }
0x1f1: {  	s2 =	simm.s32 $0x3810;
	[sflag:s10] =	ssyncadd.s32 $0xFFFF9800  }
.LBB2_36:
0x1f2: {  	v2 =	vmov s2;
	_ =	sdelay $0x1  }
0x1f3: {  	s1 =	sshll.u32 s0, $0x5  }
0x1f4: {  	s1 =	sand.u32 $0x3FFFFFE0, s1  }
0x1f5: {  	s4 =	simm.s32 $0x0;
	v3 =	vld [tilespmem:s1+$0x34D0]  }
0x1f6: {  	v4 =	vld.idx.msk [tilespmem:v2+s4+$0x0 ss:$0x1], $0xffff;
	_ =	sdelay $0x4  }
0x1f7: {  	v5 =	vadd.f32 v4, v3;
	_ =	sdelay $0x1  }
0x1f8: {  	v4 =	vld [tilespmem:s1+$0x34E0];
	[tilespmem:v2+s4+$0x0 ss:$0x1] =	vst.idx.msk $0xffff, v5  }
0x1f9: {  	v5 =	vld.idx.msk [tilespmem:v2+s4+$0x10 ss:$0x1], $0xffff;
	_ =	sdelay $0x4  }
0x1fa: {  	s5 =	simm.s32 $0xD00;
	s6 =	simm.s32 $0x1A00;
	v5 =	vadd.f32 v5, v4  }
.LBB2_37:
0x1fb: {  	p0 =	sne.s32 s6, $0x19300  }
0x1fc: {  	[tilespmem:v2+s4+$0x10 ss:$0x1] =	vst.idx.msk $0xffff, v5;
	s4 =	sshra.s32 s5, $0x2;
	s5 =	smov.u32 s6;
	s6 =	sadd.s32 $0xD00, s6  }
0x1fd: {  	v5 =	vld.idx.msk [tilespmem:v2+s4+$0x0 ss:$0x1], $0xffff;
	_ =	sdelay $0x5  }
0x1fe: {  	v5 =	vadd.f32 v5, v3;
	_ =	sdelay $0x1  }
0x1ff: {  	[tilespmem:v2+s4+$0x0 ss:$0x1] =	vst.idx.msk $0xffff, v5  }
0x200: {  	v5 =	vld.idx.msk [tilespmem:v2+s4+$0x10 ss:$0x1], $0xffff;
	_ =	sdelay $0x1  }
.Ltmp17:
0x201: {  	(pc) =	sbr.rel @p0 .LBB2_37-.Ltmp17, $2  }
0x202: {  	_ =	sdelay $0x2  }
0x203: {  	v5 =	vadd.f32 v5, v4  }
0x204: {  	_ =	sdelay $0x3  }
0x205: {  	s1 =	sshra.s32 s5, $0x2;
	[tilespmem:v2+s4+$0x10 ss:$0x1] =	vst.idx.msk $0xffff, v5  }
0x206: {  	v5 =	vld.idx.msk [tilespmem:v2+s1+$0x0 ss:$0x1], $0xffff;
	_ =	sdelay $0x4  }
0x207: {  	v3 =	vadd.f32 v5, v3;
	_ =	sdelay $0x1  }
0x208: {  	[tilespmem:v2+s1+$0x0 ss:$0x1] =	vst.idx.msk $0xffff, v3  }
0x209: {  	v3 =	vld.idx.msk [tilespmem:v2+s1+$0x10 ss:$0x1], $0xffff  }
0x20a: {  	s0 =	sadd.s32 $0x1, s0  }
0x20b: {  	p0 =	sne.s32 s0, $0x1A  }
.Ltmp18:
0x20c: {  	_ = 	snop;
	(pc) =	sbr.rel @p0 .LBB2_36-.Ltmp18, $3  }
0x20d: {  	_ = 	snop  }
0x20e: {  	v3 =	vadd.f32 v3, v4;
	_ =	sdelay $0x1  }
0x20f: {  	s2 =	sadd.s32 $0x20, s2;
	[tilespmem:v2+s1+$0x10 ss:$0x1] =	vst.idx.msk $0xffff, v3  }
0x210: {  	s0 =	simm.s32 $0x0;
	s1 =	rddreg [dreg:$0xe]  }
0x211: {  	[hbm4b:s1+s0] =	stream.linear.scatter [tilespmem:s11], [sflag:$0x3], $0x6800, $0x38;
	[tilespmem:$0x10810] =	vst v63  }
0x212: {  	_ =	swait.ge [sflag:s12], $0x6800  }
0x213: {  	[sflag:s12] =	ssyncset.done $0x0  }
0x214: {  	s31 =	simm.s32 $0x2080;
	[sflag:s12] =	ssyncadd.s32 $0xFFFF9800  }
0x215: {  	[tilespmem:s11], [sflag:$0x1] =	stream.indirect.gather [hbm4b:s3+s8], $0x20, s31, s8, $0xb8;
	[tilespmem:$0x10810] =	vst v63  }
0x216: {  	_ =	swait.ge [sflag:s13], $0x6800  }
0x217: {  	[sflag:s13] =	ssyncset.done $0x0  }
0x218: {  	s2 =	simm.s32 $0xA010;
	[sflag:s13] =	ssyncadd.s32 $0xFFFF9800  }
.LBB2_40:
0x219: {  	v2 =	vmov s2;
	_ =	sdelay $0x1  }
0x21a: {  	s1 =	sshll.u32 s0, $0x5  }
0x21b: {  	s1 =	sand.u32 $0x3FFFFFE0, s1  }
0x21c: {  	s4 =	simm.s32 $0x0;
	v3 =	vld [tilespmem:s1+$0x34D0]  }
0x21d: {  	v4 =	vld.idx.msk [tilespmem:v2+s4+$0x0 ss:$0x1], $0xffff;
	_ =	sdelay $0x4  }
0x21e: {  	v5 =	vadd.f32 v4, v3;
	_ =	sdelay $0x1  }
0x21f: {  	v4 =	vld [tilespmem:s1+$0x34E0];
	[tilespmem:v2+s4+$0x0 ss:$0x1] =	vst.idx.msk $0xffff, v5  }
0x220: {  	v5 =	vld.idx.msk [tilespmem:v2+s4+$0x10 ss:$0x1], $0xffff;
	_ =	sdelay $0x4  }
0x221: {  	s5 =	simm.s32 $0xD00;
	s6 =	simm.s32 $0x1A00;
	v5 =	vadd.f32 v5, v4  }
.LBB2_41:
0x222: {  	p0 =	sne.s32 s6, $0x19300  }
0x223: {  	[tilespmem:v2+s4+$0x10 ss:$0x1] =	vst.idx.msk $0xffff, v5;
	s4 =	sshra.s32 s5, $0x2;
	s5 =	smov.u32 s6;
	s6 =	sadd.s32 $0xD00, s6  }
0x224: {  	v5 =	vld.idx.msk [tilespmem:v2+s4+$0x0 ss:$0x1], $0xffff;
	_ =	sdelay $0x5  }
0x225: {  	v5 =	vadd.f32 v5, v3;
	_ =	sdelay $0x1  }
0x226: {  	[tilespmem:v2+s4+$0x0 ss:$0x1] =	vst.idx.msk $0xffff, v5  }
0x227: {  	v5 =	vld.idx.msk [tilespmem:v2+s4+$0x10 ss:$0x1], $0xffff;
	_ =	sdelay $0x1  }
.Ltmp19:
0x228: {  	(pc) =	sbr.rel @p0 .LBB2_41-.Ltmp19, $2  }
0x229: {  	_ =	sdelay $0x2  }
0x22a: {  	v5 =	vadd.f32 v5, v4  }
0x22b: {  	_ =	sdelay $0x3  }
0x22c: {  	s1 =	sshra.s32 s5, $0x2;
	[tilespmem:v2+s4+$0x10 ss:$0x1] =	vst.idx.msk $0xffff, v5  }
0x22d: {  	v5 =	vld.idx.msk [tilespmem:v2+s1+$0x0 ss:$0x1], $0xffff;
	_ =	sdelay $0x4  }
0x22e: {  	v3 =	vadd.f32 v5, v3;
	_ =	sdelay $0x1  }
0x22f: {  	[tilespmem:v2+s1+$0x0 ss:$0x1] =	vst.idx.msk $0xffff, v3  }
0x230: {  	v3 =	vld.idx.msk [tilespmem:v2+s1+$0x10 ss:$0x1], $0xffff  }
0x231: {  	s0 =	sadd.s32 $0x1, s0  }
0x232: {  	p0 =	sne.s32 s0, $0x1A  }
.Ltmp20:
0x233: {  	_ = 	snop;
	(pc) =	sbr.rel @p0 .LBB2_40-.Ltmp20, $3  }
0x234: {  	_ = 	snop  }
0x235: {  	v3 =	vadd.f32 v3, v4;
	_ =	sdelay $0x1  }
0x236: {  	s2 =	sadd.s32 $0x20, s2;
	[tilespmem:v2+s1+$0x10 ss:$0x1] =	vst.idx.msk $0xffff, v3  }
0x237: {  	s0 =	simm.s32 $0x0;
	s1 =	rddreg [dreg:$0xf]  }
0x238: {  	[hbm4b:s1+s0] =	stream.linear.scatter [tilespmem:s9], [sflag:$0x4], $0x6800, $0x38;
	[tilespmem:$0x10810] =	vst v63  }
0x239: {  	_ =	swait.ge [sflag:s26], $0x6800  }
0x23a: {  	[sflag:s26] =	ssyncset.done $0x0  }
0x23b: {  	s31 =	simm.s32 $0x23C0;
	[sflag:s26] =	ssyncadd.s32 $0xFFFF9800  }
0x23c: {  	[tilespmem:s9], [sflag:$0x2] =	stream.indirect.gather [hbm4b:s3+s8], $0x20, s31, s8, $0xb8;
	[tilespmem:$0x10810] =	vst v63  }
0x23d: {  	_ =	swait.ge [sflag:s10], $0x6800  }
0x23e: {  	[sflag:s10] =	ssyncset.done $0x0  }
0x23f: {  	s2 =	simm.s32 $0x3810;
	[sflag:s10] =	ssyncadd.s32 $0xFFFF9800  }
.LBB2_44:
0x240: {  	v2 =	vmov s2;
	_ =	sdelay $0x1  }
0x241: {  	s1 =	sshll.u32 s0, $0x5  }
0x242: {  	s1 =	sand.u32 $0x3FFFFFE0, s1  }
0x243: {  	s4 =	simm.s32 $0x0;
	v3 =	vld [tilespmem:s1+$0x34D0]  }
0x244: {  	v4 =	vld.idx.msk [tilespmem:v2+s4+$0x0 ss:$0x1], $0xffff;
	_ =	sdelay $0x4  }
0x245: {  	v5 =	vadd.f32 v4, v3;
	_ =	sdelay $0x1  }
0x246: {  	v4 =	vld [tilespmem:s1+$0x34E0];
	[tilespmem:v2+s4+$0x0 ss:$0x1] =	vst.idx.msk $0xffff, v5  }
0x247: {  	v5 =	vld.idx.msk [tilespmem:v2+s4+$0x10 ss:$0x1], $0xffff;
	_ =	sdelay $0x4  }
0x248: {  	s5 =	simm.s32 $0xD00;
	s6 =	simm.s32 $0x1A00;
	v5 =	vadd.f32 v5, v4  }
.LBB2_45:
0x249: {  	p0 =	sne.s32 s6, $0x19300  }
0x24a: {  	[tilespmem:v2+s4+$0x10 ss:$0x1] =	vst.idx.msk $0xffff, v5;
	s4 =	sshra.s32 s5, $0x2;
	s5 =	smov.u32 s6;
	s6 =	sadd.s32 $0xD00, s6  }
0x24b: {  	v5 =	vld.idx.msk [tilespmem:v2+s4+$0x0 ss:$0x1], $0xffff;
	_ =	sdelay $0x5  }
0x24c: {  	v5 =	vadd.f32 v5, v3;
	_ =	sdelay $0x1  }
0x24d: {  	[tilespmem:v2+s4+$0x0 ss:$0x1] =	vst.idx.msk $0xffff, v5  }
0x24e: {  	v5 =	vld.idx.msk [tilespmem:v2+s4+$0x10 ss:$0x1], $0xffff;
	_ =	sdelay $0x1  }
.Ltmp21:
0x24f: {  	(pc) =	sbr.rel @p0 .LBB2_45-.Ltmp21, $2  }
0x250: {  	_ =	sdelay $0x2  }
0x251: {  	v5 =	vadd.f32 v5, v4  }
0x252: {  	_ =	sdelay $0x3  }
0x253: {  	s1 =	sshra.s32 s5, $0x2;
	[tilespmem:v2+s4+$0x10 ss:$0x1] =	vst.idx.msk $0xffff, v5  }
0x254: {  	v5 =	vld.idx.msk [tilespmem:v2+s1+$0x0 ss:$0x1], $0xffff;
	_ =	sdelay $0x4  }
0x255: {  	v3 =	vadd.f32 v5, v3;
	_ =	sdelay $0x1  }
0x256: {  	[tilespmem:v2+s1+$0x0 ss:$0x1] =	vst.idx.msk $0xffff, v3  }
0x257: {  	v3 =	vld.idx.msk [tilespmem:v2+s1+$0x10 ss:$0x1], $0xffff  }
0x258: {  	s0 =	sadd.s32 $0x1, s0  }
0x259: {  	p0 =	sne.s32 s0, $0x1A  }
.Ltmp22:
0x25a: {  	_ = 	snop;
	(pc) =	sbr.rel @p0 .LBB2_44-.Ltmp22, $3  }
0x25b: {  	_ = 	snop  }
0x25c: {  	v3 =	vadd.f32 v3, v4;
	_ =	sdelay $0x1  }
0x25d: {  	s2 =	sadd.s32 $0x20, s2;
	[tilespmem:v2+s1+$0x10 ss:$0x1] =	vst.idx.msk $0xffff, v3  }
0x25e: {  	s0 =	simm.s32 $0x0;
	s1 =	rddreg [dreg:$0x10]  }
0x25f: {  	[hbm4b:s1+s0] =	stream.linear.scatter [tilespmem:s11], [sflag:$0x3], $0x6800, $0x38;
	[tilespmem:$0x10810] =	vst v63  }
0x260: {  	_ =	swait.ge [sflag:s12], $0x6800  }
0x261: {  	[sflag:s12] =	ssyncset.done $0x0  }
0x262: {  	s31 =	simm.s32 $0x2700;
	[sflag:s12] =	ssyncadd.s32 $0xFFFF9800  }
0x263: {  	[tilespmem:s11], [sflag:$0x1] =	stream.indirect.gather [hbm4b:s3+s8], $0x20, s31, s8, $0xb8;
	[tilespmem:$0x10810] =	vst v63  }
0x264: {  	_ =	swait.ge [sflag:s13], $0x6800  }
0x265: {  	[sflag:s13] =	ssyncset.done $0x0  }
0x266: {  	s2 =	simm.s32 $0xA010;
	[sflag:s13] =	ssyncadd.s32 $0xFFFF9800  }
.LBB2_48:
0x267: {  	v2 =	vmov s2;
	_ =	sdelay $0x1  }
0x268: {  	s1 =	sshll.u32 s0, $0x5  }
0x269: {  	s1 =	sand.u32 $0x3FFFFFE0, s1  }
0x26a: {  	s4 =	simm.s32 $0x0;
	v3 =	vld [tilespmem:s1+$0x34D0]  }
0x26b: {  	v4 =	vld.idx.msk [tilespmem:v2+s4+$0x0 ss:$0x1], $0xffff;
	_ =	sdelay $0x4  }
0x26c: {  	v5 =	vadd.f32 v4, v3;
	_ =	sdelay $0x1  }
0x26d: {  	v4 =	vld [tilespmem:s1+$0x34E0];
	[tilespmem:v2+s4+$0x0 ss:$0x1] =	vst.idx.msk $0xffff, v5  }
0x26e: {  	v5 =	vld.idx.msk [tilespmem:v2+s4+$0x10 ss:$0x1], $0xffff;
	_ =	sdelay $0x4  }
0x26f: {  	s5 =	simm.s32 $0xD00;
	s6 =	simm.s32 $0x1A00;
	v5 =	vadd.f32 v5, v4  }
.LBB2_49:
0x270: {  	p0 =	sne.s32 s6, $0x19300  }
0x271: {  	[tilespmem:v2+s4+$0x10 ss:$0x1] =	vst.idx.msk $0xffff, v5;
	s4 =	sshra.s32 s5, $0x2;
	s5 =	smov.u32 s6;
	s6 =	sadd.s32 $0xD00, s6  }
0x272: {  	v5 =	vld.idx.msk [tilespmem:v2+s4+$0x0 ss:$0x1], $0xffff;
	_ =	sdelay $0x5  }
0x273: {  	v5 =	vadd.f32 v5, v3;
	_ =	sdelay $0x1  }
0x274: {  	[tilespmem:v2+s4+$0x0 ss:$0x1] =	vst.idx.msk $0xffff, v5  }
0x275: {  	v5 =	vld.idx.msk [tilespmem:v2+s4+$0x10 ss:$0x1], $0xffff;
	_ =	sdelay $0x1  }
.Ltmp23:
0x276: {  	(pc) =	sbr.rel @p0 .LBB2_49-.Ltmp23, $2  }
0x277: {  	_ =	sdelay $0x2  }
0x278: {  	v5 =	vadd.f32 v5, v4  }
0x279: {  	_ =	sdelay $0x3  }
0x27a: {  	s1 =	sshra.s32 s5, $0x2;
	[tilespmem:v2+s4+$0x10 ss:$0x1] =	vst.idx.msk $0xffff, v5  }
0x27b: {  	v5 =	vld.idx.msk [tilespmem:v2+s1+$0x0 ss:$0x1], $0xffff;
	_ =	sdelay $0x4  }
0x27c: {  	v3 =	vadd.f32 v5, v3;
	_ =	sdelay $0x1  }
0x27d: {  	[tilespmem:v2+s1+$0x0 ss:$0x1] =	vst.idx.msk $0xffff, v3  }
0x27e: {  	v3 =	vld.idx.msk [tilespmem:v2+s1+$0x10 ss:$0x1], $0xffff  }
0x27f: {  	s0 =	sadd.s32 $0x1, s0  }
0x280: {  	p0 =	sne.s32 s0, $0x1A  }
.Ltmp24:
0x281: {  	_ = 	snop;
	(pc) =	sbr.rel @p0 .LBB2_48-.Ltmp24, $3  }
0x282: {  	_ = 	snop  }
0x283: {  	v3 =	vadd.f32 v3, v4;
	_ =	sdelay $0x1  }
0x284: {  	s2 =	sadd.s32 $0x20, s2;
	[tilespmem:v2+s1+$0x10 ss:$0x1] =	vst.idx.msk $0xffff, v3  }
0x285: {  	s0 =	simm.s32 $0x0;
	s1 =	rddreg [dreg:$0x11]  }
0x286: {  	[hbm4b:s1+s0] =	stream.linear.scatter [tilespmem:s9], [sflag:$0x4], $0x6800, $0x38;
	[tilespmem:$0x10810] =	vst v63  }
0x287: {  	_ =	swait.ge [sflag:s26], $0x6800  }
0x288: {  	[sflag:s26] =	ssyncset.done $0x0  }
0x289: {  	s31 =	simm.s32 $0x2A40;
	[sflag:s26] =	ssyncadd.s32 $0xFFFF9800  }
0x28a: {  	[tilespmem:s9], [sflag:$0x2] =	stream.indirect.gather [hbm4b:s3+s8], $0x20, s31, s8, $0xb8;
	[tilespmem:$0x10810] =	vst v63  }
0x28b: {  	_ =	swait.ge [sflag:s10], $0x6800  }
0x28c: {  	[sflag:s10] =	ssyncset.done $0x0  }
0x28d: {  	s2 =	simm.s32 $0x3810;
	[sflag:s10] =	ssyncadd.s32 $0xFFFF9800  }
.LBB2_52:
0x28e: {  	v2 =	vmov s2;
	_ =	sdelay $0x1  }
0x28f: {  	s1 =	sshll.u32 s0, $0x5  }
0x290: {  	s1 =	sand.u32 $0x3FFFFFE0, s1  }
0x291: {  	s4 =	simm.s32 $0x0;
	v3 =	vld [tilespmem:s1+$0x34D0]  }
0x292: {  	v4 =	vld.idx.msk [tilespmem:v2+s4+$0x0 ss:$0x1], $0xffff;
	_ =	sdelay $0x4  }
0x293: {  	v5 =	vadd.f32 v4, v3;
	_ =	sdelay $0x1  }
0x294: {  	v4 =	vld [tilespmem:s1+$0x34E0];
	[tilespmem:v2+s4+$0x0 ss:$0x1] =	vst.idx.msk $0xffff, v5  }
0x295: {  	v5 =	vld.idx.msk [tilespmem:v2+s4+$0x10 ss:$0x1], $0xffff;
	_ =	sdelay $0x4  }
0x296: {  	s5 =	simm.s32 $0xD00;
	s6 =	simm.s32 $0x1A00;
	v5 =	vadd.f32 v5, v4  }
.LBB2_53:
0x297: {  	p0 =	sne.s32 s6, $0x19300  }
0x298: {  	[tilespmem:v2+s4+$0x10 ss:$0x1] =	vst.idx.msk $0xffff, v5;
	s4 =	sshra.s32 s5, $0x2;
	s5 =	smov.u32 s6;
	s6 =	sadd.s32 $0xD00, s6  }
0x299: {  	v5 =	vld.idx.msk [tilespmem:v2+s4+$0x0 ss:$0x1], $0xffff;
	_ =	sdelay $0x5  }
0x29a: {  	v5 =	vadd.f32 v5, v3;
	_ =	sdelay $0x1  }
0x29b: {  	[tilespmem:v2+s4+$0x0 ss:$0x1] =	vst.idx.msk $0xffff, v5  }
0x29c: {  	v5 =	vld.idx.msk [tilespmem:v2+s4+$0x10 ss:$0x1], $0xffff;
	_ =	sdelay $0x1  }
.Ltmp25:
0x29d: {  	(pc) =	sbr.rel @p0 .LBB2_53-.Ltmp25, $2  }
0x29e: {  	_ =	sdelay $0x2  }
0x29f: {  	v5 =	vadd.f32 v5, v4  }
0x2a0: {  	_ =	sdelay $0x3  }
0x2a1: {  	s1 =	sshra.s32 s5, $0x2;
	[tilespmem:v2+s4+$0x10 ss:$0x1] =	vst.idx.msk $0xffff, v5  }
0x2a2: {  	v5 =	vld.idx.msk [tilespmem:v2+s1+$0x0 ss:$0x1], $0xffff;
	_ =	sdelay $0x4  }
0x2a3: {  	v3 =	vadd.f32 v5, v3;
	_ =	sdelay $0x1  }
0x2a4: {  	[tilespmem:v2+s1+$0x0 ss:$0x1] =	vst.idx.msk $0xffff, v3  }
0x2a5: {  	v3 =	vld.idx.msk [tilespmem:v2+s1+$0x10 ss:$0x1], $0xffff  }
0x2a6: {  	s0 =	sadd.s32 $0x1, s0  }
0x2a7: {  	p0 =	sne.s32 s0, $0x1A  }
.Ltmp26:
0x2a8: {  	_ = 	snop;
	(pc) =	sbr.rel @p0 .LBB2_52-.Ltmp26, $3  }
0x2a9: {  	_ = 	snop  }
0x2aa: {  	v3 =	vadd.f32 v3, v4;
	_ =	sdelay $0x1  }
0x2ab: {  	s2 =	sadd.s32 $0x20, s2;
	[tilespmem:v2+s1+$0x10 ss:$0x1] =	vst.idx.msk $0xffff, v3  }
0x2ac: {  	s0 =	simm.s32 $0x0;
	s1 =	rddreg [dreg:$0x12]  }
0x2ad: {  	[hbm4b:s1+s0] =	stream.linear.scatter [tilespmem:s11], [sflag:$0x3], $0x6800, $0x38;
	[tilespmem:$0x10810] =	vst v63  }
0x2ae: {  	_ =	swait.ge [sflag:s12], $0x6800  }
0x2af: {  	[sflag:s12] =	ssyncset.done $0x0  }
0x2b0: {  	s31 =	simm.s32 $0x2D80;
	[sflag:s12] =	ssyncadd.s32 $0xFFFF9800  }
0x2b1: {  	[tilespmem:s11], [sflag:$0x1] =	stream.indirect.gather [hbm4b:s3+s8], $0x20, s31, s8, $0xb8;
	[tilespmem:$0x10810] =	vst v63  }
0x2b2: {  	_ =	swait.ge [sflag:s13], $0x6800  }
0x2b3: {  	[sflag:s13] =	ssyncset.done $0x0  }
0x2b4: {  	s2 =	simm.s32 $0xA010;
	[sflag:s13] =	ssyncadd.s32 $0xFFFF9800  }
.LBB2_56:
0x2b5: {  	v2 =	vmov s2;
	_ =	sdelay $0x1  }
0x2b6: {  	s1 =	sshll.u32 s0, $0x5  }
0x2b7: {  	s1 =	sand.u32 $0x3FFFFFE0, s1  }
0x2b8: {  	s4 =	simm.s32 $0x0;
	v3 =	vld [tilespmem:s1+$0x34D0]  }
0x2b9: {  	v4 =	vld.idx.msk [tilespmem:v2+s4+$0x0 ss:$0x1], $0xffff;
	_ =	sdelay $0x4  }
0x2ba: {  	v5 =	vadd.f32 v4, v3;
	_ =	sdelay $0x1  }
0x2bb: {  	v4 =	vld [tilespmem:s1+$0x34E0];
	[tilespmem:v2+s4+$0x0 ss:$0x1] =	vst.idx.msk $0xffff, v5  }
0x2bc: {  	v5 =	vld.idx.msk [tilespmem:v2+s4+$0x10 ss:$0x1], $0xffff;
	_ =	sdelay $0x4  }
0x2bd: {  	s5 =	simm.s32 $0xD00;
	s6 =	simm.s32 $0x1A00;
	v5 =	vadd.f32 v5, v4  }
.LBB2_57:
0x2be: {  	p0 =	sne.s32 s6, $0x19300  }
0x2bf: {  	[tilespmem:v2+s4+$0x10 ss:$0x1] =	vst.idx.msk $0xffff, v5;
	s4 =	sshra.s32 s5, $0x2;
	s5 =	smov.u32 s6;
	s6 =	sadd.s32 $0xD00, s6  }
0x2c0: {  	v5 =	vld.idx.msk [tilespmem:v2+s4+$0x0 ss:$0x1], $0xffff;
	_ =	sdelay $0x5  }
0x2c1: {  	v5 =	vadd.f32 v5, v3;
	_ =	sdelay $0x1  }
0x2c2: {  	[tilespmem:v2+s4+$0x0 ss:$0x1] =	vst.idx.msk $0xffff, v5  }
0x2c3: {  	v5 =	vld.idx.msk [tilespmem:v2+s4+$0x10 ss:$0x1], $0xffff;
	_ =	sdelay $0x1  }
.Ltmp27:
0x2c4: {  	(pc) =	sbr.rel @p0 .LBB2_57-.Ltmp27, $2  }
0x2c5: {  	_ =	sdelay $0x2  }
0x2c6: {  	v5 =	vadd.f32 v5, v4  }
0x2c7: {  	_ =	sdelay $0x3  }
0x2c8: {  	s1 =	sshra.s32 s5, $0x2;
	[tilespmem:v2+s4+$0x10 ss:$0x1] =	vst.idx.msk $0xffff, v5  }
0x2c9: {  	v5 =	vld.idx.msk [tilespmem:v2+s1+$0x0 ss:$0x1], $0xffff;
	_ =	sdelay $0x4  }
0x2ca: {  	v3 =	vadd.f32 v5, v3;
	_ =	sdelay $0x1  }
0x2cb: {  	[tilespmem:v2+s1+$0x0 ss:$0x1] =	vst.idx.msk $0xffff, v3  }
0x2cc: {  	v3 =	vld.idx.msk [tilespmem:v2+s1+$0x10 ss:$0x1], $0xffff  }
0x2cd: {  	s0 =	sadd.s32 $0x1, s0  }
0x2ce: {  	p0 =	sne.s32 s0, $0x1A  }
.Ltmp28:
0x2cf: {  	_ = 	snop;
	(pc) =	sbr.rel @p0 .LBB2_56-.Ltmp28, $3  }
0x2d0: {  	_ = 	snop  }
0x2d1: {  	v3 =	vadd.f32 v3, v4;
	_ =	sdelay $0x1  }
0x2d2: {  	s2 =	sadd.s32 $0x20, s2;
	[tilespmem:v2+s1+$0x10 ss:$0x1] =	vst.idx.msk $0xffff, v3  }
0x2d3: {  	s0 =	simm.s32 $0x0;
	s1 =	rddreg [dreg:$0x13]  }
0x2d4: {  	[hbm4b:s1+s0] =	stream.linear.scatter [tilespmem:s9], [sflag:$0x4], $0x6800, $0x38;
	[tilespmem:$0x10810] =	vst v63  }
0x2d5: {  	_ =	swait.ge [sflag:s26], $0x6800  }
0x2d6: {  	[sflag:s26] =	ssyncset.done $0x0  }
0x2d7: {  	s31 =	simm.s32 $0x30C0;
	[sflag:s26] =	ssyncadd.s32 $0xFFFF9800  }
0x2d8: {  	[tilespmem:s9], [sflag:$0x2] =	stream.indirect.gather [hbm4b:s3+s8], $0x20, s31, s8, $0xb8;
	[tilespmem:$0x10810] =	vst v63  }
0x2d9: {  	_ =	swait.ge [sflag:s10], $0x6800  }
0x2da: {  	[sflag:s10] =	ssyncset.done $0x0  }
0x2db: {  	s2 =	simm.s32 $0x3810;
	[sflag:s10] =	ssyncadd.s32 $0xFFFF9800  }
.LBB2_60:
0x2dc: {  	v2 =	vmov s2;
	_ =	sdelay $0x1  }
0x2dd: {  	s1 =	sshll.u32 s0, $0x5  }
0x2de: {  	s1 =	sand.u32 $0x3FFFFFE0, s1  }
0x2df: {  	s4 =	simm.s32 $0x0;
	v3 =	vld [tilespmem:s1+$0x34D0]  }
0x2e0: {  	v4 =	vld.idx.msk [tilespmem:v2+s4+$0x0 ss:$0x1], $0xffff;
	_ =	sdelay $0x4  }
0x2e1: {  	v5 =	vadd.f32 v4, v3;
	_ =	sdelay $0x1  }
0x2e2: {  	v4 =	vld [tilespmem:s1+$0x34E0];
	[tilespmem:v2+s4+$0x0 ss:$0x1] =	vst.idx.msk $0xffff, v5  }
0x2e3: {  	v5 =	vld.idx.msk [tilespmem:v2+s4+$0x10 ss:$0x1], $0xffff;
	_ =	sdelay $0x4  }
0x2e4: {  	s5 =	simm.s32 $0xD00;
	s6 =	simm.s32 $0x1A00;
	v5 =	vadd.f32 v5, v4  }
.LBB2_61:
0x2e5: {  	p0 =	sne.s32 s6, $0x19300  }
0x2e6: {  	[tilespmem:v2+s4+$0x10 ss:$0x1] =	vst.idx.msk $0xffff, v5;
	s4 =	sshra.s32 s5, $0x2;
	s5 =	smov.u32 s6;
	s6 =	sadd.s32 $0xD00, s6  }
0x2e7: {  	v5 =	vld.idx.msk [tilespmem:v2+s4+$0x0 ss:$0x1], $0xffff;
	_ =	sdelay $0x5  }
0x2e8: {  	v5 =	vadd.f32 v5, v3;
	_ =	sdelay $0x1  }
0x2e9: {  	[tilespmem:v2+s4+$0x0 ss:$0x1] =	vst.idx.msk $0xffff, v5  }
0x2ea: {  	v5 =	vld.idx.msk [tilespmem:v2+s4+$0x10 ss:$0x1], $0xffff;
	_ =	sdelay $0x1  }
.Ltmp29:
0x2eb: {  	(pc) =	sbr.rel @p0 .LBB2_61-.Ltmp29, $2  }
0x2ec: {  	_ =	sdelay $0x2  }
0x2ed: {  	v5 =	vadd.f32 v5, v4  }
0x2ee: {  	_ =	sdelay $0x3  }
0x2ef: {  	s1 =	sshra.s32 s5, $0x2;
	[tilespmem:v2+s4+$0x10 ss:$0x1] =	vst.idx.msk $0xffff, v5  }
0x2f0: {  	v5 =	vld.idx.msk [tilespmem:v2+s1+$0x0 ss:$0x1], $0xffff;
	_ =	sdelay $0x4  }
0x2f1: {  	v3 =	vadd.f32 v5, v3;
	_ =	sdelay $0x1  }
0x2f2: {  	[tilespmem:v2+s1+$0x0 ss:$0x1] =	vst.idx.msk $0xffff, v3  }
0x2f3: {  	v3 =	vld.idx.msk [tilespmem:v2+s1+$0x10 ss:$0x1], $0xffff  }
0x2f4: {  	s0 =	sadd.s32 $0x1, s0  }
0x2f5: {  	p0 =	sne.s32 s0, $0x1A  }
.Ltmp30:
0x2f6: {  	_ = 	snop;
	(pc) =	sbr.rel @p0 .LBB2_60-.Ltmp30, $3  }
0x2f7: {  	_ = 	snop  }
0x2f8: {  	v3 =	vadd.f32 v3, v4;
	_ =	sdelay $0x1  }
0x2f9: {  	s2 =	sadd.s32 $0x20, s2;
	[tilespmem:v2+s1+$0x10 ss:$0x1] =	vst.idx.msk $0xffff, v3  }
0x2fa: {  	s0 =	simm.s32 $0x0;
	s1 =	rddreg [dreg:$0x14]  }
0x2fb: {  	[hbm4b:s1+s0] =	stream.linear.scatter [tilespmem:s11], [sflag:$0x3], $0x6800, $0x38;
	[tilespmem:$0x10810] =	vst v63  }
0x2fc: {  	_ =	swait.ge [sflag:s13], $0x6800  }
0x2fd: {  	[sflag:s13] =	ssyncset.done $0x0  }
0x2fe: {  	s2 =	simm.s32 $0xA010;
	[sflag:s13] =	ssyncadd.s32 $0xFFFF9800  }
.LBB2_64:
0x2ff: {  	v2 =	vmov s2;
	_ =	sdelay $0x1  }
0x300: {  	s1 =	sshll.u32 s0, $0x5  }
0x301: {  	s1 =	sand.u32 $0x3FFFFFE0, s1  }
0x302: {  	s4 =	simm.s32 $0x0;
	v3 =	vld [tilespmem:s1+$0x34D0]  }
0x303: {  	v4 =	vld.idx.msk [tilespmem:v2+s4+$0x0 ss:$0x1], $0xffff;
	_ =	sdelay $0x4  }
0x304: {  	v5 =	vadd.f32 v4, v3;
	_ =	sdelay $0x1  }
0x305: {  	v4 =	vld [tilespmem:s1+$0x34E0];
	[tilespmem:v2+s4+$0x0 ss:$0x1] =	vst.idx.msk $0xffff, v5  }
0x306: {  	v5 =	vld.idx.msk [tilespmem:v2+s4+$0x10 ss:$0x1], $0xffff;
	_ =	sdelay $0x4  }
0x307: {  	s5 =	simm.s32 $0xD00;
	s6 =	simm.s32 $0x1A00;
	v5 =	vadd.f32 v5, v4  }
.LBB2_65:
0x308: {  	p0 =	sne.s32 s6, $0x19300  }
0x309: {  	[tilespmem:v2+s4+$0x10 ss:$0x1] =	vst.idx.msk $0xffff, v5;
	s4 =	sshra.s32 s5, $0x2;
	s5 =	smov.u32 s6;
	s6 =	sadd.s32 $0xD00, s6  }
0x30a: {  	v5 =	vld.idx.msk [tilespmem:v2+s4+$0x0 ss:$0x1], $0xffff;
	_ =	sdelay $0x5  }
0x30b: {  	v5 =	vadd.f32 v5, v3;
	_ =	sdelay $0x1  }
0x30c: {  	[tilespmem:v2+s4+$0x0 ss:$0x1] =	vst.idx.msk $0xffff, v5  }
0x30d: {  	v5 =	vld.idx.msk [tilespmem:v2+s4+$0x10 ss:$0x1], $0xffff;
	_ =	sdelay $0x1  }
.Ltmp31:
0x30e: {  	(pc) =	sbr.rel @p0 .LBB2_65-.Ltmp31, $2  }
0x30f: {  	_ =	sdelay $0x2  }
0x310: {  	v5 =	vadd.f32 v5, v4  }
0x311: {  	_ =	sdelay $0x3  }
0x312: {  	s1 =	sshra.s32 s5, $0x2;
	[tilespmem:v2+s4+$0x10 ss:$0x1] =	vst.idx.msk $0xffff, v5  }
0x313: {  	v5 =	vld.idx.msk [tilespmem:v2+s1+$0x0 ss:$0x1], $0xffff;
	_ =	sdelay $0x4  }
0x314: {  	v3 =	vadd.f32 v5, v3;
	_ =	sdelay $0x1  }
0x315: {  	[tilespmem:v2+s1+$0x0 ss:$0x1] =	vst.idx.msk $0xffff, v3  }
0x316: {  	v3 =	vld.idx.msk [tilespmem:v2+s1+$0x10 ss:$0x1], $0xffff  }
0x317: {  	s0 =	sadd.s32 $0x1, s0  }
0x318: {  	p0 =	sne.s32 s0, $0x1A  }
.Ltmp32:
0x319: {  	_ = 	snop;
	(pc) =	sbr.rel @p0 .LBB2_64-.Ltmp32, $3  }
0x31a: {  	_ = 	snop  }
0x31b: {  	v3 =	vadd.f32 v3, v4;
	_ =	sdelay $0x1  }
0x31c: {  	s2 =	sadd.s32 $0x20, s2;
	[tilespmem:v2+s1+$0x10 ss:$0x1] =	vst.idx.msk $0xffff, v3  }
0x31d: {  	s0 =	rddreg [dreg:$0x15]  }
0x31e: {  	[hbm4b:s0+s7] =	stream.linear.scatter [tilespmem:s9], [sflag:$0x4], $0x6800, $0x38;
	[tilespmem:$0x10810] =	vst v63  }
0x31f: {  	_ =	swait.ge [sflag:s12], $0x6800  }
0x320: {  	[sflag:s12] =	ssyncset.done $0x0  }
0x321: {  	[sflag:s12] =	ssyncadd.s32 $0xFFFF9800  }
0x322: {  	_ =	swait.ge [sflag:s26], $0x6800  }
0x323: {  	s1 =	rddreg [dreg:$0x17]  }
0x324: {  	s31 =	rddreg [dreg:$0x16];
	s1 =	sadd.s32 $0x1, s1  }
0x325: {  	p0 =	sne.s32 s1, s31  }
.Ltmp33:
0x326: {  	_ = 	snop;
	(pc) =	sbr.rel @p0 .LBB2_1-.Ltmp33, $3  }
0x327: {  	_ =	sdelay $0x1  }
0x328: {  	[sflag:s26] =	ssyncset.done $0x0  }
0x329: {  	[sflag:s26] =	ssyncadd.s32 $0xFFFF9800  }
0x32a: {  	_ =	sfence.sel $0x180000  }
0x32b: {  	[bflag:$0x0] =	sbarrier.arrive $0xFFFF  }
0x32c: {  	_ =	strace $0x90000047  }
0x32d: {  	s0 =	stileid.u32;
	[bflag:$0x2] =	sbarrier.arrive $0xFFFF  }
0x32e: {  	p0 =	sne.s32 s0, $0x0;
	s0 =	rddreg [dreg:$0x2]  }
0x32f: {  	s0 =	sadd.s32 @!p0 $0x100000, s0  }
0x330: {  	[sflag:s0] =	ssyncadd.tile.s32 @!p0 $0x1;
	_ =	shalt  }
.Lfunc_end2:
_tile_overlayer_lowered:
.L_overlay_start_2:
0x331: {  	(tag) =	ssettag $0x2  }
0x332: {  	s0 =	rddreg [dreg:$0x0];
	s2 =	stileid.u32  }
0x333: {  	s1 =	rddreg [dreg:$0x1];
	p0 =	sne.s32 s2, $0x0  }
0x334: {  	s3 =	rddreg [dreg:$0x2];
	[bflag:$0x3] =	sbarrier.arrive $0xFFFF;
	s2 =	simm.s32 @!p0 $0x1C05  }
0x335: {  	[timem:s3], [sflag:s2] =	dma.local @!p0 [hbm:s0], s1  }
0x336: {  	s0 =	simm.s32 @!p0 $0x5  }
0x337: {  	_ =	swait.ge @!p0 [sflag:s0], s1  }
0x338: {  	s1 =	ssub.s32 @!p0 $0x0, s1;
	[sflag:s0] =	ssyncset.done @!p0 $0x0  }
0x339: {  	[sflag:s0] =	ssyncadd.s32 @!p0 s1  }
0x33a: {  	[bflag:$0x3] =	sbarrier.arrive $0xFFFF  }
0x33b: {  	_ =	shalt  }

// kernel: sparse-core-data-format-call.cloned.1.call-start
scs
called_computation_lowered:
.L_overlay_start_0:
0x0: {  	s2 =	sld [smem:$0x3FD9]  }
0x1: {  	s3 =	sld [smem:$0x3FFE];
	_ =	sdelay $0x1  }
0x2: {  	s1 =	srdreg.scid  }
0x3: {  	s0 =	sand.u32 $0x1, s1  }
0x4: {  	s18 =	sshll.u32 s0, $0xA;
	s2 =	sadd.s32 s3, s2  }
0x5: {  	s2 =	sadd.s32 s2, s18  }
0x6: {  	[smem:$0x3FC5] =	sst s2  }
0x7: {  	_ = 	snop  }
0x8: {  	s2 =	sld [smem:$0x3FD0];
	(tm) =	ssettm $0x1  }
0x9: {  	s19 =	sld [smem:$0x3FFB];
	_ =	sdelay $0x3  }
0xa: {  	_ =	strace s19  }
0xb: {  	s3 =	sld [smem:$0x3FFC];
	_ =	sdelay $0x3  }
0xc: {  	_ =	strace s3  }
0xd: {  	s3 =	sld [smem:$0x3FFD];
	_ =	sdelay $0x3  }
0xe: {  	_ =	strace s3  }
0xf: {  	_ =	strace $0x8FFFFFFF  }
0x10: {  	s20 =	sld [smem:$0x3FDB];
	_ =	sdelay $0x1  }
0x11: {  	s4 =	simm.s32 $_scs_section_size  }
0x12: {  	s5 =	simm.s32 $_size__tile_overlayer_lowered;
	s6 =	simm.s32 $_tile_overlayer_lowered  }
0x13: {  	s23 =	simm.s32 $0x1BFF;
	s22 =	sshll.u32 s6, $0x1;
	s3 =	sadd.s32 s4, s20  }
0x14: {  	s7 =	simm.s32 $0x0;
	s21 =	sshll.u32 s5, $0x1;
	s5 =	sadd.s32 s22, s3  }
0x15: {  	[timem:s7], [sflag:s23] =	dma.local [hbm:s5], s21  }
0x16: {  	_ =	swait.ge [sflag:s23], s21  }
0x17: {  	s4 =	ssub.s32 $0x0, s21;
	[sflag:s23] =	ssyncset.done $0x0  }
0x18: {  	[sflag:s23] =	ssyncadd.s32 s4;
	_ =	sdelay $0x1  }
0x19: {  	s24 =	simm.s32 $0x1B8B  }
0x1a: {  	_ =	swait.ge [sflag:s24], $0x1  }
0x1b: {  	[sflag:s24] =	ssyncset.done $0x0  }
0x1c: {  	s26 =	simm.s32 $0x1B8E;
	s25 =	sld [smem:$0x3FFE];
	[sflag:s24] =	ssyncadd.s32 $0xFFFFFFFF  }
0x1d: {  	s27 =	simm.s32 $execute0_lowered;
	[smem:$0x3FD2] =	sst s26  }
0x1e: {  	s5 =	sshll.u32 s27, $0x1;
	_ =	strace $0x80000049;
	[dreg:$0x1] =	wrdreg $0xFFFFFFFF  }
0x1f: {  	s28 =	simm.s32 $_size_execute0_lowered;
	s3 =	sadd.s32 s3, s5;
	[dreg:$0x0] =	wrdreg $0x0  }
0x20: {  	s5 =	sshll.u32 s28, $0x1;
	[dreg:$0x2] =	wrdreg s3  }
0x21: {  	[dreg:$0x3] =	wrdreg s5  }
0x22: {  	[dreg:$0x4] =	wrdreg $0xC0  }
0x23: {  	_ =	task [dreg:s7], $0x5FFFF  }
0x24: {  	[dreg:$0x1] =	wrdreg $0xFFFFFFFF  }
0x25: {  	[dreg:$0x0] =	wrdreg $0x60  }
0x26: {  	[dreg:$0x2] =	wrdreg s25  }
0x27: {  	[dreg:$0x3] =	wrdreg s2  }
0x28: {  	[dreg:$0x4] =	wrdreg $0x9  }
0x29: {  	_ =	task.clear_ibuf [dreg:s7], $0x5FFFF;
	_ =	strace $0x90000049  }
0x2a: {  	s29 =	simm.s32 $0x9;
	_ =	strace $0x8000004B  }
0x2b: {  	_ =	swait.ge [sflag:s29], $0x1  }
0x2c: {  	[sflag:s29] =	ssyncadd.s32 $0xFFFFFFFF  }
0x2d: {  	_ =	strace $0x9000004B  }
0x2e: {  	_ =	sfence  }
0x2f: {  	s30 =	sld [smem:$0x0];
	_ =	sdelay $0x2  }
0x30: {  	s31 =	sshll.u32 s1, $0xD;
	s1 =	sshrl.u32 s1, $0x2  }
0x31: {  	s3 =	sand.u32 $0x4000, s31;
	s1 =	sadd.s32 s1, s30  }
0x32: {  	s0 =	sor.u32 s3, s0;
	s1 =	sshll.u32 s1, $0x11  }
0x33: {  	s0 =	sor.u32 s1, s0  }
0x34: {  	s0 =	sadd.s32 $0x8F2B, s0  }
0x35: {  	[sflag:s0] =	ssyncadd.remote.s32 $0x1  }
0x36: {  	_ =	sfence.sel $0xFFFF  }
0x37: {  	[dreg:$0x0] =	wrdreg $0xFFFFFFFF;
	(pc) =	sbr.abs _section_cstart, $3  }
0x38: {  	[dreg:$0x1] =	wrdreg $0xFFFFFFFF  }
0x39: {  	_ =	task.clear_ibuf [dreg:s7], $0x2FFFF;
	_ =	strace $0x9FFFFFFF  }
0x3a: {  	(tm) =	ssettm $0x7FFFFFFF  }
0x3b: {  	_ =	shalt  }
tec
execute0_lowered:
.L_overlay_start_1:
0x0: {  	(tag) =	ssettag $0x1  }
0x1: {  	s0 =	srdreg.scid  }
0x2: {  	s1 =	sshll.u32 s0, $0x4  }
0x3: {  	s0 =	stileid.u32;
	s1 =	sand.u32 $0x10, s1  }
0x4: {  	s1 =	sor.u32 s0, s1  }
0x5: {  	s6 =	rddreg [dreg:$0x0];
	s4 =	simm.s32 $0x1;
	s2 =	sshll.u32 s1, $0x7  }
0x6: {  	s7 =	simm.s32 $0x2;
	s12 =	simm.s32 $0x0;
	s1 =	ssub.s32 $0x4000, s2  }
0x7: {  	s8 =	simm.s32 $0x20000;
	s13 =	simm.s32 $0x0;
	s3 =	sand.u32 $0xF80, s1  }
0x8: {  	s9 =	simm.s32 $0x0;
	s5 =	sshrl.u32 s1, $0xC;
	p0 =	sne.s32 s3, $0x0  }
.Ltmp0:
0x9: {  	s1 =	rddreg [dreg:$0x2];
	s4 =	simm.s32 @!p0 $0x0;
	(pc) =	sbr.rel .LBB1_1-.Ltmp0, $4  }
0xa: {  	s11 =	simm.s32 $0x0;
	s3 =	rddreg [dreg:$0x1];
	s5 =	sadd.s32 s4, s5  }
0xb: {  	_ =	strace $0x8000004A;
	s4 =	simm.s32 $0x1;
	s5 =	smul.u32 $0x1A, s5  }
0xc: {  	s6 =	sadd.s32 $0xA00, s6;
	s10 =	smov.u32 s2;
	[sflag:s4] =	ssyncpa.u1 $0x0  }
0xd: {  	p0 =	por $0x0, $0x0;
	[sflag:s7] =	ssyncpa.u1 $0x0;
	s7 =	sor.u32 $0x1, s5  }
.LBB1_4:
0xe: {  	s16 =	sshll.u32 s13, $0x3;
	s17 =	sand.u32 $0x78, s13  }
0xf: {  	s30 =	sand.u32 $0xF800, s13;
	s12 =	sshll.u32 s12, $0x10;
	s16 =	sand.u32 $0x3C00, s16  }
0x10: {  	s31 =	sand.u32 $0x7, s13;
	s16 =	sor.u32 s17, s16;
	s17 =	sadd.s32 s3, s30  }
0x11: {  	s13 =	sshll.u32 s31, $0x12;
	s16 =	sshrl.u32 s16, $0x3;
	s12 =	sadd.s32 s12, s17  }
0x12: {  	[tilespmem:s15+$0x0 ss:$0x81] =	vst.msk $0xffff, v0;
	s13 =	sor.u32 $0x400, s13;
	s12 =	sadd.s32 s16, s12  }
0x13: {  	[hbm4b:s12+s13] =	stream.strided.scatter [tilespmem:s14], [sflag:$0x2], $0x1000, s8, s13, $0x20;
	[tilespmem:$0x4040] =	vst v63  }
.LBB1_5:
0x14: {  	s14 =	sadd.s32 $0x1, s9  }
0x15: {  	s12 =	sadd.s32 $0x1000, s10;
	s16 =	smov.u32 s10;
	p2 =	sgt.s32 s14, $0x19  }
0x16: {  	s16 =	smov.u32 @p2 s12  }
0x17: {  	s14 =	simm.s32 @p2 $0x0;
	p2 =	sgt.s32 s16, $0x3FFF  }
0x18: {  	s16 =	smov.u32 @p2 s2;
	p2 =	sne.s32 s11, s7  }
.Ltmp1:
0x19: {  	p1 =	slt.u32 s11, $0x2;
	(pc) =	sbr.rel @!p2 .LBB1_6-.Ltmp1, $4  }
0x1a: {  	s15 =	simm.s32 @!p1 $0x2  }
0x1b: {  	s13 =	smov.u32 s10;
	p0 =	por !p0, !p0;
	_ =	swait.ge @!p1 [sflag:s15], $0x1000  }
0x1c: {  	s12 =	smov.u32 s9;
	[sflag:s15] =	ssyncset.done @!p1 $0x0;
	s9 =	smov.u32 s14  }
0x1d: {  	s11 =	sadd.s32 $0x1, s11;
	[sflag:s15] =	ssyncadd.s32 @!p1 $0xFFFFF000;
	s10 =	smov.u32 s16  }
.LBB1_1:
0x1e: {  	p1 =	sge.u32 s11, s5  }
0x1f: {  	s31 =	sadd.s32 $0xFFFFFFFF, s11;
	s14 =	sxor.u32 @!p1 $0xFFFFFFFF, s11  }
0x20: {  	s15 =	sshll.u32 @!p1 s10, $0x9;
	s16 =	sshll.u32 @!p1 s9, $0x4;
	s17 =	simm.s32 @!p1 $0x1000  }
0x21: {  	s14 =	sshll.u32 @!p1 s14, $0xC;
	s16 =	sand.u32 @!p1 $0x1F0, s16;
	s15 =	sadd.s32 @!p1 s6, s15  }
0x22: {  	s14 =	sand.u32 @!p1 $0x1000, s14;
	s15 =	sadd.s32 @!p1 s16, s15;
	s16 =	simm.s32 @!p1 $0x20  }
0x23: {  	[tilespmem:s14], [sflag:$0x1] =	stream.strided.gather @!p1 [hbm4b:s15+s16], $0x1000, s17, s16, $0x38;
	[tilespmem:$0x4040] =	vst v63  }
0x24: {  	p1 =	sge.u32 s31, s5  }
.Ltmp2:
0x25: {  	_ = 	snop;
	(pc) =	sbr.rel @p1 .LBB1_5-.Ltmp2, $1  }
0x26: {  	_ =	sdelay $0x3  }
0x27: {  	s14 =	simm.s32 $0x1  }
0x28: {  	_ =	swait.ge [sflag:s4], $0x1000;
	s14 =	simm.s32 @!p0 $0x0  }
0x29: {  	[sflag:s4] =	ssyncset.done $0x0;
	s15 =	sshll.u32 s14, $0xC  }
0x2a: {  	[sflag:s4] =	ssyncadd.s32 $0xFFFFF000;
	s18 =	sor.u32 $0x10, s15  }
0x2b: {  	s14 =	smul.u32 $0x4080, s14;
	v1 =	vld [tilespmem:s18+$0x0]  }
0x2c: {  	s30 =	sand.u32 $0x1, s11;
	v0 =	vld [tilespmem:s18+$0xFFFFFFF0]  }
0x2d: {  	s15 =	smul.u32 $0x4080, s30;
	s14 =	sshrl.u32 s14, $0x2  }
0x2e: {  	s16 =	sor.u32 $0x2000, s14  }
0x2f: {  	s31 =	sshrl.u32 s15, $0x2;
	s15 =	sadd.s32 $0x0, s16  }
0x30: {  	s17 =	simm.s32 $0x4;
	s18 =	sadd.s32 $0x20, s18;
	s14 =	sor.u32 $0x2000, s31;
	[tilespmem:s15+$0x810 ss:$0x81] =	vst.msk $0xffff, v1  }
.LBB1_3:
0x31: {  	v1 =	vld [tilespmem:s18+$0x0];
	p1 =	sne.s32 s17, $0x1FC;
	[tilespmem:s15+$0x0 ss:$0x81] =	vst.msk $0xffff, v0;
	s15 =	smov.u32 s17;
	s17 =	sadd.s32 $0x4, s17  }
.Ltmp3:
0x32: {  	v0 =	vld [tilespmem:s18+$0xFFFFFFF0];
	(pc) =	sbr.rel @p1 .LBB1_3-.Ltmp3, $4  }
0x33: {  	_ = 	snop  }
0x34: {  	s15 =	sshra.s32 s15, $0x2  }
0x35: {  	s15 =	sadd.s32 s15, s16  }
0x36: {  	s18 =	sadd.s32 $0x20, s18;
	[tilespmem:s15+$0x810 ss:$0x81] =	vst.msk $0xffff, v1  }
.Ltmp4:
0x37: {  	_ = 	snop;
	(pc) =	sbr.rel .LBB1_4-.Ltmp4, $1  }
0x38: {  	_ =	sdelay $0x3  }
.LBB1_6:
0x39: {  	_ =	sfence.sel $0x180000  }
0x3a: {  	s2 =	simm.s32 $0x1;
	[bflag:$0x0] =	sbarrier.arrive $0xFFFF  }
0x3b: {  	s31 =	simm.s32 $0x2;
	[sflag:s2] =	ssyncpa.u1 $0x1  }
0x3c: {  	[sflag:s31] =	ssyncpa.u1 $0x1  }
0x3d: {  	p0 =	sne.s32 s0, $0x0;
	_ =	strace $0x9000004A  }
0x3e: {  	s0 =	sadd.s32 @!p0 $0x100000, s1;
	[bflag:$0x2] =	sbarrier.arrive $0xFFFF  }
0x3f: {  	[sflag:s0] =	ssyncadd.tile.s32 @!p0 $0x1;
	_ =	shalt  }
.Lfunc_end1:
_tile_overlayer_lowered:
.L_overlay_start_2:
0x40: {  	(tag) =	ssettag $0x2  }
0x41: {  	s0 =	rddreg [dreg:$0x0];
	s2 =	stileid.u32  }
0x42: {  	s1 =	rddreg [dreg:$0x1];
	p0 =	sne.s32 s2, $0x0  }
0x43: {  	s3 =	rddreg [dreg:$0x2];
	[bflag:$0x3] =	sbarrier.arrive $0xFFFF;
	s2 =	simm.s32 @!p0 $0x1C01  }
0x44: {  	[timem:s3], [sflag:s2] =	dma.local @!p0 [hbm:s0], s1  }
0x45: {  	s0 =	simm.s32 @!p0 $0x1  }
0x46: {  	_ =	swait.ge @!p0 [sflag:s0], s1  }
0x47: {  	s1 =	ssub.s32 @!p0 $0x0, s1;
	[sflag:s0] =	ssyncset.done @!p0 $0x0  }
0x48: {  	[sflag:s0] =	ssyncadd.s32 @!p0 s1  }
0x49: {  	[bflag:$0x3] =	sbarrier.arrive $0xFFFF  }
0x4a: {  	_ =	shalt  }

</sc_bundles>
